<compile_context>
chip_gen: v7x
topology: tpu7x:2x2x1
jax: 0.10.2.dev20260603
libtpu: 0.0.44.dev20260713+nightly
codegen_flags: <defaults>
</compile_context>

<pallas_src>
import functools

import jax
import jax.numpy as jnp
from jax import lax
from jax.experimental import pallas as pl
from jax.experimental.pallas import tpu as pltpu
from jax.experimental.pallas import tpu_sc as plsc

_B = 16384
_D = 64
_CHUNK = 256


def kernel(user_table, item_table, user_idx, item_idx):
    info = plsc.get_sparse_core_info()
    nw = info.num_cores * info.num_subcores
    bpw = _B // nw

    mesh = plsc.VectorSubcoreMesh(core_axis_name="c", subcore_axis_name="s")

    @functools.partial(
        pl.kernel,
        mesh=mesh,
        out_type=jax.ShapeDtypeStruct((2, _B, _D), jnp.float32),
        scratch_types=[
            pltpu.VMEM((bpw,), jnp.int32),
            pltpu.VMEM((bpw,), jnp.int32),
            pltpu.VMEM((_CHUNK, _D), jnp.float32),
            pltpu.VMEM((_CHUNK, _D), jnp.float32),
            pltpu.SemaphoreType.DMA,
            pltpu.SemaphoreType.DMA,
        ],
        compiler_params=pltpu.CompilerParams(use_tc_tiling_on_sc=True),
    )
    def _emb(ut, it, ui, ii, out, uidx_s, iidx_s, urows_v, irows_v,
             usem, isem):
        wid = lax.axis_index("s") * info.num_cores + lax.axis_index("c")
        base = wid * bpw
        pltpu.sync_copy(ui.at[pl.ds(base, bpw)], uidx_s)
        pltpu.sync_copy(ii.at[pl.ds(base, bpw)], iidx_s)

        def enqueue(tbl, idx_s, rows_v, sem, c):
            def body(g, carry):
                vec = idx_s[pl.ds(c * _CHUNK + g * 16, 16)]
                for k in range(16):
                    pltpu.async_copy(tbl.at[vec[k]], rows_v.at[g * 16 + k],
                                     sem)
                return carry
            lax.fori_loop(0, _CHUNK // 16, body, 0)

        nchunk = bpw // _CHUNK
        enqueue(ut, uidx_s, urows_v, usem, 0)
        enqueue(it, iidx_s, irows_v, isem, 0)
        for c in range(nchunk):
            pltpu.make_async_copy(ut.at[pl.ds(0, _CHUNK)], urows_v, usem).wait()
            pltpu.sync_copy(urows_v,
                            out.at[0, pl.ds(base + c * _CHUNK, _CHUNK)])
            if c + 1 < nchunk:
                enqueue(ut, uidx_s, urows_v, usem, c + 1)
            pltpu.make_async_copy(it.at[pl.ds(0, _CHUNK)], irows_v, isem).wait()
            pltpu.sync_copy(irows_v,
                            out.at[1, pl.ds(base + c * _CHUNK, _CHUNK)])
            if c + 1 < nchunk:
                enqueue(it, iidx_s, irows_v, isem, c + 1)

    return _emb(user_table, item_table,
                user_idx.astype(jnp.int32), item_idx.astype(jnp.int32))

# --- scband reference (transcript-rebuilt; emitter-appended) ---
"""Pipeline reference for scband-type-dict-node-encoder-23888608100642 (READ-ONLY COPY).

The authoritative reference and input builder live on the scoring server;
editing this copy changes nothing except your own understanding.
"""

import jax, jax.numpy as jnp
import numpy as np

NUM_NODES_USER = 100000
NUM_NODES_ITEM = 100000
DIM_EMB = 64
BATCH = 16384

def setup_inputs(seed: int = 0) -> dict:
    key = jax.random.key(seed)
    k1, k2, k3, k4 = jax.random.split(key, 4)
    user_table = jax.random.normal(k1, (NUM_NODES_USER, DIM_EMB), dtype=jnp.float32)
    item_table = jax.random.normal(k2, (NUM_NODES_ITEM, DIM_EMB), dtype=jnp.float32)
    user_idx = jax.random.randint(k3, (BATCH,), 0, NUM_NODES_USER, dtype=jnp.int64 if jax.config.jax_enable_x64 else jnp.int32)
    item_idx = jax.random.randint(k4, (BATCH,), 0, NUM_NODES_ITEM, dtype=jnp.int64 if jax.config.jax_enable_x64 else jnp.int32)
    return {"user_table": user_table, "item_table": item_table, "user_idx": user_idx, "item_idx": item_idx}

def reference(user_table, item_table, user_idx, item_idx):
    # TypeDictNodeEncoder: for each featureless node type, batch[node_type].x = Embedding(n_id)
    user_x = jnp.take(user_table, user_idx, axis=0)
    item_x = jnp.take(item_table, item_idx, axis=0)
    # stack per-type outputs (same shape) into a single array [n_types, B, dim_emb]
    return jnp.stack([user_x, item_x], axis=0)

if __name__ == "__main__":
    import jax
    _d = setup_inputs()
    print(jax.jit(kernel)(*tuple(_d.values())))

</pallas_src>

<mosaic_0001>
#map = affine_map<(d0, d1) -> (0, 0)>
#map1 = affine_map<(d0, d1) -> (0)>
#map2 = affine_map<(d0, d1) -> (0, 0, 0)>
module attributes {stable_mosaic.version = 14 : i64} {
  func.func @_emb(%arg0: i32, %arg1: i32, %arg2: memref<100000x64xf32, #tpu.memory_space<hbm>>, %arg3: memref<100000x64xf32, #tpu.memory_space<hbm>>, %arg4: memref<16384xi32, #tpu.memory_space<hbm>>, %arg5: memref<16384xi32, #tpu.memory_space<hbm>>, %arg6: memref<2x16384x64xf32, #tpu.memory_space<hbm>>, %arg7: memref<512xi32, #tpu.memory_space<vmem>>, %arg8: memref<512xi32, #tpu.memory_space<vmem>>, %arg9: memref<256x64xf32, #tpu.memory_space<vmem>>, %arg10: memref<256x64xf32, #tpu.memory_space<vmem>>, %arg11: memref<!tpu.dma_semaphore, #tpu.memory_space<semaphore_mem>>, %arg12: memref<!tpu.dma_semaphore, #tpu.memory_space<semaphore_mem>>) attributes {dimension_semantics = [#tpu.dimension_semantics<core_parallel>, #tpu.dimension_semantics<subcore_parallel>], iteration_bounds = array<i64: 2, 16>, scalar_prefetch = 0 : i64, scratch_operands = 6 : i64, tpu.core_type = #tpu.core_type<sc_vector_subcore>, window_params = [{transform_indices = #map}, {transform_indices = #map}, {transform_indices = #map1}, {transform_indices = #map1}, {transform_indices = #map2}]} {
    %mul3A = arith.constant 2 : i32
    %mul3A_0 = arith.muli %arg1, %mul3A : i32
    %add3A = arith.addi %mul3A_0, %arg0 : i32
    %mul3A_1 = arith.constant 512 : i32
    %mul3A_2 = arith.muli %add3A, %mul3A_1 : i32
    "tpu.region"() ({
      %run_scoped3A_60 = tpu.sem_alloc : memref<!tpu.dma_semaphore, #tpu.memory_space<semaphore_mem>>
      %dma_start3A = tpu.memref_slice %arg4[%mul3A_2] : memref<16384xi32, #tpu.memory_space<hbm>> -> memref<512xi32, #tpu.memory_space<hbm>>
      %dma_start3A_61 = tpu.memref_slice %arg4[%mul3A_2] : memref<16384xi32, #tpu.memory_space<hbm>> -> memref<512xi32, #tpu.memory_space<hbm>>
      tpu.enqueue_dma source(%dma_start3A_61 : memref<512xi32, #tpu.memory_space<hbm>>) target(%arg7 : memref<512xi32, #tpu.memory_space<vmem>>) target_semaphore(%run_scoped3A_60 : memref<!tpu.dma_semaphore, #tpu.memory_space<semaphore_mem>>)
      %dma_wait3A_62 = tpu.memref_slice %arg4[%mul3A_2] : memref<16384xi32, #tpu.memory_space<hbm>> -> memref<512xi32, #tpu.memory_space<hbm>>
      %dma_wait3A_63 = tpu.memref_slice %arg4[%mul3A_2] : memref<16384xi32, #tpu.memory_space<hbm>> -> memref<512xi32, #tpu.memory_space<hbm>>
      tpu.wait_dma2 semaphore(%run_scoped3A_60 : memref<!tpu.dma_semaphore, #tpu.memory_space<semaphore_mem>>) src(%dma_wait3A_63 : memref<512xi32, #tpu.memory_space<hbm>>) dst(%arg7 : memref<512xi32, #tpu.memory_space<vmem>>)
      tpu.yield
    }) : () -> ()
    "tpu.region"() ({
      %run_scoped3A_60 = tpu.sem_alloc : memref<!tpu.dma_semaphore, #tpu.memory_space<semaphore_mem>>
      %dma_start3A = tpu.memref_slice %arg5[%mul3A_2] : memref<16384xi32, #tpu.memory_space<hbm>> -> memref<512xi32, #tpu.memory_space<hbm>>
      %dma_start3A_61 = tpu.memref_slice %arg5[%mul3A_2] : memref<16384xi32, #tpu.memory_space<hbm>> -> memref<512xi32, #tpu.memory_space<hbm>>
      tpu.enqueue_dma source(%dma_start3A_61 : memref<512xi32, #tpu.memory_space<hbm>>) target(%arg8 : memref<512xi32, #tpu.memory_space<vmem>>) target_semaphore(%run_scoped3A_60 : memref<!tpu.dma_semaphore, #tpu.memory_space<semaphore_mem>>)
      %dma_wait3A_62 = tpu.memref_slice %arg5[%mul3A_2] : memref<16384xi32, #tpu.memory_space<hbm>> -> memref<512xi32, #tpu.memory_space<hbm>>
      %dma_wait3A_63 = tpu.memref_slice %arg5[%mul3A_2] : memref<16384xi32, #tpu.memory_space<hbm>> -> memref<512xi32, #tpu.memory_space<hbm>>
      tpu.wait_dma2 semaphore(%run_scoped3A_60 : memref<!tpu.dma_semaphore, #tpu.memory_space<semaphore_mem>>) src(%dma_wait3A_63 : memref<512xi32, #tpu.memory_space<hbm>>) dst(%arg8 : memref<512xi32, #tpu.memory_space<vmem>>)
      tpu.yield
    }) : () -> ()
    %scan3A = arith.constant 0 : i32
    %scan3A_3 = arith.constant 0 : i32
    %scan3A_4 = arith.constant 16 : i32
    %scan3A_5 = arith.addi %scan3A_3, %scan3A_4 : i32
    %scan3A_6 = arith.constant 1 : i32
    scf.for %scan3A_60 = %scan3A_3 to %scan3A_5 step %scan3A_6  : i32 {
      %mul3A_61 = arith.constant 16 : i32
      %mul3A_62 = arith.muli %scan3A_60, %mul3A_61 : i32
      %add3A_63 = arith.constant 0 : i32
      %add3A_64 = arith.addi %add3A_63, %mul3A_62 : i32
      %get3A = arith.index_cast %add3A_64 : i32 to index
      %get3A_65 = tpu.vector_load %arg7[%get3A] {strides = array<i32>} : memref<512xi32, #tpu.memory_space<vmem>>, vector<16xi32>,
      %get3A_66 = vector.shape_cast %get3A_65 : vector<16xi32> to vector<16xi32>
      %slice3A = vector.extract_strided_slice %get3A_66 {offsets = [0], sizes = [1], strides = [1]} : vector<16xi32> to vector<1xi32>
      %squeeze3A = vector.extract %slice3A[0] : i32 from vector<1xi32>
      %mul3A_67 = arith.constant 16 : i32
      %mul3A_68 = arith.muli %scan3A_60, %mul3A_67 : i32
      %add3A_69 = arith.constant 0 : i32
      %add3A_70 = arith.addi %mul3A_68, %add3A_69 : i32
      %dma_start3A = arith.constant 0 : i32
      %dma_start3A_71 = tpu.memref_slice %arg9[%add3A_70, %dma_start3A] : memref<256x64xf32, #tpu.memory_space<vmem>> -> memref<1x64xf32, #tpu.memory_space<vmem>>
      %dma_start3A_72 = tpu.memref_squeeze %dma_start3A_71 : memref<1x64xf32, #tpu.memory_space<vmem>> -> memref<64xf32, #tpu.memory_space<vmem>>
      %dma_start3A_73 = arith.constant 0 : i32
      %dma_start3A_74 = tpu.memref_slice %arg2[%squeeze3A, %dma_start3A_73] : memref<100000x64xf32, #tpu.memory_space<hbm>> -> memref<1x64xf32, #tpu.memory_space<hbm>>
      %dma_start3A_75 = tpu.memref_squeeze %dma_start3A_74 : memref<1x64xf32, #tpu.memory_space<hbm>> -> memref<64xf32, #tpu.memory_space<hbm>>
      %dma_start3A_76 = arith.constant 0 : i32
      %dma_start3A_77 = tpu.memref_slice %arg9[%add3A_70, %dma_start3A_76] : memref<256x64xf32, #tpu.memory_space<vmem>> -> memref<1x64xf32, #tpu.memory_space<vmem>>
      %dma_start3A_78 = tpu.memref_squeeze %dma_start3A_77 : memref<1x64xf32, #tpu.memory_space<vmem>> -> memref<64xf32, #tpu.memory_space<vmem>>
      %dma_start3A_79 = arith.constant 0 : i32
      %dma_start3A_80 = tpu.memref_slice %arg2[%squeeze3A, %dma_start3A_79] : memref<100000x64xf32, #tpu.memory_space<hbm>> -> memref<1x64xf32, #tpu.memory_space<hbm>>
      %dma_start3A_81 = tpu.memref_squeeze %dma_start3A_80 : memref<1x64xf32, #tpu.memory_space<hbm>> -> memref<64xf32, #tpu.memory_space<hbm>>
      tpu.enqueue_dma source(%dma_start3A_81 : memref<64xf32, #tpu.memory_space<hbm>>) target(%dma_start3A_78 : memref<64xf32, #tpu.memory_space<vmem>>) target_semaphore(%arg11 : memref<!tpu.dma_semaphore, #tpu.memory_space<semaphore_mem>>)
      %slice3A_82 = vector.extract_strided_slice %get3A_66 {offsets = [1], sizes = [1], strides = [1]} : vector<16xi32> to vector<1xi32>
      %squeeze3A_83 = vector.extract %slice3A_82[0] : i32 from vector<1xi32>
      %mul3A_84 = arith.constant 16 : i32
      %mul3A_85 = arith.muli %scan3A_60, %mul3A_84 : i32
      %add3A_86 = arith.constant 1 : i32
      %add3A_87 = arith.addi %mul3A_85, %add3A_86 : i32
      %dma_start3A_88 = arith.constant 0 : i32
      %dma_start3A_89 = tpu.memref_slice %arg9[%add3A_87, %dma_start3A_88] : memref<256x64xf32, #tpu.memory_space<vmem>> -> memref<1x64xf32, #tpu.memory_space<vmem>>
      %dma_start3A_90 = tpu.memref_squeeze %dma_start3A_89 : memref<1x64xf32, #tpu.memory_space<vmem>> -> memref<64xf32, #tpu.memory_space<vmem>>
      %dma_start3A_91 = arith.constant 0 : i32
      %dma_start3A_92 = tpu.memref_slice %arg2[%squeeze3A_83, %dma_start3A_91] : memref<100000x64xf32, #tpu.memory_space<hbm>> -> memref<1x64xf32, #tpu.memory_space<hbm>>
      %dma_start3A_93 = tpu.memref_squeeze %dma_start3A_92 : memref<1x64xf32, #tpu.memory_space<hbm>> -> memref<64xf32, #tpu.memory_space<hbm>>
      %dma_start3A_94 = arith.constant 0 : i32
      %dma_start3A_95 = tpu.memref_slice %arg9[%add3A_87, %dma_start3A_94] : memref<256x64xf32, #tpu.memory_space<vmem>> -> memref<1x64xf32, #tpu.memory_space<vmem>>
      %dma_start3A_96 = tpu.memref_squeeze %dma_start3A_95 : memref<1x64xf32, #tpu.memory_space<vmem>> -> memref<64xf32, #tpu.memory_space<vmem>>
      %dma_start3A_97 = arith.constant 0 : i32
      %dma_start3A_98 = tpu.memref_slice %arg2[%squeeze3A_83, %dma_start3A_97] : memref<100000x64xf32, #tpu.memory_space<hbm>> -> memref<1x64xf32, #tpu.memory_space<hbm>>
      %dma_start3A_99 = tpu.memref_squeeze %dma_start3A_98 : memref<1x64xf32, #tpu.memory_space<hbm>> -> memref<64xf32, #tpu.memory_space<hbm>>
      tpu.enqueue_dma source(%dma_start3A_99 : memref<64xf32, #tpu.memory_space<hbm>>) target(%dma_start3A_96 : memref<64xf32, #tpu.memory_space<vmem>>) target_semaphore(%arg11 : memref<!tpu.dma_semaphore, #tpu.memory_space<semaphore_mem>>)
      %slice3A_100 = vector.extract_strided_slice %get3A_66 {offsets = [2], sizes = [1], strides = [1]} : vector<16xi32> to vector<1xi32>
      %squeeze3A_101 = vector.extract %slice3A_100[0] : i32 from vector<1xi32>
      %mul3A_102 = arith.constant 16 : i32
      %mul3A_103 = arith.muli %scan3A_60, %mul3A_102 : i32
      %add3A_104 = arith.constant 2 : i32
      %add3A_105 = arith.addi %mul3A_103, %add3A_104 : i32
      %dma_start3A_106 = arith.constant 0 : i32
      %dma_start3A_107 = tpu.memref_slice %arg9[%add3A_105, %dma_start3A_106] : memref<256x64xf32, #tpu.memory_space<vmem>> -> memref<1x64xf32, #tpu.memory_space<vmem>>
      %dma_start3A_108 = tpu.memref_squeeze %dma_start3A_107 : memref<1x64xf32, #tpu.memory_space<vmem>> -> memref<64xf32, #tpu.memory_space<vmem>>
      %dma_start3A_109 = arith.constant 0 : i32
      %dma_start3A_110 = tpu.memref_slice %arg2[%squeeze3A_101, %dma_start3A_109] : memref<100000x64xf32, #tpu.memory_space<hbm>> -> memref<1x64xf32, #tpu.memory_space<hbm>>
      %dma_start3A_111 = tpu.memref_squeeze %dma_start3A_110 : memref<1x64xf32, #tpu.memory_space<hbm>> -> memref<64xf32, #tpu.memory_space<hbm>>
      %dma_start3A_112 = arith.constant 0 : i32
      %dma_start3A_113 = tpu.memref_slice %arg9[%add3A_105, %dma_start3A_112] : memref<256x64xf32, #tpu.memory_space<vmem>> -> memref<1x64xf32, #tpu.memory_space<vmem>>
      %dma_start3A_114 = tpu.memref_squeeze %dma_start3A_113 : memref<1x64xf32, #tpu.memory_space<vmem>> -> memref<64xf32, #tpu.memory_space<vmem>>
      %dma_start3A_115 = arith.constant 0 : i32
      %dma_start3A_116 = tpu.memref_slice %arg2[%squeeze3A_101, %dma_start3A_115] : memref<100000x64xf32, #tpu.memory_space<hbm>> -> memref<1x64xf32, #tpu.memory_space<hbm>>
      %dma_start3A_117 = tpu.memref_squeeze %dma_start3A_116 : memref<1x64xf32, #tpu.memory_space<hbm>> -> memref<64xf32, #tpu.memory_space<hbm>>
      tpu.enqueue_dma source(%dma_start3A_117 : memref<64xf32, #tpu.memory_space<hbm>>) target(%dma_start3A_114 : memref<64xf32, #tpu.memory_space<vmem>>) target_semaphore(%arg11 : memref<!tpu.dma_semaphore, #tpu.memory_space<semaphore_mem>>)
      %slice3A_118 = vector.extract_strided_slice %get3A_66 {offsets = [3], sizes = [1], strides = [1]} : vector<16xi32> to vector<1xi32>
      %squeeze3A_119 = vector.extract %slice3A_118[0] : i32 from vector<1xi32>
      %mul3A_120 = arith.constant 16 : i32
      %mul3A_121 = arith.muli %scan3A_60, %mul3A_120 : i32
      %add3A_122 = arith.constant 3 : i32
      %add3A_123 = arith.addi %mul3A_121, %add3A_122 : i32
      %dma_start3A_124 = arith.constant 0 : i32
      %dma_start3A_125 = tpu.memref_slice %arg9[%add3A_123, %dma_start3A_124] : memref<256x64xf32, #tpu.memory_space<vmem>> -> memref<1x64xf32, #tpu.memory_space<vmem>>
      %dma_start3A_126 = tpu.memref_squeeze %dma_start3A_125 : memref<1x64xf32, #tpu.memory_space<vmem>> -> memref<64xf32, #tpu.memory_space<vmem>>
      %dma_start3A_127 = arith.constant 0 : i32
      %dma_start3A_128 = tpu.memref_slice %arg2[%squeeze3A_119, %dma_start3A_127] : memref<100000x64xf32, #tpu.memory_space<hbm>> -> memref<1x64xf32, #tpu.memory_space<hbm>>
      %dma_start3A_129 = tpu.memref_squeeze %dma_start3A_128 : memref<1x64xf32, #tpu.memory_space<hbm>> -> memref<64xf32, #tpu.memory_space<hbm>>
      %dma_start3A_130 = arith.constant 0 : i32
      %dma_start3A_131 = tpu.memref_slice %arg9[%add3A_123, %dma_start3A_130] : memref<256x64xf32, #tpu.memory_space<vmem>> -> memref<1x64xf32, #tpu.memory_space<vmem>>
      %dma_start3A_132 = tpu.memref_squeeze %dma_start3A_131 : memref<1x64xf32, #tpu.memory_space<vmem>> -> memref<64xf32, #tpu.memory_space<vmem>>
      %dma_start3A_133 = arith.constant 0 : i32
      %dma_start3A_134 = tpu.memref_slice %arg2[%squeeze3A_119, %dma_start3A_133] : memref<100000x64xf32, #tpu.memory_space<hbm>> -> memref<1x64xf32, #tpu.memory_space<hbm>>
      %dma_start3A_135 = tpu.memref_squeeze %dma_start3A_134 : memref<1x64xf32, #tpu.memory_space<hbm>> -> memref<64xf32, #tpu.memory_space<hbm>>
      tpu.enqueue_dma source(%dma_start3A_135 : memref<64xf32, #tpu.memory_space<hbm>>) target(%dma_start3A_132 : memref<64xf32, #tpu.memory_space<vmem>>) target_semaphore(%arg11 : memref<!tpu.dma_semaphore, #tpu.memory_space<semaphore_mem>>)
      %slice3A_136 = vector.extract_strided_slice %get3A_66 {offsets = [4], sizes = [1], strides = [1]} : vector<16xi32> to vector<1xi32>
      %squeeze3A_137 = vector.extract %slice3A_136[0] : i32 from vector<1xi32>
      %mul3A_138 = arith.constant 16 : i32
      %mul3A_139 = arith.muli %scan3A_60, %mul3A_138 : i32
      %add3A_140 = arith.constant 4 : i32
      %add3A_141 = arith.addi %mul3A_139, %add3A_140 : i32
      %dma_start3A_142 = arith.constant 0 : i32
      %dma_start3A_143 = tpu.memref_slice %arg9[%add3A_141, %dma_start3A_142] : memref<256x64xf32, #tpu.memory_space<vmem>> -> memref<1x64xf32, #tpu.memory_space<vmem>>
      %dma_start3A_144 = tpu.memref_squeeze %dma_start3A_143 : memref<1x64xf32, #tpu.memory_space<vmem>> -> memref<64xf32, #tpu.memory_space<vmem>>
      %dma_start3A_145 = arith.constant 0 : i32
      %dma_start3A_146 = tpu.memref_slice %arg2[%squeeze3A_137, %dma_start3A_145] : memref<100000x64xf32, #tpu.memory_space<hbm>> -> memref<1x64xf32, #tpu.memory_space<hbm>>
      %dma_start3A_147 = tpu.memref_squeeze %dma_start3A_146 : memref<1x64xf32, #tpu.memory_space<hbm>> -> memref<64xf32, #tpu.memory_space<hbm>>
      %dma_start3A_148 = arith.constant 0 : i32
      %dma_start3A_149 = tpu.memref_slice %arg9[%add3A_141, %dma_start3A_148] : memref<256x64xf32, #tpu.memory_space<vmem>> -> memref<1x64xf32, #tpu.memory_space<vmem>>
      %dma_start3A_150 = tpu.memref_squeeze %dma_start3A_149 : memref<1x64xf32, #tpu.memory_space<vmem>> -> memref<64xf32, #tpu.memory_space<vmem>>
      %dma_start3A_151 = arith.constant 0 : i32
      %dma_start3A_152 = tpu.memref_slice %arg2[%squeeze3A_137, %dma_start3A_151] : memref<100000x64xf32, #tpu.memory_space<hbm>> -> memref<1x64xf32, #tpu.memory_space<hbm>>
      %dma_start3A_153 = tpu.memref_squeeze %dma_start3A_152 : memref<1x64xf32, #tpu.memory_space<hbm>> -> memref<64xf32, #tpu.memory_space<hbm>>
      tpu.enqueue_dma source(%dma_start3A_153 : memref<64xf32, #tpu.memory_space<hbm>>) target(%dma_start3A_150 : memref<64xf32, #tpu.memory_space<vmem>>) target_semaphore(%arg11 : memref<!tpu.dma_semaphore, #tpu.memory_space<semaphore_mem>>)
      %slice3A_154 = vector.extract_strided_slice %get3A_66 {offsets = [5], sizes = [1], strides = [1]} : vector<16xi32> to vector<1xi32>
      %squeeze3A_155 = vector.extract %slice3A_154[0] : i32 from vector<1xi32>
      %mul3A_156 = arith.constant 16 : i32
      %mul3A_157 = arith.muli %scan3A_60, %mul3A_156 : i32
      %add3A_158 = arith.constant 5 : i32
      %add3A_159 = arith.addi %mul3A_157, %add3A_158 : i32
      %dma_start3A_160 = arith.constant 0 : i32
      %dma_start3A_161 = tpu.memref_slice %arg9[%add3A_159, %dma_start3A_160] : memref<256x64xf32, #tpu.memory_space<vmem>> -> memref<1x64xf32, #tpu.memory_space<vmem>>
      %dma_start3A_162 = tpu.memref_squeeze %dma_start3A_161 : memref<1x64xf32, #tpu.memory_space<vmem>> -> memref<64xf32, #tpu.memory_space<vmem>>
      %dma_start3A_163 = arith.constant 0 : i32
      %dma_start3A_164 = tpu.memref_slice %arg2[%squeeze3A_155, %dma_start3A_163] : memref<100000x64xf32, #tpu.memory_space<hbm>> -> memref<1x64xf32, #tpu.memory_space<hbm>>
      %dma_start3A_165 = tpu.memref_squeeze %dma_start3A_164 : memref<1x64xf32, #tpu.memory_space<hbm>> -> memref<64xf32, #tpu.memory_space<hbm>>
      %dma_start3A_166 = arith.constant 0 : i32
      %dma_start3A_167 = tpu.memref_slice %arg9[%add3A_159, %dma_start3A_166] : memref<256x64xf32, #tpu.memory_space<vmem>> -> memref<1x64xf32, #tpu.memory_space<vmem>>
      %dma_start3A_168 = tpu.memref_squeeze %dma_start3A_167 : memref<1x64xf32, #tpu.memory_space<vmem>> -> memref<64xf32, #tpu.memory_space<vmem>>
      %dma_start3A_169 = arith.constant 0 : i32
      %dma_start3A_170 = tpu.memref_slice %arg2[%squeeze3A_155, %dma_start3A_169] : memref<100000x64xf32, #tpu.memory_space<hbm>> -> memref<1x64xf32, #tpu.memory_space<hbm>>
      %dma_start3A_171 = tpu.memref_squeeze %dma_start3A_170 : memref<1x64xf32, #tpu.memory_space<hbm>> -> memref<64xf32, #tpu.memory_space<hbm>>
      tpu.enqueue_dma source(%dma_start3A_171 : memref<64xf32, #tpu.memory_space<hbm>>) target(%dma_start3A_168 : memref<64xf32, #tpu.memory_space<vmem>>) target_semaphore(%arg11 : memref<!tpu.dma_semaphore, #tpu.memory_space<semaphore_mem>>)
      %slice3A_172 = vector.extract_strided_slice %get3A_66 {offsets = [6], sizes = [1], strides = [1]} : vector<16xi32> to vector<1xi32>
      %squeeze3A_173 = vector.extract %slice3A_172[0] : i32 from vector<1xi32>
      %mul3A_174 = arith.constant 16 : i32
      %mul3A_175 = arith.muli %scan3A_60, %mul3A_174 : i32
      %add3A_176 = arith.constant 6 : i32
      %add3A_177 = arith.addi %mul3A_175, %add3A_176 : i32
      %dma_start3A_178 = arith.constant 0 : i32
      %dma_start3A_179 = tpu.memref_slice %arg9[%add3A_177, %dma_start3A_178] : memref<256x64xf32, #tpu.memory_space<vmem>> -> memref<1x64xf32, #tpu.memory_space<vmem>>
      %dma_start3A_180 = tpu.memref_squeeze %dma_start3A_179 : memref<1x64xf32, #tpu.memory_space<vmem>> -> memref<64xf32, #tpu.memory_space<vmem>>
      %dma_start3A_181 = arith.constant 0 : i32
      %dma_start3A_182 = tpu.memref_slice %arg2[%squeeze3A_173, %dma_start3A_181] : memref<100000x64xf32, #tpu.memory_space<hbm>> -> memref<1x64xf32, #tpu.memory_space<hbm>>
      %dma_start3A_183 = tpu.memref_squeeze %dma_start3A_182 : memref<1x64xf32, #tpu.memory_space<hbm>> -> memref<64xf32, #tpu.memory_space<hbm>>
      %dma_start3A_184 = arith.constant 0 : i32
      %dma_start3A_185 = tpu.memref_slice %arg9[%add3A_177, %dma_start3A_184] : memref<256x64xf32, #tpu.memory_space<vmem>> -> memref<1x64xf32, #tpu.memory_space<vmem>>
      %dma_start3A_186 = tpu.memref_squeeze %dma_start3A_185 : memref<1x64xf32, #tpu.memory_space<vmem>> -> memref<64xf32, #tpu.memory_space<vmem>>
      %dma_start3A_187 = arith.constant 0 : i32
      %dma_start3A_188 = tpu.memref_slice %arg2[%squeeze3A_173, %dma_start3A_187] : memref<100000x64xf32, #tpu.memory_space<hbm>> -> memref<1x64xf32, #tpu.memory_space<hbm>>
      %dma_start3A_189 = tpu.memref_squeeze %dma_start3A_188 : memref<1x64xf32, #tpu.memory_space<hbm>> -> memref<64xf32, #tpu.memory_space<hbm>>
      tpu.enqueue_dma source(%dma_start3A_189 : memref<64xf32, #tpu.memory_space<hbm>>) target(%dma_start3A_186 : memref<64xf32, #tpu.memory_space<vmem>>) target_semaphore(%arg11 : memref<!tpu.dma_semaphore, #tpu.memory_space<semaphore_mem>>)
      %slice3A_190 = vector.extract_strided_slice %get3A_66 {offsets = [7], sizes = [1], strides = [1]} : vector<16xi32> to vector<1xi32>
      %squeeze3A_191 = vector.extract %slice3A_190[0] : i32 from vector<1xi32>
      %mul3A_192 = arith.constant 16 : i32
      %mul3A_193 = arith.muli %scan3A_60, %mul3A_192 : i32
      %add3A_194 = arith.constant 7 : i32
      %add3A_195 = arith.addi %mul3A_193, %add3A_194 : i32
      %dma_start3A_196 = arith.constant 0 : i32
      %dma_start3A_197 = tpu.memref_slice %arg9[%add3A_195, %dma_start3A_196] : memref<256x64xf32, #tpu.memory_space<vmem>> -> memref<1x64xf32, #tpu.memory_space<vmem>>
      %dma_start3A_198 = tpu.memref_squeeze %dma_start3A_197 : memref<1x64xf32, #tpu.memory_space<vmem>> -> memref<64xf32, #tpu.memory_space<vmem>>
      %dma_start3A_199 = arith.constant 0 : i32
      %dma_start3A_200 = tpu.memref_slice %arg2[%squeeze3A_191, %dma_start3A_199] : memref<100000x64xf32, #tpu.memory_space<hbm>> -> memref<1x64xf32, #tpu.memory_space<hbm>>
      %dma_start3A_201 = tpu.memref_squeeze %dma_start3A_200 : memref<1x64xf32, #tpu.memory_space<hbm>> -> memref<64xf32, #tpu.memory_space<hbm>>
      %dma_start3A_202 = arith.constant 0 : i32
      %dma_start3A_203 = tpu.memref_slice %arg9[%add3A_195, %dma_start3A_202] : memref<256x64xf32, #tpu.memory_space<vmem>> -> memref<1x64xf32, #tpu.memory_space<vmem>>
      %dma_start3A_204 = tpu.memref_squeeze %dma_start3A_203 : memref<1x64xf32, #tpu.memory_space<vmem>> -> memref<64xf32, #tpu.memory_space<vmem>>
      %dma_start3A_205 = arith.constant 0 : i32
      %dma_start3A_206 = tpu.memref_slice %arg2[%squeeze3A_191, %dma_start3A_205] : memref<100000x64xf32, #tpu.memory_space<hbm>> -> memref<1x64xf32, #tpu.memory_space<hbm>>
      %dma_start3A_207 = tpu.memref_squeeze %dma_start3A_206 : memref<1x64xf32, #tpu.memory_space<hbm>> -> memref<64xf32, #tpu.memory_space<hbm>>
      tpu.enqueue_dma source(%dma_start3A_207 : memref<64xf32, #tpu.memory_space<hbm>>) target(%dma_start3A_204 : memref<64xf32, #tpu.memory_space<vmem>>) target_semaphore(%arg11 : memref<!tpu.dma_semaphore, #tpu.memory_space<semaphore_mem>>)
      %slice3A_208 = vector.extract_strided_slice %get3A_66 {offsets = [8], sizes = [1], strides = [1]} : vector<16xi32> to vector<1xi32>
      %squeeze3A_209 = vector.extract %slice3A_208[0] : i32 from vector<1xi32>
      %mul3A_210 = arith.constant 16 : i32
      %mul3A_211 = arith.muli %scan3A_60, %mul3A_210 : i32
      %add3A_212 = arith.constant 8 : i32
      %add3A_213 = arith.addi %mul3A_211, %add3A_212 : i32
      %dma_start3A_214 = arith.constant 0 : i32
      %dma_start3A_215 = tpu.memref_slice %arg9[%add3A_213, %dma_start3A_214] : memref<256x64xf32, #tpu.memory_space<vmem>> -> memref<1x64xf32, #tpu.memory_space<vmem>>
      %dma_start3A_216 = tpu.memref_squeeze %dma_start3A_215 : memref<1x64xf32, #tpu.memory_space<vmem>> -> memref<64xf32, #tpu.memory_space<vmem>>
      %dma_start3A_217 = arith.constant 0 : i32
      %dma_start3A_218 = tpu.memref_slice %arg2[%squeeze3A_209, %dma_start3A_217] : memref<100000x64xf32, #tpu.memory_space<hbm>> -> memref<1x64xf32, #tpu.memory_space<hbm>>
      %dma_start3A_219 = tpu.memref_squeeze %dma_start3A_218 : memref<1x64xf32, #tpu.memory_space<hbm>> -> memref<64xf32, #tpu.memory_space<hbm>>
      %dma_start3A_220 = arith.constant 0 : i32
      %dma_start3A_221 = tpu.memref_slice %arg9[%add3A_213, %dma_start3A_220] : memref<256x64xf32, #tpu.memory_space<vmem>> -> memref<1x64xf32, #tpu.memory_space<vmem>>
      %dma_start3A_222 = tpu.memref_squeeze %dma_start3A_221 : memref<1x64xf32, #tpu.memory_space<vmem>> -> memref<64xf32, #tpu.memory_space<vmem>>
      %dma_start3A_223 = arith.constant 0 : i32
      %dma_start3A_224 = tpu.memref_slice %arg2[%squeeze3A_209, %dma_start3A_223] : memref<100000x64xf32, #tpu.memory_space<hbm>> -> memref<1x64xf32, #tpu.memory_space<hbm>>
      %dma_start3A_225 = tpu.memref_squeeze %dma_start3A_224 : memref<1x64xf32, #tpu.memory_space<hbm>> -> memref<64xf32, #tpu.memory_space<hbm>>
      tpu.enqueue_dma source(%dma_start3A_225 : memref<64xf32, #tpu.memory_space<hbm>>) target(%dma_start3A_222 : memref<64xf32, #tpu.memory_space<vmem>>) target_semaphore(%arg11 : memref<!tpu.dma_semaphore, #tpu.memory_space<semaphore_mem>>)
      %slice3A_226 = vector.extract_strided_slice %get3A_66 {offsets = [9], sizes = [1], strides = [1]} : vector<16xi32> to vector<1xi32>
      %squeeze3A_227 = vector.extract %slice3A_226[0] : i32 from vector<1xi32>
      %mul3A_228 = arith.constant 16 : i32
      %mul3A_229 = arith.muli %scan3A_60, %mul3A_228 : i32
      %add3A_230 = arith.constant 9 : i32
      %add3A_231 = arith.addi %mul3A_229, %add3A_230 : i32
      %dma_start3A_232 = arith.constant 0 : i32
      %dma_start3A_233 = tpu.memref_slice %arg9[%add3A_231, %dma_start3A_232] : memref<256x64xf32, #tpu.memory_space<vmem>> -> memref<1x64xf32, #tpu.memory_space<vmem>>
      %dma_start3A_234 = tpu.memref_squeeze %dma_start3A_233 : memref<1x64xf32, #tpu.memory_space<vmem>> -> memref<64xf32, #tpu.memory_space<vmem>>
      %dma_start3A_235 = arith.constant 0 : i32
      %dma_start3A_236 = tpu.memref_slice %arg2[%squeeze3A_227, %dma_start3A_235] : memref<100000x64xf32, #tpu.memory_space<hbm>> -> memref<1x64xf32, #tpu.memory_space<hbm>>
      %dma_start3A_237 = tpu.memref_squeeze %dma_start3A_236 : memref<1x64xf32, #tpu.memory_space<hbm>> -> memref<64xf32, #tpu.memory_space<hbm>>
      %dma_start3A_238 = arith.constant 0 : i32
      %dma_start3A_239 = tpu.memref_slice %arg9[%add3A_231, %dma_start3A_238] : memref<256x64xf32, #tpu.memory_space<vmem>> -> memref<1x64xf32, #tpu.memory_space<vmem>>
      %dma_start3A_240 = tpu.memref_squeeze %dma_start3A_239 : memref<1x64xf32, #tpu.memory_space<vmem>> -> memref<64xf32, #tpu.memory_space<vmem>>
      %dma_start3A_241 = arith.constant 0 : i32
      %dma_start3A_242 = tpu.memref_slice %arg2[%squeeze3A_227, %dma_start3A_241] : memref<100000x64xf32, #tpu.memory_space<hbm>> -> memref<1x64xf32, #tpu.memory_space<hbm>>
      %dma_start3A_243 = tpu.memref_squeeze %dma_start3A_242 : memref<1x64xf32, #tpu.memory_space<hbm>> -> memref<64xf32, #tpu.memory_space<hbm>>
      tpu.enqueue_dma source(%dma_start3A_243 : memref<64xf32, #tpu.memory_space<hbm>>) target(%dma_start3A_240 : memref<64xf32, #tpu.memory_space<vmem>>) target_semaphore(%arg11 : memref<!tpu.dma_semaphore, #tpu.memory_space<semaphore_mem>>)
      %slice3A_244 = vector.extract_strided_slice %get3A_66 {offsets = [10], sizes = [1], strides = [1]} : vector<16xi32> to vector<1xi32>
      %squeeze3A_245 = vector.extract %slice3A_244[0] : i32 from vector<1xi32>
      %mul3A_246 = arith.constant 16 : i32
      %mul3A_247 = arith.muli %scan3A_60, %mul3A_246 : i32
      %add3A_248 = arith.constant 10 : i32
      %add3A_249 = arith.addi %mul3A_247, %add3A_248 : i32
      %dma_start3A_250 = arith.constant 0 : i32
      %dma_start3A_251 = tpu.memref_slice %arg9[%add3A_249, %dma_start3A_250] : memref<256x64xf32, #tpu.memory_space<vmem>> -> memref<1x64xf32, #tpu.memory_space<vmem>>
      %dma_start3A_252 = tpu.memref_squeeze %dma_start3A_251 : memref<1x64xf32, #tpu.memory_space<vmem>> -> memref<64xf32, #tpu.memory_space<vmem>>
      %dma_start3A_253 = arith.constant 0 : i32
      %dma_start3A_254 = tpu.memref_slice %arg2[%squeeze3A_245, %dma_start3A_253] : memref<100000x64xf32, #tpu.memory_space<hbm>> -> memref<1x64xf32, #tpu.memory_space<hbm>>
      %dma_start3A_255 = tpu.memref_squeeze %dma_start3A_254 : memref<1x64xf32, #tpu.memory_space<hbm>> -> memref<64xf32, #tpu.memory_space<hbm>>
      %dma_start3A_256 = arith.constant 0 : i32
      %dma_start3A_257 = tpu.memref_slice %arg9[%add3A_249, %dma_start3A_256] : memref<256x64xf32, #tpu.memory_space<vmem>> -> memref<1x64xf32, #tpu.memory_space<vmem>>
      %dma_start3A_258 = tpu.memref_squeeze %dma_start3A_257 : memref<1x64xf32, #tpu.memory_space<vmem>> -> memref<64xf32, #tpu.memory_space<vmem>>
      %dma_start3A_259 = arith.constant 0 : i32
      %dma_start3A_260 = tpu.memref_slice %arg2[%squeeze3A_245, %dma_start3A_259] : memref<100000x64xf32, #tpu.memory_space<hbm>> -> memref<1x64xf32, #tpu.memory_space<hbm>>
      %dma_start3A_261 = tpu.memref_squeeze %dma_start3A_260 : memref<1x64xf32, #tpu.memory_space<hbm>> -> memref<64xf32, #tpu.memory_space<hbm>>
      tpu.enqueue_dma source(%dma_start3A_261 : memref<64xf32, #tpu.memory_space<hbm>>) target(%dma_start3A_258 : memref<64xf32, #tpu.memory_space<vmem>>) target_semaphore(%arg11 : memref<!tpu.dma_semaphore, #tpu.memory_space<semaphore_mem>>)
      %slice3A_262 = vector.extract_strided_slice %get3A_66 {offsets = [11], sizes = [1], strides = [1]} : vector<16xi32> to vector<1xi32>
      %squeeze3A_263 = vector.extract %slice3A_262[0] : i32 from vector<1xi32>
      %mul3A_264 = arith.constant 16 : i32
      %mul3A_265 = arith.muli %scan3A_60, %mul3A_264 : i32
      %add3A_266 = arith.constant 11 : i32
      %add3A_267 = arith.addi %mul3A_265, %add3A_266 : i32
      %dma_start3A_268 = arith.constant 0 : i32
      %dma_start3A_269 = tpu.memref_slice %arg9[%add3A_267, %dma_start3A_268] : memref<256x64xf32, #tpu.memory_space<vmem>> -> memref<1x64xf32, #tpu.memory_space<vmem>>
      %dma_start3A_270 = tpu.memref_squeeze %dma_start3A_269 : memref<1x64xf32, #tpu.memory_space<vmem>> -> memref<64xf32, #tpu.memory_space<vmem>>
      %dma_start3A_271 = arith.constant 0 : i32
      %dma_start3A_272 = tpu.memref_slice %arg2[%squeeze3A_263, %dma_start3A_271] : memref<100000x64xf32, #tpu.memory_space<hbm>> -> memref<1x64xf32, #tpu.memory_space<hbm>>
      %dma_start3A_273 = tpu.memref_squeeze %dma_start3A_272 : memref<1x64xf32, #tpu.memory_space<hbm>> -> memref<64xf32, #tpu.memory_space<hbm>>
      %dma_start3A_274 = arith.constant 0 : i32
      %dma_start3A_275 = tpu.memref_slice %arg9[%add3A_267, %dma_start3A_274] : memref<256x64xf32, #tpu.memory_space<vmem>> -> memref<1x64xf32, #tpu.memory_space<vmem>>
      %dma_start3A_276 = tpu.memref_squeeze %dma_start3A_275 : memref<1x64xf32, #tpu.memory_space<vmem>> -> memref<64xf32, #tpu.memory_space<vmem>>
      %dma_start3A_277 = arith.constant 0 : i32
      %dma_start3A_278 = tpu.memref_slice %arg2[%squeeze3A_263, %dma_start3A_277] : memref<100000x64xf32, #tpu.memory_space<hbm>> -> memref<1x64xf32, #tpu.memory_space<hbm>>
      %dma_start3A_279 = tpu.memref_squeeze %dma_start3A_278 : memref<1x64xf32, #tpu.memory_space<hbm>> -> memref<64xf32, #tpu.memory_space<hbm>>
      tpu.enqueue_dma source(%dma_start3A_279 : memref<64xf32, #tpu.memory_space<hbm>>) target(%dma_start3A_276 : memref<64xf32, #tpu.memory_space<vmem>>) target_semaphore(%arg11 : memref<!tpu.dma_semaphore, #tpu.memory_space<semaphore_mem>>)
      %slice3A_280 = vector.extract_strided_slice %get3A_66 {offsets = [12], sizes = [1], strides = [1]} : vector<16xi32> to vector<1xi32>
      %squeeze3A_281 = vector.extract %slice3A_280[0] : i32 from vector<1xi32>
      %mul3A_282 = arith.constant 16 : i32
      %mul3A_283 = arith.muli %scan3A_60, %mul3A_282 : i32
      %add3A_284 = arith.constant 12 : i32
      %add3A_285 = arith.addi %mul3A_283, %add3A_284 : i32
      %dma_start3A_286 = arith.constant 0 : i32
      %dma_start3A_287 = tpu.memref_slice %arg9[%add3A_285, %dma_start3A_286] : memref<256x64xf32, #tpu.memory_space<vmem>> -> memref<1x64xf32, #tpu.memory_space<vmem>>
      %dma_start3A_288 = tpu.memref_squeeze %dma_start3A_287 : memref<1x64xf32, #tpu.memory_space<vmem>> -> memref<64xf32, #tpu.memory_space<vmem>>
      %dma_start3A_289 = arith.constant 0 : i32
      %dma_start3A_290 = tpu.memref_slice %arg2[%squeeze3A_281, %dma_start3A_289] : memref<100000x64xf32, #tpu.memory_space<hbm>> -> memref<1x64xf32, #tpu.memory_space<hbm>>
      %dma_start3A_291 = tpu.memref_squeeze %dma_start3A_290 : memref<1x64xf32, #tpu.memory_space<hbm>> -> memref<64xf32, #tpu.memory_space<hbm>>
      %dma_start3A_292 = arith.constant 0 : i32
      %dma_start3A_293 = tpu.memref_slice %arg9[%add3A_285, %dma_start3A_292] : memref<256x64xf32, #tpu.memory_space<vmem>> -> memref<1x64xf32, #tpu.memory_space<vmem>>
      %dma_start3A_294 = tpu.memref_squeeze %dma_start3A_293 : memref<1x64xf32, #tpu.memory_space<vmem>> -> memref<64xf32, #tpu.memory_space<vmem>>
      %dma_start3A_295 = arith.constant 0 : i32
      %dma_start3A_296 = tpu.memref_slice %arg2[%squeeze3A_281, %dma_start3A_295] : memref<100000x64xf32, #tpu.memory_space<hbm>> -> memref<1x64xf32, #tpu.memory_space<hbm>>
      %dma_start3A_297 = tpu.memref_squeeze %dma_start3A_296 : memref<1x64xf32, #tpu.memory_space<hbm>> -> memref<64xf32, #tpu.memory_space<hbm>>
      tpu.enqueue_dma source(%dma_start3A_297 : memref<64xf32, #tpu.memory_space<hbm>>) target(%dma_start3A_294 : memref<64xf32, #tpu.memory_space<vmem>>) target_semaphore(%arg11 : memref<!tpu.dma_semaphore, #tpu.memory_space<semaphore_mem>>)
      %slice3A_298 = vector.extract_strided_slice %get3A_66 {offsets = [13], sizes = [1], strides = [1]} : vector<16xi32> to vector<1xi32>
      %squeeze3A_299 = vector.extract %slice3A_298[0] : i32 from vector<1xi32>
      %mul3A_300 = arith.constant 16 : i32
      %mul3A_301 = arith.muli %scan3A_60, %mul3A_300 : i32
      %add3A_302 = arith.constant 13 : i32
      %add3A_303 = arith.addi %mul3A_301, %add3A_302 : i32
      %dma_start3A_304 = arith.constant 0 : i32
      %dma_start3A_305 = tpu.memref_slice %arg9[%add3A_303, %dma_start3A_304] : memref<256x64xf32, #tpu.memory_space<vmem>> -> memref<1x64xf32, #tpu.memory_space<vmem>>
      %dma_start3A_306 = tpu.memref_squeeze %dma_start3A_305 : memref<1x64xf32, #tpu.memory_space<vmem>> -> memref<64xf32, #tpu.memory_space<vmem>>
      %dma_start3A_307 = arith.constant 0 : i32
      %dma_start3A_308 = tpu.memref_slice %arg2[%squeeze3A_299, %dma_start3A_307] : memref<100000x64xf32, #tpu.memory_space<hbm>> -> memref<1x64xf32, #tpu.memory_space<hbm>>
      %dma_start3A_309 = tpu.memref_squeeze %dma_start3A_308 : memref<1x64xf32, #tpu.memory_space<hbm>> -> memref<64xf32, #tpu.memory_space<hbm>>
      %dma_start3A_310 = arith.constant 0 : i32
      %dma_start3A_311 = tpu.memref_slice %arg9[%add3A_303, %dma_start3A_310] : memref<256x64xf32, #tpu.memory_space<vmem>> -> memref<1x64xf32, #tpu.memory_space<vmem>>
      %dma_start3A_312 = tpu.memref_squeeze %dma_start3A_311 : memref<1x64xf32, #tpu.memory_space<vmem>> -> memref<64xf32, #tpu.memory_space<vmem>>
      %dma_start3A_313 = arith.constant 0 : i32
      %dma_start3A_314 = tpu.memref_slice %arg2[%squeeze3A_299, %dma_start3A_313] : memref<100000x64xf32, #tpu.memory_space<hbm>> -> memref<1x64xf32, #tpu.memory_space<hbm>>
      %dma_start3A_315 = tpu.memref_squeeze %dma_start3A_314 : memref<1x64xf32, #tpu.memory_space<hbm>> -> memref<64xf32, #tpu.memory_space<hbm>>
      tpu.enqueue_dma source(%dma_start3A_315 : memref<64xf32, #tpu.memory_space<hbm>>) target(%dma_start3A_312 : memref<64xf32, #tpu.memory_space<vmem>>) target_semaphore(%arg11 : memref<!tpu.dma_semaphore, #tpu.memory_space<semaphore_mem>>)
      %slice3A_316 = vector.extract_strided_slice %get3A_66 {offsets = [14], sizes = [1], strides = [1]} : vector<16xi32> to vector<1xi32>
      %squeeze3A_317 = vector.extract %slice3A_316[0] : i32 from vector<1xi32>
      %mul3A_318 = arith.constant 16 : i32
      %mul3A_319 = arith.muli %scan3A_60, %mul3A_318 : i32
      %add3A_320 = arith.constant 14 : i32
      %add3A_321 = arith.addi %mul3A_319, %add3A_320 : i32
      %dma_start3A_322 = arith.constant 0 : i32
      %dma_start3A_323 = tpu.memref_slice %arg9[%add3A_321, %dma_start3A_322] : memref<256x64xf32, #tpu.memory_space<vmem>> -> memref<1x64xf32, #tpu.memory_space<vmem>>
      %dma_start3A_324 = tpu.memref_squeeze %dma_start3A_323 : memref<1x64xf32, #tpu.memory_space<vmem>> -> memref<64xf32, #tpu.memory_space<vmem>>
      %dma_start3A_325 = arith.constant 0 : i32
      %dma_start3A_326 = tpu.memref_slice %arg2[%squeeze3A_317, %dma_start3A_325] : memref<100000x64xf32, #tpu.memory_space<hbm>> -> memref<1x64xf32, #tpu.memory_space<hbm>>
      %dma_start3A_327 = tpu.memref_squeeze %dma_start3A_326 : memref<1x64xf32, #tpu.memory_space<hbm>> -> memref<64xf32, #tpu.memory_space<hbm>>
      %dma_start3A_328 = arith.constant 0 : i32
      %dma_start3A_329 = tpu.memref_slice %arg9[%add3A_321, %dma_start3A_328] : memref<256x64xf32, #tpu.memory_space<vmem>> -> memref<1x64xf32, #tpu.memory_space<vmem>>
      %dma_start3A_330 = tpu.memref_squeeze %dma_start3A_329 : memref<1x64xf32, #tpu.memory_space<vmem>> -> memref<64xf32, #tpu.memory_space<vmem>>
      %dma_start3A_331 = arith.constant 0 : i32
      %dma_start3A_332 = tpu.memref_slice %arg2[%squeeze3A_317, %dma_start3A_331] : memref<100000x64xf32, #tpu.memory_space<hbm>> -> memref<1x64xf32, #tpu.memory_space<hbm>>
      %dma_start3A_333 = tpu.memref_squeeze %dma_start3A_332 : memref<1x64xf32, #tpu.memory_space<hbm>> -> memref<64xf32, #tpu.memory_space<hbm>>
      tpu.enqueue_dma source(%dma_start3A_333 : memref<64xf32, #tpu.memory_space<hbm>>) target(%dma_start3A_330 : memref<64xf32, #tpu.memory_space<vmem>>) target_semaphore(%arg11 : memref<!tpu.dma_semaphore, #tpu.memory_space<semaphore_mem>>)
      %slice3A_334 = vector.extract_strided_slice %get3A_66 {offsets = [15], sizes = [1], strides = [1]} : vector<16xi32> to vector<1xi32>
      %squeeze3A_335 = vector.extract %slice3A_334[0] : i32 from vector<1xi32>
      %mul3A_336 = arith.constant 16 : i32
      %mul3A_337 = arith.muli %scan3A_60, %mul3A_336 : i32
      %add3A_338 = arith.constant 15 : i32
      %add3A_339 = arith.addi %mul3A_337, %add3A_338 : i32
      %dma_start3A_340 = arith.constant 0 : i32
      %dma_start3A_341 = tpu.memref_slice %arg9[%add3A_339, %dma_start3A_340] : memref<256x64xf32, #tpu.memory_space<vmem>> -> memref<1x64xf32, #tpu.memory_space<vmem>>
      %dma_start3A_342 = tpu.memref_squeeze %dma_start3A_341 : memref<1x64xf32, #tpu.memory_space<vmem>> -> memref<64xf32, #tpu.memory_space<vmem>>
      %dma_start3A_343 = arith.constant 0 : i32
      %dma_start3A_344 = tpu.memref_slice %arg2[%squeeze3A_335, %dma_start3A_343] : memref<100000x64xf32, #tpu.memory_space<hbm>> -> memref<1x64xf32, #tpu.memory_space<hbm>>
      %dma_start3A_345 = tpu.memref_squeeze %dma_start3A_344 : memref<1x64xf32, #tpu.memory_space<hbm>> -> memref<64xf32, #tpu.memory_space<hbm>>
      %dma_start3A_346 = arith.constant 0 : i32
      %dma_start3A_347 = tpu.memref_slice %arg9[%add3A_339, %dma_start3A_346] : memref<256x64xf32, #tpu.memory_space<vmem>> -> memref<1x64xf32, #tpu.memory_space<vmem>>
      %dma_start3A_348 = tpu.memref_squeeze %dma_start3A_347 : memref<1x64xf32, #tpu.memory_space<vmem>> -> memref<64xf32, #tpu.memory_space<vmem>>
      %dma_start3A_349 = arith.constant 0 : i32
      %dma_start3A_350 = tpu.memref_slice %arg2[%squeeze3A_335, %dma_start3A_349] : memref<100000x64xf32, #tpu.memory_space<hbm>> -> memref<1x64xf32, #tpu.memory_space<hbm>>
      %dma_start3A_351 = tpu.memref_squeeze %dma_start3A_350 : memref<1x64xf32, #tpu.memory_space<hbm>> -> memref<64xf32, #tpu.memory_space<hbm>>
      tpu.enqueue_dma source(%dma_start3A_351 : memref<64xf32, #tpu.memory_space<hbm>>) target(%dma_start3A_348 : memref<64xf32, #tpu.memory_space<vmem>>) target_semaphore(%arg11 : memref<!tpu.dma_semaphore, #tpu.memory_space<semaphore_mem>>)
    }
    %scan3A_7 = arith.constant 16 : i32
    %scan3A_8 = arith.constant 0 : i32
    %scan3A_9 = arith.constant 0 : i32
    %scan3A_10 = arith.constant 16 : i32
    %scan3A_11 = arith.addi %scan3A_9, %scan3A_10 : i32
    %scan3A_12 = arith.constant 1 : i32
    scf.for %scan3A_60 = %scan3A_9 to %scan3A_11 step %scan3A_12  : i32 {
      %mul3A_61 = arith.constant 16 : i32
      %mul3A_62 = arith.muli %scan3A_60, %mul3A_61 : i32
      %add3A_63 = arith.constant 0 : i32
      %add3A_64 = arith.addi %add3A_63, %mul3A_62 : i32
      %get3A = arith.index_cast %add3A_64 : i32 to index
      %get3A_65 = tpu.vector_load %arg8[%get3A] {strides = array<i32>} : memref<512xi32, #tpu.memory_space<vmem>>, vector<16xi32>,
      %get3A_66 = vector.shape_cast %get3A_65 : vector<16xi32> to vector<16xi32>
      %slice3A = vector.extract_strided_slice %get3A_66 {offsets = [0], sizes = [1], strides = [1]} : vector<16xi32> to vector<1xi32>
      %squeeze3A = vector.extract %slice3A[0] : i32 from vector<1xi32>
      %mul3A_67 = arith.constant 16 : i32
      %mul3A_68 = arith.muli %scan3A_60, %mul3A_67 : i32
      %add3A_69 = arith.constant 0 : i32
      %add3A_70 = arith.addi %mul3A_68, %add3A_69 : i32
      %dma_start3A = arith.constant 0 : i32
      %dma_start3A_71 = tpu.memref_slice %arg10[%add3A_70, %dma_start3A] : memref<256x64xf32, #tpu.memory_space<vmem>> -> memref<1x64xf32, #tpu.memory_space<vmem>>
      %dma_start3A_72 = tpu.memref_squeeze %dma_start3A_71 : memref<1x64xf32, #tpu.memory_space<vmem>> -> memref<64xf32, #tpu.memory_space<vmem>>
      %dma_start3A_73 = arith.constant 0 : i32
      %dma_start3A_74 = tpu.memref_slice %arg3[%squeeze3A, %dma_start3A_73] : memref<100000x64xf32, #tpu.memory_space<hbm>> -> memref<1x64xf32, #tpu.memory_space<hbm>>
      %dma_start3A_75 = tpu.memref_squeeze %dma_start3A_74 : memref<1x64xf32, #tpu.memory_space<hbm>> -> memref<64xf32, #tpu.memory_space<hbm>>
      %dma_start3A_76 = arith.constant 0 : i32
      %dma_start3A_77 = tpu.memref_slice %arg10[%add3A_70, %dma_start3A_76] : memref<256x64xf32, #tpu.memory_space<vmem>> -> memref<1x64xf32, #tpu.memory_space<vmem>>
      %dma_start3A_78 = tpu.memref_squeeze %dma_start3A_77 : memref<1x64xf32, #tpu.memory_space<vmem>> -> memref<64xf32, #tpu.memory_space<vmem>>
      %dma_start3A_79 = arith.constant 0 : i32
      %dma_start3A_80 = tpu.memref_slice %arg3[%squeeze3A, %dma_start3A_79] : memref<100000x64xf32, #tpu.memory_space<hbm>> -> memref<1x64xf32, #tpu.memory_space<hbm>>
      %dma_start3A_81 = tpu.memref_squeeze %dma_start3A_80 : memref<1x64xf32, #tpu.memory_space<hbm>> -> memref<64xf32, #tpu.memory_space<hbm>>
      tpu.enqueue_dma source(%dma_start3A_81 : memref<64xf32, #tpu.memory_space<hbm>>) target(%dma_start3A_78 : memref<64xf32, #tpu.memory_space<vmem>>) target_semaphore(%arg12 : memref<!tpu.dma_semaphore, #tpu.memory_space<semaphore_mem>>)
      %slice3A_82 = vector.extract_strided_slice %get3A_66 {offsets = [1], sizes = [1], strides = [1]} : vector<16xi32> to vector<1xi32>
      %squeeze3A_83 = vector.extract %slice3A_82[0] : i32 from vector<1xi32>
      %mul3A_84 = arith.constant 16 : i32
      %mul3A_85 = arith.muli %scan3A_60, %mul3A_84 : i32
      %add3A_86 = arith.constant 1 : i32
      %add3A_87 = arith.addi %mul3A_85, %add3A_86 : i32
      %dma_start3A_88 = arith.constant 0 : i32
      %dma_start3A_89 = tpu.memref_slice %arg10[%add3A_87, %dma_start3A_88] : memref<256x64xf32, #tpu.memory_space<vmem>> -> memref<1x64xf32, #tpu.memory_space<vmem>>
      %dma_start3A_90 = tpu.memref_squeeze %dma_start3A_89 : memref<1x64xf32, #tpu.memory_space<vmem>> -> memref<64xf32, #tpu.memory_space<vmem>>
      %dma_start3A_91 = arith.constant 0 : i32
      %dma_start3A_92 = tpu.memref_slice %arg3[%squeeze3A_83, %dma_start3A_91] : memref<100000x64xf32, #tpu.memory_space<hbm>> -> memref<1x64xf32, #tpu.memory_space<hbm>>
      %dma_start3A_93 = tpu.memref_squeeze %dma_start3A_92 : memref<1x64xf32, #tpu.memory_space<hbm>> -> memref<64xf32, #tpu.memory_space<hbm>>
      %dma_start3A_94 = arith.constant 0 : i32
      %dma_start3A_95 = tpu.memref_slice %arg10[%add3A_87, %dma_start3A_94] : memref<256x64xf32, #tpu.memory_space<vmem>> -> memref<1x64xf32, #tpu.memory_space<vmem>>
      %dma_start3A_96 = tpu.memref_squeeze %dma_start3A_95 : memref<1x64xf32, #tpu.memory_space<vmem>> -> memref<64xf32, #tpu.memory_space<vmem>>
      %dma_start3A_97 = arith.constant 0 : i32
      %dma_start3A_98 = tpu.memref_slice %arg3[%squeeze3A_83, %dma_start3A_97] : memref<100000x64xf32, #tpu.memory_space<hbm>> -> memref<1x64xf32, #tpu.memory_space<hbm>>
      %dma_start3A_99 = tpu.memref_squeeze %dma_start3A_98 : memref<1x64xf32, #tpu.memory_space<hbm>> -> memref<64xf32, #tpu.memory_space<hbm>>
      tpu.enqueue_dma source(%dma_start3A_99 : memref<64xf32, #tpu.memory_space<hbm>>) target(%dma_start3A_96 : memref<64xf32, #tpu.memory_space<vmem>>) target_semaphore(%arg12 : memref<!tpu.dma_semaphore, #tpu.memory_space<semaphore_mem>>)
      %slice3A_100 = vector.extract_strided_slice %get3A_66 {offsets = [2], sizes = [1], strides = [1]} : vector<16xi32> to vector<1xi32>
      %squeeze3A_101 = vector.extract %slice3A_100[0] : i32 from vector<1xi32>
      %mul3A_102 = arith.constant 16 : i32
      %mul3A_103 = arith.muli %scan3A_60, %mul3A_102 : i32
      %add3A_104 = arith.constant 2 : i32
      %add3A_105 = arith.addi %mul3A_103, %add3A_104 : i32
      %dma_start3A_106 = arith.constant 0 : i32
      %dma_start3A_107 = tpu.memref_slice %arg10[%add3A_105, %dma_start3A_106] : memref<256x64xf32, #tpu.memory_space<vmem>> -> memref<1x64xf32, #tpu.memory_space<vmem>>
      %dma_start3A_108 = tpu.memref_squeeze %dma_start3A_107 : memref<1x64xf32, #tpu.memory_space<vmem>> -> memref<64xf32, #tpu.memory_space<vmem>>
      %dma_start3A_109 = arith.constant 0 : i32
      %dma_start3A_110 = tpu.memref_slice %arg3[%squeeze3A_101, %dma_start3A_109] : memref<100000x64xf32, #tpu.memory_space<hbm>> -> memref<1x64xf32, #tpu.memory_space<hbm>>
      %dma_start3A_111 = tpu.memref_squeeze %dma_start3A_110 : memref<1x64xf32, #tpu.memory_space<hbm>> -> memref<64xf32, #tpu.memory_space<hbm>>
      %dma_start3A_112 = arith.constant 0 : i32
      %dma_start3A_113 = tpu.memref_slice %arg10[%add3A_105, %dma_start3A_112] : memref<256x64xf32, #tpu.memory_space<vmem>> -> memref<1x64xf32, #tpu.memory_space<vmem>>
      %dma_start3A_114 = tpu.memref_squeeze %dma_start3A_113 : memref<1x64xf32, #tpu.memory_space<vmem>> -> memref<64xf32, #tpu.memory_space<vmem>>
      %dma_start3A_115 = arith.constant 0 : i32
      %dma_start3A_116 = tpu.memref_slice %arg3[%squeeze3A_101, %dma_start3A_115] : memref<100000x64xf32, #tpu.memory_space<hbm>> -> memref<1x64xf32, #tpu.memory_space<hbm>>
      %dma_start3A_117 = tpu.memref_squeeze %dma_start3A_116 : memref<1x64xf32, #tpu.memory_space<hbm>> -> memref<64xf32, #tpu.memory_space<hbm>>
      tpu.enqueue_dma source(%dma_start3A_117 : memref<64xf32, #tpu.memory_space<hbm>>) target(%dma_start3A_114 : memref<64xf32, #tpu.memory_space<vmem>>) target_semaphore(%arg12 : memref<!tpu.dma_semaphore, #tpu.memory_space<semaphore_mem>>)
      %slice3A_118 = vector.extract_strided_slice %get3A_66 {offsets = [3], sizes = [1], strides = [1]} : vector<16xi32> to vector<1xi32>
      %squeeze3A_119 = vector.extract %slice3A_118[0] : i32 from vector<1xi32>
      %mul3A_120 = arith.constant 16 : i32
      %mul3A_121 = arith.muli %scan3A_60, %mul3A_120 : i32
      %add3A_122 = arith.constant 3 : i32
      %add3A_123 = arith.addi %mul3A_121, %add3A_122 : i32
      %dma_start3A_124 = arith.constant 0 : i32
      %dma_start3A_125 = tpu.memref_slice %arg10[%add3A_123, %dma_start3A_124] : memref<256x64xf32, #tpu.memory_space<vmem>> -> memref<1x64xf32, #tpu.memory_space<vmem>>
      %dma_start3A_126 = tpu.memref_squeeze %dma_start3A_125 : memref<1x64xf32, #tpu.memory_space<vmem>> -> memref<64xf32, #tpu.memory_space<vmem>>
      %dma_start3A_127 = arith.constant 0 : i32
      %dma_start3A_128 = tpu.memref_slice %arg3[%squeeze3A_119, %dma_start3A_127] : memref<100000x64xf32, #tpu.memory_space<hbm>> -> memref<1x64xf32, #tpu.memory_space<hbm>>
      %dma_start3A_129 = tpu.memref_squeeze %dma_start3A_128 : memref<1x64xf32, #tpu.memory_space<hbm>> -> memref<64xf32, #tpu.memory_space<hbm>>
      %dma_start3A_130 = arith.constant 0 : i32
      %dma_start3A_131 = tpu.memref_slice %arg10[%add3A_123, %dma_start3A_130] : memref<256x64xf32, #tpu.memory_space<vmem>> -> memref<1x64xf32, #tpu.memory_space<vmem>>
      %dma_start3A_132 = tpu.memref_squeeze %dma_start3A_131 : memref<1x64xf32, #tpu.memory_space<vmem>> -> memref<64xf32, #tpu.memory_space<vmem>>
      %dma_start3A_133 = arith.constant 0 : i32
      %dma_start3A_134 = tpu.memref_slice %arg3[%squeeze3A_119, %dma_start3A_133] : memref<100000x64xf32, #tpu.memory_space<hbm>> -> memref<1x64xf32, #tpu.memory_space<hbm>>
      %dma_start3A_135 = tpu.memref_squeeze %dma_start3A_134 : memref<1x64xf32, #tpu.memory_space<hbm>> -> memref<64xf32, #tpu.memory_space<hbm>>
      tpu.enqueue_dma source(%dma_start3A_135 : memref<64xf32, #tpu.memory_space<hbm>>) target(%dma_start3A_132 : memref<64xf32, #tpu.memory_space<vmem>>) target_semaphore(%arg12 : memref<!tpu.dma_semaphore, #tpu.memory_space<semaphore_mem>>)
      %slice3A_136 = vector.extract_strided_slice %get3A_66 {offsets = [4], sizes = [1], strides = [1]} : vector<16xi32> to vector<1xi32>
      %squeeze3A_137 = vector.extract %slice3A_136[0] : i32 from vector<1xi32>
      %mul3A_138 = arith.constant 16 : i32
      %mul3A_139 = arith.muli %scan3A_60, %mul3A_138 : i32
      %add3A_140 = arith.constant 4 : i32
      %add3A_141 = arith.addi %mul3A_139, %add3A_140 : i32
      %dma_start3A_142 = arith.constant 0 : i32
      %dma_start3A_143 = tpu.memref_slice %arg10[%add3A_141, %dma_start3A_142] : memref<256x64xf32, #tpu.memory_space<vmem>> -> memref<1x64xf32, #tpu.memory_space<vmem>>
      %dma_start3A_144 = tpu.memref_squeeze %dma_start3A_143 : memref<1x64xf32, #tpu.memory_space<vmem>> -> memref<64xf32, #tpu.memory_space<vmem>>
      %dma_start3A_145 = arith.constant 0 : i32
      %dma_start3A_146 = tpu.memref_slice %arg3[%squeeze3A_137, %dma_start3A_145] : memref<100000x64xf32, #tpu.memory_space<hbm>> -> memref<1x64xf32, #tpu.memory_space<hbm>>
      %dma_start3A_147 = tpu.memref_squeeze %dma_start3A_146 : memref<1x64xf32, #tpu.memory_space<hbm>> -> memref<64xf32, #tpu.memory_space<hbm>>
      %dma_start3A_148 = arith.constant 0 : i32
      %dma_start3A_149 = tpu.memref_slice %arg10[%add3A_141, %dma_start3A_148] : memref<256x64xf32, #tpu.memory_space<vmem>> -> memref<1x64xf32, #tpu.memory_space<vmem>>
      %dma_start3A_150 = tpu.memref_squeeze %dma_start3A_149 : memref<1x64xf32, #tpu.memory_space<vmem>> -> memref<64xf32, #tpu.memory_space<vmem>>
      %dma_start3A_151 = arith.constant 0 : i32
      %dma_start3A_152 = tpu.memref_slice %arg3[%squeeze3A_137, %dma_start3A_151] : memref<100000x64xf32, #tpu.memory_space<hbm>> -> memref<1x64xf32, #tpu.memory_space<hbm>>
      %dma_start3A_153 = tpu.memref_squeeze %dma_start3A_152 : memref<1x64xf32, #tpu.memory_space<hbm>> -> memref<64xf32, #tpu.memory_space<hbm>>
      tpu.enqueue_dma source(%dma_start3A_153 : memref<64xf32, #tpu.memory_space<hbm>>) target(%dma_start3A_150 : memref<64xf32, #tpu.memory_space<vmem>>) target_semaphore(%arg12 : memref<!tpu.dma_semaphore, #tpu.memory_space<semaphore_mem>>)
      %slice3A_154 = vector.extract_strided_slice %get3A_66 {offsets = [5], sizes = [1], strides = [1]} : vector<16xi32> to vector<1xi32>
      %squeeze3A_155 = vector.extract %slice3A_154[0] : i32 from vector<1xi32>
      %mul3A_156 = arith.constant 16 : i32
      %mul3A_157 = arith.muli %scan3A_60, %mul3A_156 : i32
      %add3A_158 = arith.constant 5 : i32
      %add3A_159 = arith.addi %mul3A_157, %add3A_158 : i32
      %dma_start3A_160 = arith.constant 0 : i32
      %dma_start3A_161 = tpu.memref_slice %arg10[%add3A_159, %dma_start3A_160] : memref<256x64xf32, #tpu.memory_space<vmem>> -> memref<1x64xf32, #tpu.memory_space<vmem>>
      %dma_start3A_162 = tpu.memref_squeeze %dma_start3A_161 : memref<1x64xf32, #tpu.memory_space<vmem>> -> memref<64xf32, #tpu.memory_space<vmem>>
      %dma_start3A_163 = arith.constant 0 : i32
      %dma_start3A_164 = tpu.memref_slice %arg3[%squeeze3A_155, %dma_start3A_163] : memref<100000x64xf32, #tpu.memory_space<hbm>> -> memref<1x64xf32, #tpu.memory_space<hbm>>
      %dma_start3A_165 = tpu.memref_squeeze %dma_start3A_164 : memref<1x64xf32, #tpu.memory_space<hbm>> -> memref<64xf32, #tpu.memory_space<hbm>>
      %dma_start3A_166 = arith.constant 0 : i32
      %dma_start3A_167 = tpu.memref_slice %arg10[%add3A_159, %dma_start3A_166] : memref<256x64xf32, #tpu.memory_space<vmem>> -> memref<1x64xf32, #tpu.memory_space<vmem>>
      %dma_start3A_168 = tpu.memref_squeeze %dma_start3A_167 : memref<1x64xf32, #tpu.memory_space<vmem>> -> memref<64xf32, #tpu.memory_space<vmem>>
      %dma_start3A_169 = arith.constant 0 : i32
      %dma_start3A_170 = tpu.memref_slice %arg3[%squeeze3A_155, %dma_start3A_169] : memref<100000x64xf32, #tpu.memory_space<hbm>> -> memref<1x64xf32, #tpu.memory_space<hbm>>
      %dma_start3A_171 = tpu.memref_squeeze %dma_start3A_170 : memref<1x64xf32, #tpu.memory_space<hbm>> -> memref<64xf32, #tpu.memory_space<hbm>>
      tpu.enqueue_dma source(%dma_start3A_171 : memref<64xf32, #tpu.memory_space<hbm>>) target(%dma_start3A_168 : memref<64xf32, #tpu.memory_space<vmem>>) target_semaphore(%arg12 : memref<!tpu.dma_semaphore, #tpu.memory_space<semaphore_mem>>)
      %slice3A_172 = vector.extract_strided_slice %get3A_66 {offsets = [6], sizes = [1], strides = [1]} : vector<16xi32> to vector<1xi32>
      %squeeze3A_173 = vector.extract %slice3A_172[0] : i32 from vector<1xi32>
      %mul3A_174 = arith.constant 16 : i32
      %mul3A_175 = arith.muli %scan3A_60, %mul3A_174 : i32
      %add3A_176 = arith.constant 6 : i32
      %add3A_177 = arith.addi %mul3A_175, %add3A_176 : i32
      %dma_start3A_178 = arith.constant 0 : i32
      %dma_start3A_179 = tpu.memref_slice %arg10[%add3A_177, %dma_start3A_178] : memref<256x64xf32, #tpu.memory_space<vmem>> -> memref<1x64xf32, #tpu.memory_space<vmem>>
      %dma_start3A_180 = tpu.memref_squeeze %dma_start3A_179 : memref<1x64xf32, #tpu.memory_space<vmem>> -> memref<64xf32, #tpu.memory_space<vmem>>
      %dma_start3A_181 = arith.constant 0 : i32
      %dma_start3A_182 = tpu.memref_slice %arg3[%squeeze3A_173, %dma_start3A_181] : memref<100000x64xf32, #tpu.memory_space<hbm>> -> memref<1x64xf32, #tpu.memory_space<hbm>>
      %dma_start3A_183 = tpu.memref_squeeze %dma_start3A_182 : memref<1x64xf32, #tpu.memory_space<hbm>> -> memref<64xf32, #tpu.memory_space<hbm>>
      %dma_start3A_184 = arith.constant 0 : i32
      %dma_start3A_185 = tpu.memref_slice %arg10[%add3A_177, %dma_start3A_184] : memref<256x64xf32, #tpu.memory_space<vmem>> -> memref<1x64xf32, #tpu.memory_space<vmem>>
      %dma_start3A_186 = tpu.memref_squeeze %dma_start3A_185 : memref<1x64xf32, #tpu.memory_space<vmem>> -> memref<64xf32, #tpu.memory_space<vmem>>
      %dma_start3A_187 = arith.constant 0 : i32
      %dma_start3A_188 = tpu.memref_slice %arg3[%squeeze3A_173, %dma_start3A_187] : memref<100000x64xf32, #tpu.memory_space<hbm>> -> memref<1x64xf32, #tpu.memory_space<hbm>>
      %dma_start3A_189 = tpu.memref_squeeze %dma_start3A_188 : memref<1x64xf32, #tpu.memory_space<hbm>> -> memref<64xf32, #tpu.memory_space<hbm>>
      tpu.enqueue_dma source(%dma_start3A_189 : memref<64xf32, #tpu.memory_space<hbm>>) target(%dma_start3A_186 : memref<64xf32, #tpu.memory_space<vmem>>) target_semaphore(%arg12 : memref<!tpu.dma_semaphore, #tpu.memory_space<semaphore_mem>>)
      %slice3A_190 = vector.extract_strided_slice %get3A_66 {offsets = [7], sizes = [1], strides = [1]} : vector<16xi32> to vector<1xi32>
      %squeeze3A_191 = vector.extract %slice3A_190[0] : i32 from vector<1xi32>
      %mul3A_192 = arith.constant 16 : i32
      %mul3A_193 = arith.muli %scan3A_60, %mul3A_192 : i32
      %add3A_194 = arith.constant 7 : i32
      %add3A_195 = arith.addi %mul3A_193, %add3A_194 : i32
      %dma_start3A_196 = arith.constant 0 : i32
      %dma_start3A_197 = tpu.memref_slice %arg10[%add3A_195, %dma_start3A_196] : memref<256x64xf32, #tpu.memory_space<vmem>> -> memref<1x64xf32, #tpu.memory_space<vmem>>
      %dma_start3A_198 = tpu.memref_squeeze %dma_start3A_197 : memref<1x64xf32, #tpu.memory_space<vmem>> -> memref<64xf32, #tpu.memory_space<vmem>>
      %dma_start3A_199 = arith.constant 0 : i32
      %dma_start3A_200 = tpu.memref_slice %arg3[%squeeze3A_191, %dma_start3A_199] : memref<100000x64xf32, #tpu.memory_space<hbm>> -> memref<1x64xf32, #tpu.memory_space<hbm>>
      %dma_start3A_201 = tpu.memref_squeeze %dma_start3A_200 : memref<1x64xf32, #tpu.memory_space<hbm>> -> memref<64xf32, #tpu.memory_space<hbm>>
      %dma_start3A_202 = arith.constant 0 : i32
      %dma_start3A_203 = tpu.memref_slice %arg10[%add3A_195, %dma_start3A_202] : memref<256x64xf32, #tpu.memory_space<vmem>> -> memref<1x64xf32, #tpu.memory_space<vmem>>
      %dma_start3A_204 = tpu.memref_squeeze %dma_start3A_203 : memref<1x64xf32, #tpu.memory_space<vmem>> -> memref<64xf32, #tpu.memory_space<vmem>>
      %dma_start3A_205 = arith.constant 0 : i32
      %dma_start3A_206 = tpu.memref_slice %arg3[%squeeze3A_191, %dma_start3A_205] : memref<100000x64xf32, #tpu.memory_space<hbm>> -> memref<1x64xf32, #tpu.memory_space<hbm>>
      %dma_start3A_207 = tpu.memref_squeeze %dma_start3A_206 : memref<1x64xf32, #tpu.memory_space<hbm>> -> memref<64xf32, #tpu.memory_space<hbm>>
      tpu.enqueue_dma source(%dma_start3A_207 : memref<64xf32, #tpu.memory_space<hbm>>) target(%dma_start3A_204 : memref<64xf32, #tpu.memory_space<vmem>>) target_semaphore(%arg12 : memref<!tpu.dma_semaphore, #tpu.memory_space<semaphore_mem>>)
      %slice3A_208 = vector.extract_strided_slice %get3A_66 {offsets = [8], sizes = [1], strides = [1]} : vector<16xi32> to vector<1xi32>
      %squeeze3A_209 = vector.extract %slice3A_208[0] : i32 from vector<1xi32>
      %mul3A_210 = arith.constant 16 : i32
      %mul3A_211 = arith.muli %scan3A_60, %mul3A_210 : i32
      %add3A_212 = arith.constant 8 : i32
      %add3A_213 = arith.addi %mul3A_211, %add3A_212 : i32
      %dma_start3A_214 = arith.constant 0 : i32
      %dma_start3A_215 = tpu.memref_slice %arg10[%add3A_213, %dma_start3A_214] : memref<256x64xf32, #tpu.memory_space<vmem>> -> memref<1x64xf32, #tpu.memory_space<vmem>>
      %dma_start3A_216 = tpu.memref_squeeze %dma_start3A_215 : memref<1x64xf32, #tpu.memory_space<vmem>> -> memref<64xf32, #tpu.memory_space<vmem>>
      %dma_start3A_217 = arith.constant 0 : i32
      %dma_start3A_218 = tpu.memref_slice %arg3[%squeeze3A_209, %dma_start3A_217] : memref<100000x64xf32, #tpu.memory_space<hbm>> -> memref<1x64xf32, #tpu.memory_space<hbm>>
      %dma_start3A_219 = tpu.memref_squeeze %dma_start3A_218 : memref<1x64xf32, #tpu.memory_space<hbm>> -> memref<64xf32, #tpu.memory_space<hbm>>
      %dma_start3A_220 = arith.constant 0 : i32
      %dma_start3A_221 = tpu.memref_slice %arg10[%add3A_213, %dma_start3A_220] : memref<256x64xf32, #tpu.memory_space<vmem>> -> memref<1x64xf32, #tpu.memory_space<vmem>>
      %dma_start3A_222 = tpu.memref_squeeze %dma_start3A_221 : memref<1x64xf32, #tpu.memory_space<vmem>> -> memref<64xf32, #tpu.memory_space<vmem>>
      %dma_start3A_223 = arith.constant 0 : i32
      %dma_start3A_224 = tpu.memref_slice %arg3[%squeeze3A_209, %dma_start3A_223] : memref<100000x64xf32, #tpu.memory_space<hbm>> -> memref<1x64xf32, #tpu.memory_space<hbm>>
      %dma_start3A_225 = tpu.memref_squeeze %dma_start3A_224 : memref<1x64xf32, #tpu.memory_space<hbm>> -> memref<64xf32, #tpu.memory_space<hbm>>
      tpu.enqueue_dma source(%dma_start3A_225 : memref<64xf32, #tpu.memory_space<hbm>>) target(%dma_start3A_222 : memref<64xf32, #tpu.memory_space<vmem>>) target_semaphore(%arg12 : memref<!tpu.dma_semaphore, #tpu.memory_space<semaphore_mem>>)
      %slice3A_226 = vector.extract_strided_slice %get3A_66 {offsets = [9], sizes = [1], strides = [1]} : vector<16xi32> to vector<1xi32>
      %squeeze3A_227 = vector.extract %slice3A_226[0] : i32 from vector<1xi32>
      %mul3A_228 = arith.constant 16 : i32
      %mul3A_229 = arith.muli %scan3A_60, %mul3A_228 : i32
      %add3A_230 = arith.constant 9 : i32
      %add3A_231 = arith.addi %mul3A_229, %add3A_230 : i32
      %dma_start3A_232 = arith.constant 0 : i32
      %dma_start3A_233 = tpu.memref_slice %arg10[%add3A_231, %dma_start3A_232] : memref<256x64xf32, #tpu.memory_space<vmem>> -> memref<1x64xf32, #tpu.memory_space<vmem>>
      %dma_start3A_234 = tpu.memref_squeeze %dma_start3A_233 : memref<1x64xf32, #tpu.memory_space<vmem>> -> memref<64xf32, #tpu.memory_space<vmem>>
      %dma_start3A_235 = arith.constant 0 : i32
      %dma_start3A_236 = tpu.memref_slice %arg3[%squeeze3A_227, %dma_start3A_235] : memref<100000x64xf32, #tpu.memory_space<hbm>> -> memref<1x64xf32, #tpu.memory_space<hbm>>
      %dma_start3A_237 = tpu.memref_squeeze %dma_start3A_236 : memref<1x64xf32, #tpu.memory_space<hbm>> -> memref<64xf32, #tpu.memory_space<hbm>>
      %dma_start3A_238 = arith.constant 0 : i32
      %dma_start3A_239 = tpu.memref_slice %arg10[%add3A_231, %dma_start3A_238] : memref<256x64xf32, #tpu.memory_space<vmem>> -> memref<1x64xf32, #tpu.memory_space<vmem>>
      %dma_start3A_240 = tpu.memref_squeeze %dma_start3A_239 : memref<1x64xf32, #tpu.memory_space<vmem>> -> memref<64xf32, #tpu.memory_space<vmem>>
      %dma_start3A_241 = arith.constant 0 : i32
      %dma_start3A_242 = tpu.memref_slice %arg3[%squeeze3A_227, %dma_start3A_241] : memref<100000x64xf32, #tpu.memory_space<hbm>> -> memref<1x64xf32, #tpu.memory_space<hbm>>
      %dma_start3A_243 = tpu.memref_squeeze %dma_start3A_242 : memref<1x64xf32, #tpu.memory_space<hbm>> -> memref<64xf32, #tpu.memory_space<hbm>>
      tpu.enqueue_dma source(%dma_start3A_243 : memref<64xf32, #tpu.memory_space<hbm>>) target(%dma_start3A_240 : memref<64xf32, #tpu.memory_space<vmem>>) target_semaphore(%arg12 : memref<!tpu.dma_semaphore, #tpu.memory_space<semaphore_mem>>)
      %slice3A_244 = vector.extract_strided_slice %get3A_66 {offsets = [10], sizes = [1], strides = [1]} : vector<16xi32> to vector<1xi32>
      %squeeze3A_245 = vector.extract %slice3A_244[0] : i32 from vector<1xi32>
      %mul3A_246 = arith.constant 16 : i32
      %mul3A_247 = arith.muli %scan3A_60, %mul3A_246 : i32
      %add3A_248 = arith.constant 10 : i32
      %add3A_249 = arith.addi %mul3A_247, %add3A_248 : i32
      %dma_start3A_250 = arith.constant 0 : i32
      %dma_start3A_251 = tpu.memref_slice %arg10[%add3A_249, %dma_start3A_250] : memref<256x64xf32, #tpu.memory_space<vmem>> -> memref<1x64xf32, #tpu.memory_space<vmem>>
      %dma_start3A_252 = tpu.memref_squeeze %dma_start3A_251 : memref<1x64xf32, #tpu.memory_space<vmem>> -> memref<64xf32, #tpu.memory_space<vmem>>
      %dma_start3A_253 = arith.constant 0 : i32
      %dma_start3A_254 = tpu.memref_slice %arg3[%squeeze3A_245, %dma_start3A_253] : memref<100000x64xf32, #tpu.memory_space<hbm>> -> memref<1x64xf32, #tpu.memory_space<hbm>>
      %dma_start3A_255 = tpu.memref_squeeze %dma_start3A_254 : memref<1x64xf32, #tpu.memory_space<hbm>> -> memref<64xf32, #tpu.memory_space<hbm>>
      %dma_start3A_256 = arith.constant 0 : i32
      %dma_start3A_257 = tpu.memref_slice %arg10[%add3A_249, %dma_start3A_256] : memref<256x64xf32, #tpu.memory_space<vmem>> -> memref<1x64xf32, #tpu.memory_space<vmem>>
      %dma_start3A_258 = tpu.memref_squeeze %dma_start3A_257 : memref<1x64xf32, #tpu.memory_space<vmem>> -> memref<64xf32, #tpu.memory_space<vmem>>
      %dma_start3A_259 = arith.constant 0 : i32
      %dma_start3A_260 = tpu.memref_slice %arg3[%squeeze3A_245, %dma_start3A_259] : memref<100000x64xf32, #tpu.memory_space<hbm>> -> memref<1x64xf32, #tpu.memory_space<hbm>>
      %dma_start3A_261 = tpu.memref_squeeze %dma_start3A_260 : memref<1x64xf32, #tpu.memory_space<hbm>> -> memref<64xf32, #tpu.memory_space<hbm>>
      tpu.enqueue_dma source(%dma_start3A_261 : memref<64xf32, #tpu.memory_space<hbm>>) target(%dma_start3A_258 : memref<64xf32, #tpu.memory_space<vmem>>) target_semaphore(%arg12 : memref<!tpu.dma_semaphore, #tpu.memory_space<semaphore_mem>>)
      %slice3A_262 = vector.extract_strided_slice %get3A_66 {offsets = [11], sizes = [1], strides = [1]} : vector<16xi32> to vector<1xi32>
      %squeeze3A_263 = vector.extract %slice3A_262[0] : i32 from vector<1xi32>
      %mul3A_264 = arith.constant 16 : i32
      %mul3A_265 = arith.muli %scan3A_60, %mul3A_264 : i32
      %add3A_266 = arith.constant 11 : i32
      %add3A_267 = arith.addi %mul3A_265, %add3A_266 : i32
      %dma_start3A_268 = arith.constant 0 : i32
      %dma_start3A_269 = tpu.memref_slice %arg10[%add3A_267, %dma_start3A_268] : memref<256x64xf32, #tpu.memory_space<vmem>> -> memref<1x64xf32, #tpu.memory_space<vmem>>
      %dma_start3A_270 = tpu.memref_squeeze %dma_start3A_269 : memref<1x64xf32, #tpu.memory_space<vmem>> -> memref<64xf32, #tpu.memory_space<vmem>>
      %dma_start3A_271 = arith.constant 0 : i32
      %dma_start3A_272 = tpu.memref_slice %arg3[%squeeze3A_263, %dma_start3A_271] : memref<100000x64xf32, #tpu.memory_space<hbm>> -> memref<1x64xf32, #tpu.memory_space<hbm>>
      %dma_start3A_273 = tpu.memref_squeeze %dma_start3A_272 : memref<1x64xf32, #tpu.memory_space<hbm>> -> memref<64xf32, #tpu.memory_space<hbm>>
      %dma_start3A_274 = arith.constant 0 : i32
      %dma_start3A_275 = tpu.memref_slice %arg10[%add3A_267, %dma_start3A_274] : memref<256x64xf32, #tpu.memory_space<vmem>> -> memref<1x64xf32, #tpu.memory_space<vmem>>
      %dma_start3A_276 = tpu.memref_squeeze %dma_start3A_275 : memref<1x64xf32, #tpu.memory_space<vmem>> -> memref<64xf32, #tpu.memory_space<vmem>>
      %dma_start3A_277 = arith.constant 0 : i32
      %dma_start3A_278 = tpu.memref_slice %arg3[%squeeze3A_263, %dma_start3A_277] : memref<100000x64xf32, #tpu.memory_space<hbm>> -> memref<1x64xf32, #tpu.memory_space<hbm>>
      %dma_start3A_279 = tpu.memref_squeeze %dma_start3A_278 : memref<1x64xf32, #tpu.memory_space<hbm>> -> memref<64xf32, #tpu.memory_space<hbm>>
      tpu.enqueue_dma source(%dma_start3A_279 : memref<64xf32, #tpu.memory_space<hbm>>) target(%dma_start3A_276 : memref<64xf32, #tpu.memory_space<vmem>>) target_semaphore(%arg12 : memref<!tpu.dma_semaphore, #tpu.memory_space<semaphore_mem>>)
      %slice3A_280 = vector.extract_strided_slice %get3A_66 {offsets = [12], sizes = [1], strides = [1]} : vector<16xi32> to vector<1xi32>
      %squeeze3A_281 = vector.extract %slice3A_280[0] : i32 from vector<1xi32>
      %mul3A_282 = arith.constant 16 : i32
      %mul3A_283 = arith.muli %scan3A_60, %mul3A_282 : i32
      %add3A_284 = arith.constant 12 : i32
      %add3A_285 = arith.addi %mul3A_283, %add3A_284 : i32
      %dma_start3A_286 = arith.constant 0 : i32
      %dma_start3A_287 = tpu.memref_slice %arg10[%add3A_285, %dma_start3A_286] : memref<256x64xf32, #tpu.memory_space<vmem>> -> memref<1x64xf32, #tpu.memory_space<vmem>>
      %dma_start3A_288 = tpu.memref_squeeze %dma_start3A_287 : memref<1x64xf32, #tpu.memory_space<vmem>> -> memref<64xf32, #tpu.memory_space<vmem>>
      %dma_start3A_289 = arith.constant 0 : i32
      %dma_start3A_290 = tpu.memref_slice %arg3[%squeeze3A_281, %dma_start3A_289] : memref<100000x64xf32, #tpu.memory_space<hbm>> -> memref<1x64xf32, #tpu.memory_space<hbm>>
      %dma_start3A_291 = tpu.memref_squeeze %dma_start3A_290 : memref<1x64xf32, #tpu.memory_space<hbm>> -> memref<64xf32, #tpu.memory_space<hbm>>
      %dma_start3A_292 = arith.constant 0 : i32
      %dma_start3A_293 = tpu.memref_slice %arg10[%add3A_285, %dma_start3A_292] : memref<256x64xf32, #tpu.memory_space<vmem>> -> memref<1x64xf32, #tpu.memory_space<vmem>>
      %dma_start3A_294 = tpu.memref_squeeze %dma_start3A_293 : memref<1x64xf32, #tpu.memory_space<vmem>> -> memref<64xf32, #tpu.memory_space<vmem>>
      %dma_start3A_295 = arith.constant 0 : i32
      %dma_start3A_296 = tpu.memref_slice %arg3[%squeeze3A_281, %dma_start3A_295] : memref<100000x64xf32, #tpu.memory_space<hbm>> -> memref<1x64xf32, #tpu.memory_space<hbm>>
      %dma_start3A_297 = tpu.memref_squeeze %dma_start3A_296 : memref<1x64xf32, #tpu.memory_space<hbm>> -> memref<64xf32, #tpu.memory_space<hbm>>
      tpu.enqueue_dma source(%dma_start3A_297 : memref<64xf32, #tpu.memory_space<hbm>>) target(%dma_start3A_294 : memref<64xf32, #tpu.memory_space<vmem>>) target_semaphore(%arg12 : memref<!tpu.dma_semaphore, #tpu.memory_space<semaphore_mem>>)
      %slice3A_298 = vector.extract_strided_slice %get3A_66 {offsets = [13], sizes = [1], strides = [1]} : vector<16xi32> to vector<1xi32>
      %squeeze3A_299 = vector.extract %slice3A_298[0] : i32 from vector<1xi32>
      %mul3A_300 = arith.constant 16 : i32
      %mul3A_301 = arith.muli %scan3A_60, %mul3A_300 : i32
      %add3A_302 = arith.constant 13 : i32
      %add3A_303 = arith.addi %mul3A_301, %add3A_302 : i32
      %dma_start3A_304 = arith.constant 0 : i32
      %dma_start3A_305 = tpu.memref_slice %arg10[%add3A_303, %dma_start3A_304] : memref<256x64xf32, #tpu.memory_space<vmem>> -> memref<1x64xf32, #tpu.memory_space<vmem>>
      %dma_start3A_306 = tpu.memref_squeeze %dma_start3A_305 : memref<1x64xf32, #tpu.memory_space<vmem>> -> memref<64xf32, #tpu.memory_space<vmem>>
      %dma_start3A_307 = arith.constant 0 : i32
      %dma_start3A_308 = tpu.memref_slice %arg3[%squeeze3A_299, %dma_start3A_307] : memref<100000x64xf32, #tpu.memory_space<hbm>> -> memref<1x64xf32, #tpu.memory_space<hbm>>
      %dma_start3A_309 = tpu.memref_squeeze %dma_start3A_308 : memref<1x64xf32, #tpu.memory_space<hbm>> -> memref<64xf32, #tpu.memory_space<hbm>>
      %dma_start3A_310 = arith.constant 0 : i32
      %dma_start3A_311 = tpu.memref_slice %arg10[%add3A_303, %dma_start3A_310] : memref<256x64xf32, #tpu.memory_space<vmem>> -> memref<1x64xf32, #tpu.memory_space<vmem>>
      %dma_start3A_312 = tpu.memref_squeeze %dma_start3A_311 : memref<1x64xf32, #tpu.memory_space<vmem>> -> memref<64xf32, #tpu.memory_space<vmem>>
      %dma_start3A_313 = arith.constant 0 : i32
      %dma_start3A_314 = tpu.memref_slice %arg3[%squeeze3A_299, %dma_start3A_313] : memref<100000x64xf32, #tpu.memory_space<hbm>> -> memref<1x64xf32, #tpu.memory_space<hbm>>
      %dma_start3A_315 = tpu.memref_squeeze %dma_start3A_314 : memref<1x64xf32, #tpu.memory_space<hbm>> -> memref<64xf32, #tpu.memory_space<hbm>>
      tpu.enqueue_dma source(%dma_start3A_315 : memref<64xf32, #tpu.memory_space<hbm>>) target(%dma_start3A_312 : memref<64xf32, #tpu.memory_space<vmem>>) target_semaphore(%arg12 : memref<!tpu.dma_semaphore, #tpu.memory_space<semaphore_mem>>)
      %slice3A_316 = vector.extract_strided_slice %get3A_66 {offsets = [14], sizes = [1], strides = [1]} : vector<16xi32> to vector<1xi32>
      %squeeze3A_317 = vector.extract %slice3A_316[0] : i32 from vector<1xi32>
      %mul3A_318 = arith.constant 16 : i32
      %mul3A_319 = arith.muli %scan3A_60, %mul3A_318 : i32
      %add3A_320 = arith.constant 14 : i32
      %add3A_321 = arith.addi %mul3A_319, %add3A_320 : i32
      %dma_start3A_322 = arith.constant 0 : i32
      %dma_start3A_323 = tpu.memref_slice %arg10[%add3A_321, %dma_start3A_322] : memref<256x64xf32, #tpu.memory_space<vmem>> -> memref<1x64xf32, #tpu.memory_space<vmem>>
      %dma_start3A_324 = tpu.memref_squeeze %dma_start3A_323 : memref<1x64xf32, #tpu.memory_space<vmem>> -> memref<64xf32, #tpu.memory_space<vmem>>
      %dma_start3A_325 = arith.constant 0 : i32
      %dma_start3A_326 = tpu.memref_slice %arg3[%squeeze3A_317, %dma_start3A_325] : memref<100000x64xf32, #tpu.memory_space<hbm>> -> memref<1x64xf32, #tpu.memory_space<hbm>>
      %dma_start3A_327 = tpu.memref_squeeze %dma_start3A_326 : memref<1x64xf32, #tpu.memory_space<hbm>> -> memref<64xf32, #tpu.memory_space<hbm>>
      %dma_start3A_328 = arith.constant 0 : i32
      %dma_start3A_329 = tpu.memref_slice %arg10[%add3A_321, %dma_start3A_328] : memref<256x64xf32, #tpu.memory_space<vmem>> -> memref<1x64xf32, #tpu.memory_space<vmem>>
      %dma_start3A_330 = tpu.memref_squeeze %dma_start3A_329 : memref<1x64xf32, #tpu.memory_space<vmem>> -> memref<64xf32, #tpu.memory_space<vmem>>
      %dma_start3A_331 = arith.constant 0 : i32
      %dma_start3A_332 = tpu.memref_slice %arg3[%squeeze3A_317, %dma_start3A_331] : memref<100000x64xf32, #tpu.memory_space<hbm>> -> memref<1x64xf32, #tpu.memory_space<hbm>>
      %dma_start3A_333 = tpu.memref_squeeze %dma_start3A_332 : memref<1x64xf32, #tpu.memory_space<hbm>> -> memref<64xf32, #tpu.memory_space<hbm>>
      tpu.enqueue_dma source(%dma_start3A_333 : memref<64xf32, #tpu.memory_space<hbm>>) target(%dma_start3A_330 : memref<64xf32, #tpu.memory_space<vmem>>) target_semaphore(%arg12 : memref<!tpu.dma_semaphore, #tpu.memory_space<semaphore_mem>>)
      %slice3A_334 = vector.extract_strided_slice %get3A_66 {offsets = [15], sizes = [1], strides = [1]} : vector<16xi32> to vector<1xi32>
      %squeeze3A_335 = vector.extract %slice3A_334[0] : i32 from vector<1xi32>
      %mul3A_336 = arith.constant 16 : i32
      %mul3A_337 = arith.muli %scan3A_60, %mul3A_336 : i32
      %add3A_338 = arith.constant 15 : i32
      %add3A_339 = arith.addi %mul3A_337, %add3A_338 : i32
      %dma_start3A_340 = arith.constant 0 : i32
      %dma_start3A_341 = tpu.memref_slice %arg10[%add3A_339, %dma_start3A_340] : memref<256x64xf32, #tpu.memory_space<vmem>> -> memref<1x64xf32, #tpu.memory_space<vmem>>
      %dma_start3A_342 = tpu.memref_squeeze %dma_start3A_341 : memref<1x64xf32, #tpu.memory_space<vmem>> -> memref<64xf32, #tpu.memory_space<vmem>>
      %dma_start3A_343 = arith.constant 0 : i32
      %dma_start3A_344 = tpu.memref_slice %arg3[%squeeze3A_335, %dma_start3A_343] : memref<100000x64xf32, #tpu.memory_space<hbm>> -> memref<1x64xf32, #tpu.memory_space<hbm>>
      %dma_start3A_345 = tpu.memref_squeeze %dma_start3A_344 : memref<1x64xf32, #tpu.memory_space<hbm>> -> memref<64xf32, #tpu.memory_space<hbm>>
      %dma_start3A_346 = arith.constant 0 : i32
      %dma_start3A_347 = tpu.memref_slice %arg10[%add3A_339, %dma_start3A_346] : memref<256x64xf32, #tpu.memory_space<vmem>> -> memref<1x64xf32, #tpu.memory_space<vmem>>
      %dma_start3A_348 = tpu.memref_squeeze %dma_start3A_347 : memref<1x64xf32, #tpu.memory_space<vmem>> -> memref<64xf32, #tpu.memory_space<vmem>>
      %dma_start3A_349 = arith.constant 0 : i32
      %dma_start3A_350 = tpu.memref_slice %arg3[%squeeze3A_335, %dma_start3A_349] : memref<100000x64xf32, #tpu.memory_space<hbm>> -> memref<1x64xf32, #tpu.memory_space<hbm>>
      %dma_start3A_351 = tpu.memref_squeeze %dma_start3A_350 : memref<1x64xf32, #tpu.memory_space<hbm>> -> memref<64xf32, #tpu.memory_space<hbm>>
      tpu.enqueue_dma source(%dma_start3A_351 : memref<64xf32, #tpu.memory_space<hbm>>) target(%dma_start3A_348 : memref<64xf32, #tpu.memory_space<vmem>>) target_semaphore(%arg12 : memref<!tpu.dma_semaphore, #tpu.memory_space<semaphore_mem>>)
    }
    %scan3A_13 = arith.constant 16 : i32
    %dma_wait3A = arith.constant 0 : i32
    %dma_wait3A_14 = arith.constant 0 : i32
    %dma_wait3A_15 = tpu.memref_slice %arg2[%dma_wait3A, %dma_wait3A_14] : memref<100000x64xf32, #tpu.memory_space<hbm>> -> memref<256x64xf32, #tpu.memory_space<hbm>>
    %dma_wait3A_16 = arith.constant 0 : i32
    %dma_wait3A_17 = arith.constant 0 : i32
    %dma_wait3A_18 = tpu.memref_slice %arg2[%dma_wait3A_16, %dma_wait3A_17] : memref<100000x64xf32, #tpu.memory_space<hbm>> -> memref<256x64xf32, #tpu.memory_space<hbm>>
    tpu.wait_dma2 semaphore(%arg11 : memref<!tpu.dma_semaphore, #tpu.memory_space<semaphore_mem>>) src(%dma_wait3A_18 : memref<256x64xf32, #tpu.memory_space<hbm>>) dst(%arg9 : memref<256x64xf32, #tpu.memory_space<vmem>>)
    %add3A_19 = arith.constant 0 : i32
    %add3A_20 = arith.addi %mul3A_2, %add3A_19 : i32
    %run_scoped3A = arith.constant 0 : i32
    "tpu.region"() ({
      %run_scoped3A_60 = tpu.sem_alloc : memref<!tpu.dma_semaphore, #tpu.memory_space<semaphore_mem>>
      %dma_start3A = arith.constant 0 : i32
      %dma_start3A_61 = tpu.memref_slice %arg6[%run_scoped3A, %add3A_20, %dma_start3A] : memref<2x16384x64xf32, #tpu.memory_space<hbm>> -> memref<1x256x64xf32, #tpu.memory_space<hbm>>
      %dma_start3A_62 = tpu.memref_squeeze %dma_start3A_61 : memref<1x256x64xf32, #tpu.memory_space<hbm>> -> memref<256x64xf32, #tpu.memory_space<hbm>>
      %dma_start3A_63 = arith.constant 0 : i32
      %dma_start3A_64 = tpu.memref_slice %arg6[%run_scoped3A, %add3A_20, %dma_start3A_63] : memref<2x16384x64xf32, #tpu.memory_space<hbm>> -> memref<1x256x64xf32, #tpu.memory_space<hbm>>
      %dma_start3A_65 = tpu.memref_squeeze %dma_start3A_64 : memref<1x256x64xf32, #tpu.memory_space<hbm>> -> memref<256x64xf32, #tpu.memory_space<hbm>>
      tpu.enqueue_dma source(%arg9 : memref<256x64xf32, #tpu.memory_space<vmem>>) target(%dma_start3A_65 : memref<256x64xf32, #tpu.memory_space<hbm>>) target_semaphore(%run_scoped3A_60 : memref<!tpu.dma_semaphore, #tpu.memory_space<semaphore_mem>>)
      %dma_wait3A_66 = arith.constant 0 : i32
      %dma_wait3A_67 = tpu.memref_slice %arg6[%run_scoped3A, %add3A_20, %dma_wait3A_66] : memref<2x16384x64xf32, #tpu.memory_space<hbm>> -> memref<1x256x64xf32, #tpu.memory_space<hbm>>
      %dma_wait3A_68 = tpu.memref_squeeze %dma_wait3A_67 : memref<1x256x64xf32, #tpu.memory_space<hbm>> -> memref<256x64xf32, #tpu.memory_space<hbm>>
      %dma_wait3A_69 = arith.constant 0 : i32
      %dma_wait3A_70 = tpu.memref_slice %arg6[%run_scoped3A, %add3A_20, %dma_wait3A_69] : memref<2x16384x64xf32, #tpu.memory_space<hbm>> -> memref<1x256x64xf32, #tpu.memory_space<hbm>>
      %dma_wait3A_71 = tpu.memref_squeeze %dma_wait3A_70 : memref<1x256x64xf32, #tpu.memory_space<hbm>> -> memref<256x64xf32, #tpu.memory_space<hbm>>
      tpu.wait_dma2 semaphore(%run_scoped3A_60 : memref<!tpu.dma_semaphore, #tpu.memory_space<semaphore_mem>>) src(%arg9 : memref<256x64xf32, #tpu.memory_space<vmem>>) dst(%dma_wait3A_71 : memref<256x64xf32, #tpu.memory_space<hbm>>)
      tpu.yield
    }) : () -> ()
    %scan3A_21 = arith.constant 0 : i32
    %scan3A_22 = arith.constant 0 : i32
    %scan3A_23 = arith.constant 16 : i32
    %scan3A_24 = arith.addi %scan3A_22, %scan3A_23 : i32
    %scan3A_25 = arith.constant 1 : i32
    scf.for %scan3A_60 = %scan3A_22 to %scan3A_24 step %scan3A_25  : i32 {
      %mul3A_61 = arith.constant 16 : i32
      %mul3A_62 = arith.muli %scan3A_60, %mul3A_61 : i32
      %add3A_63 = arith.constant 256 : i32
      %add3A_64 = arith.addi %add3A_63, %mul3A_62 : i32
      %get3A = arith.index_cast %add3A_64 : i32 to index
      %get3A_65 = tpu.vector_load %arg7[%get3A] {strides = array<i32>} : memref<512xi32, #tpu.memory_space<vmem>>, vector<16xi32>,
      %get3A_66 = vector.shape_cast %get3A_65 : vector<16xi32> to vector<16xi32>
      %slice3A = vector.extract_strided_slice %get3A_66 {offsets = [0], sizes = [1], strides = [1]} : vector<16xi32> to vector<1xi32>
      %squeeze3A = vector.extract %slice3A[0] : i32 from vector<1xi32>
      %mul3A_67 = arith.constant 16 : i32
      %mul3A_68 = arith.muli %scan3A_60, %mul3A_67 : i32
      %add3A_69 = arith.constant 0 : i32
      %add3A_70 = arith.addi %mul3A_68, %add3A_69 : i32
      %dma_start3A = arith.constant 0 : i32
      %dma_start3A_71 = tpu.memref_slice %arg9[%add3A_70, %dma_start3A] : memref<256x64xf32, #tpu.memory_space<vmem>> -> memref<1x64xf32, #tpu.memory_space<vmem>>
      %dma_start3A_72 = tpu.memref_squeeze %dma_start3A_71 : memref<1x64xf32, #tpu.memory_space<vmem>> -> memref<64xf32, #tpu.memory_space<vmem>>
      %dma_start3A_73 = arith.constant 0 : i32
      %dma_start3A_74 = tpu.memref_slice %arg2[%squeeze3A, %dma_start3A_73] : memref<100000x64xf32, #tpu.memory_space<hbm>> -> memref<1x64xf32, #tpu.memory_space<hbm>>
      %dma_start3A_75 = tpu.memref_squeeze %dma_start3A_74 : memref<1x64xf32, #tpu.memory_space<hbm>> -> memref<64xf32, #tpu.memory_space<hbm>>
      %dma_start3A_76 = arith.constant 0 : i32
      %dma_start3A_77 = tpu.memref_slice %arg9[%add3A_70, %dma_start3A_76] : memref<256x64xf32, #tpu.memory_space<vmem>> -> memref<1x64xf32, #tpu.memory_space<vmem>>
      %dma_start3A_78 = tpu.memref_squeeze %dma_start3A_77 : memref<1x64xf32, #tpu.memory_space<vmem>> -> memref<64xf32, #tpu.memory_space<vmem>>
      %dma_start3A_79 = arith.constant 0 : i32
      %dma_start3A_80 = tpu.memref_slice %arg2[%squeeze3A, %dma_start3A_79] : memref<100000x64xf32, #tpu.memory_space<hbm>> -> memref<1x64xf32, #tpu.memory_space<hbm>>
      %dma_start3A_81 = tpu.memref_squeeze %dma_start3A_80 : memref<1x64xf32, #tpu.memory_space<hbm>> -> memref<64xf32, #tpu.memory_space<hbm>>
      tpu.enqueue_dma source(%dma_start3A_81 : memref<64xf32, #tpu.memory_space<hbm>>) target(%dma_start3A_78 : memref<64xf32, #tpu.memory_space<vmem>>) target_semaphore(%arg11 : memref<!tpu.dma_semaphore, #tpu.memory_space<semaphore_mem>>)
      %slice3A_82 = vector.extract_strided_slice %get3A_66 {offsets = [1], sizes = [1], strides = [1]} : vector<16xi32> to vector<1xi32>
      %squeeze3A_83 = vector.extract %slice3A_82[0] : i32 from vector<1xi32>
      %mul3A_84 = arith.constant 16 : i32
      %mul3A_85 = arith.muli %scan3A_60, %mul3A_84 : i32
      %add3A_86 = arith.constant 1 : i32
      %add3A_87 = arith.addi %mul3A_85, %add3A_86 : i32
      %dma_start3A_88 = arith.constant 0 : i32
      %dma_start3A_89 = tpu.memref_slice %arg9[%add3A_87, %dma_start3A_88] : memref<256x64xf32, #tpu.memory_space<vmem>> -> memref<1x64xf32, #tpu.memory_space<vmem>>
      %dma_start3A_90 = tpu.memref_squeeze %dma_start3A_89 : memref<1x64xf32, #tpu.memory_space<vmem>> -> memref<64xf32, #tpu.memory_space<vmem>>
      %dma_start3A_91 = arith.constant 0 : i32
      %dma_start3A_92 = tpu.memref_slice %arg2[%squeeze3A_83, %dma_start3A_91] : memref<100000x64xf32, #tpu.memory_space<hbm>> -> memref<1x64xf32, #tpu.memory_space<hbm>>
      %dma_start3A_93 = tpu.memref_squeeze %dma_start3A_92 : memref<1x64xf32, #tpu.memory_space<hbm>> -> memref<64xf32, #tpu.memory_space<hbm>>
      %dma_start3A_94 = arith.constant 0 : i32
      %dma_start3A_95 = tpu.memref_slice %arg9[%add3A_87, %dma_start3A_94] : memref<256x64xf32, #tpu.memory_space<vmem>> -> memref<1x64xf32, #tpu.memory_space<vmem>>
      %dma_start3A_96 = tpu.memref_squeeze %dma_start3A_95 : memref<1x64xf32, #tpu.memory_space<vmem>> -> memref<64xf32, #tpu.memory_space<vmem>>
      %dma_start3A_97 = arith.constant 0 : i32
      %dma_start3A_98 = tpu.memref_slice %arg2[%squeeze3A_83, %dma_start3A_97] : memref<100000x64xf32, #tpu.memory_space<hbm>> -> memref<1x64xf32, #tpu.memory_space<hbm>>
      %dma_start3A_99 = tpu.memref_squeeze %dma_start3A_98 : memref<1x64xf32, #tpu.memory_space<hbm>> -> memref<64xf32, #tpu.memory_space<hbm>>
      tpu.enqueue_dma source(%dma_start3A_99 : memref<64xf32, #tpu.memory_space<hbm>>) target(%dma_start3A_96 : memref<64xf32, #tpu.memory_space<vmem>>) target_semaphore(%arg11 : memref<!tpu.dma_semaphore, #tpu.memory_space<semaphore_mem>>)
      %slice3A_100 = vector.extract_strided_slice %get3A_66 {offsets = [2], sizes = [1], strides = [1]} : vector<16xi32> to vector<1xi32>
      %squeeze3A_101 = vector.extract %slice3A_100[0] : i32 from vector<1xi32>
      %mul3A_102 = arith.constant 16 : i32
      %mul3A_103 = arith.muli %scan3A_60, %mul3A_102 : i32
      %add3A_104 = arith.constant 2 : i32
      %add3A_105 = arith.addi %mul3A_103, %add3A_104 : i32
      %dma_start3A_106 = arith.constant 0 : i32
      %dma_start3A_107 = tpu.memref_slice %arg9[%add3A_105, %dma_start3A_106] : memref<256x64xf32, #tpu.memory_space<vmem>> -> memref<1x64xf32, #tpu.memory_space<vmem>>
      %dma_start3A_108 = tpu.memref_squeeze %dma_start3A_107 : memref<1x64xf32, #tpu.memory_space<vmem>> -> memref<64xf32, #tpu.memory_space<vmem>>
      %dma_start3A_109 = arith.constant 0 : i32
      %dma_start3A_110 = tpu.memref_slice %arg2[%squeeze3A_101, %dma_start3A_109] : memref<100000x64xf32, #tpu.memory_space<hbm>> -> memref<1x64xf32, #tpu.memory_space<hbm>>
      %dma_start3A_111 = tpu.memref_squeeze %dma_start3A_110 : memref<1x64xf32, #tpu.memory_space<hbm>> -> memref<64xf32, #tpu.memory_space<hbm>>
      %dma_start3A_112 = arith.constant 0 : i32
      %dma_start3A_113 = tpu.memref_slice %arg9[%add3A_105, %dma_start3A_112] : memref<256x64xf32, #tpu.memory_space<vmem>> -> memref<1x64xf32, #tpu.memory_space<vmem>>
      %dma_start3A_114 = tpu.memref_squeeze %dma_start3A_113 : memref<1x64xf32, #tpu.memory_space<vmem>> -> memref<64xf32, #tpu.memory_space<vmem>>
      %dma_start3A_115 = arith.constant 0 : i32
      %dma_start3A_116 = tpu.memref_slice %arg2[%squeeze3A_101, %dma_start3A_115] : memref<100000x64xf32, #tpu.memory_space<hbm>> -> memref<1x64xf32, #tpu.memory_space<hbm>>
      %dma_start3A_117 = tpu.memref_squeeze %dma_start3A_116 : memref<1x64xf32, #tpu.memory_space<hbm>> -> memref<64xf32, #tpu.memory_space<hbm>>
      tpu.enqueue_dma source(%dma_start3A_117 : memref<64xf32, #tpu.memory_space<hbm>>) target(%dma_start3A_114 : memref<64xf32, #tpu.memory_space<vmem>>) target_semaphore(%arg11 : memref<!tpu.dma_semaphore, #tpu.memory_space<semaphore_mem>>)
      %slice3A_118 = vector.extract_strided_slice %get3A_66 {offsets = [3], sizes = [1], strides = [1]} : vector<16xi32> to vector<1xi32>
      %squeeze3A_119 = vector.extract %slice3A_118[0] : i32 from vector<1xi32>
      %mul3A_120 = arith.constant 16 : i32
      %mul3A_121 = arith.muli %scan3A_60, %mul3A_120 : i32
      %add3A_122 = arith.constant 3 : i32
      %add3A_123 = arith.addi %mul3A_121, %add3A_122 : i32
      %dma_start3A_124 = arith.constant 0 : i32
      %dma_start3A_125 = tpu.memref_slice %arg9[%add3A_123, %dma_start3A_124] : memref<256x64xf32, #tpu.memory_space<vmem>> -> memref<1x64xf32, #tpu.memory_space<vmem>>
      %dma_start3A_126 = tpu.memref_squeeze %dma_start3A_125 : memref<1x64xf32, #tpu.memory_space<vmem>> -> memref<64xf32, #tpu.memory_space<vmem>>
      %dma_start3A_127 = arith.constant 0 : i32
      %dma_start3A_128 = tpu.memref_slice %arg2[%squeeze3A_119, %dma_start3A_127] : memref<100000x64xf32, #tpu.memory_space<hbm>> -> memref<1x64xf32, #tpu.memory_space<hbm>>
      %dma_start3A_129 = tpu.memref_squeeze %dma_start3A_128 : memref<1x64xf32, #tpu.memory_space<hbm>> -> memref<64xf32, #tpu.memory_space<hbm>>
      %dma_start3A_130 = arith.constant 0 : i32
      %dma_start3A_131 = tpu.memref_slice %arg9[%add3A_123, %dma_start3A_130] : memref<256x64xf32, #tpu.memory_space<vmem>> -> memref<1x64xf32, #tpu.memory_space<vmem>>
      %dma_start3A_132 = tpu.memref_squeeze %dma_start3A_131 : memref<1x64xf32, #tpu.memory_space<vmem>> -> memref<64xf32, #tpu.memory_space<vmem>>
      %dma_start3A_133 = arith.constant 0 : i32
      %dma_start3A_134 = tpu.memref_slice %arg2[%squeeze3A_119, %dma_start3A_133] : memref<100000x64xf32, #tpu.memory_space<hbm>> -> memref<1x64xf32, #tpu.memory_space<hbm>>
      %dma_start3A_135 = tpu.memref_squeeze %dma_start3A_134 : memref<1x64xf32, #tpu.memory_space<hbm>> -> memref<64xf32, #tpu.memory_space<hbm>>
      tpu.enqueue_dma source(%dma_start3A_135 : memref<64xf32, #tpu.memory_space<hbm>>) target(%dma_start3A_132 : memref<64xf32, #tpu.memory_space<vmem>>) target_semaphore(%arg11 : memref<!tpu.dma_semaphore, #tpu.memory_space<semaphore_mem>>)
      %slice3A_136 = vector.extract_strided_slice %get3A_66 {offsets = [4], sizes = [1], strides = [1]} : vector<16xi32> to vector<1xi32>
      %squeeze3A_137 = vector.extract %slice3A_136[0] : i32 from vector<1xi32>
      %mul3A_138 = arith.constant 16 : i32
      %mul3A_139 = arith.muli %scan3A_60, %mul3A_138 : i32
      %add3A_140 = arith.constant 4 : i32
      %add3A_141 = arith.addi %mul3A_139, %add3A_140 : i32
      %dma_start3A_142 = arith.constant 0 : i32
      %dma_start3A_143 = tpu.memref_slice %arg9[%add3A_141, %dma_start3A_142] : memref<256x64xf32, #tpu.memory_space<vmem>> -> memref<1x64xf32, #tpu.memory_space<vmem>>
      %dma_start3A_144 = tpu.memref_squeeze %dma_start3A_143 : memref<1x64xf32, #tpu.memory_space<vmem>> -> memref<64xf32, #tpu.memory_space<vmem>>
      %dma_start3A_145 = arith.constant 0 : i32
      %dma_start3A_146 = tpu.memref_slice %arg2[%squeeze3A_137, %dma_start3A_145] : memref<100000x64xf32, #tpu.memory_space<hbm>> -> memref<1x64xf32, #tpu.memory_space<hbm>>
      %dma_start3A_147 = tpu.memref_squeeze %dma_start3A_146 : memref<1x64xf32, #tpu.memory_space<hbm>> -> memref<64xf32, #tpu.memory_space<hbm>>
      %dma_start3A_148 = arith.constant 0 : i32
      %dma_start3A_149 = tpu.memref_slice %arg9[%add3A_141, %dma_start3A_148] : memref<256x64xf32, #tpu.memory_space<vmem>> -> memref<1x64xf32, #tpu.memory_space<vmem>>
      %dma_start3A_150 = tpu.memref_squeeze %dma_start3A_149 : memref<1x64xf32, #tpu.memory_space<vmem>> -> memref<64xf32, #tpu.memory_space<vmem>>
      %dma_start3A_151 = arith.constant 0 : i32
      %dma_start3A_152 = tpu.memref_slice %arg2[%squeeze3A_137, %dma_start3A_151] : memref<100000x64xf32, #tpu.memory_space<hbm>> -> memref<1x64xf32, #tpu.memory_space<hbm>>
      %dma_start3A_153 = tpu.memref_squeeze %dma_start3A_152 : memref<1x64xf32, #tpu.memory_space<hbm>> -> memref<64xf32, #tpu.memory_space<hbm>>
      tpu.enqueue_dma source(%dma_start3A_153 : memref<64xf32, #tpu.memory_space<hbm>>) target(%dma_start3A_150 : memref<64xf32, #tpu.memory_space<vmem>>) target_semaphore(%arg11 : memref<!tpu.dma_semaphore, #tpu.memory_space<semaphore_mem>>)
      %slice3A_154 = vector.extract_strided_slice %get3A_66 {offsets = [5], sizes = [1], strides = [1]} : vector<16xi32> to vector<1xi32>
      %squeeze3A_155 = vector.extract %slice3A_154[0] : i32 from vector<1xi32>
      %mul3A_156 = arith.constant 16 : i32
      %mul3A_157 = arith.muli %scan3A_60, %mul3A_156 : i32
      %add3A_158 = arith.constant 5 : i32
      %add3A_159 = arith.addi %mul3A_157, %add3A_158 : i32
      %dma_start3A_160 = arith.constant 0 : i32
      %dma_start3A_161 = tpu.memref_slice %arg9[%add3A_159, %dma_start3A_160] : memref<256x64xf32, #tpu.memory_space<vmem>> -> memref<1x64xf32, #tpu.memory_space<vmem>>
      %dma_start3A_162 = tpu.memref_squeeze %dma_start3A_161 : memref<1x64xf32, #tpu.memory_space<vmem>> -> memref<64xf32, #tpu.memory_space<vmem>>
      %dma_start3A_163 = arith.constant 0 : i32
      %dma_start3A_164 = tpu.memref_slice %arg2[%squeeze3A_155, %dma_start3A_163] : memref<100000x64xf32, #tpu.memory_space<hbm>> -> memref<1x64xf32, #tpu.memory_space<hbm>>
      %dma_start3A_165 = tpu.memref_squeeze %dma_start3A_164 : memref<1x64xf32, #tpu.memory_space<hbm>> -> memref<64xf32, #tpu.memory_space<hbm>>
      %dma_start3A_166 = arith.constant 0 : i32
      %dma_start3A_167 = tpu.memref_slice %arg9[%add3A_159, %dma_start3A_166] : memref<256x64xf32, #tpu.memory_space<vmem>> -> memref<1x64xf32, #tpu.memory_space<vmem>>
      %dma_start3A_168 = tpu.memref_squeeze %dma_start3A_167 : memref<1x64xf32, #tpu.memory_space<vmem>> -> memref<64xf32, #tpu.memory_space<vmem>>
      %dma_start3A_169 = arith.constant 0 : i32
      %dma_start3A_170 = tpu.memref_slice %arg2[%squeeze3A_155, %dma_start3A_169] : memref<100000x64xf32, #tpu.memory_space<hbm>> -> memref<1x64xf32, #tpu.memory_space<hbm>>
      %dma_start3A_171 = tpu.memref_squeeze %dma_start3A_170 : memref<1x64xf32, #tpu.memory_space<hbm>> -> memref<64xf32, #tpu.memory_space<hbm>>
      tpu.enqueue_dma source(%dma_start3A_171 : memref<64xf32, #tpu.memory_space<hbm>>) target(%dma_start3A_168 : memref<64xf32, #tpu.memory_space<vmem>>) target_semaphore(%arg11 : memref<!tpu.dma_semaphore, #tpu.memory_space<semaphore_mem>>)
      %slice3A_172 = vector.extract_strided_slice %get3A_66 {offsets = [6], sizes = [1], strides = [1]} : vector<16xi32> to vector<1xi32>
      %squeeze3A_173 = vector.extract %slice3A_172[0] : i32 from vector<1xi32>
      %mul3A_174 = arith.constant 16 : i32
      %mul3A_175 = arith.muli %scan3A_60, %mul3A_174 : i32
      %add3A_176 = arith.constant 6 : i32
      %add3A_177 = arith.addi %mul3A_175, %add3A_176 : i32
      %dma_start3A_178 = arith.constant 0 : i32
      %dma_start3A_179 = tpu.memref_slice %arg9[%add3A_177, %dma_start3A_178] : memref<256x64xf32, #tpu.memory_space<vmem>> -> memref<1x64xf32, #tpu.memory_space<vmem>>
      %dma_start3A_180 = tpu.memref_squeeze %dma_start3A_179 : memref<1x64xf32, #tpu.memory_space<vmem>> -> memref<64xf32, #tpu.memory_space<vmem>>
      %dma_start3A_181 = arith.constant 0 : i32
      %dma_start3A_182 = tpu.memref_slice %arg2[%squeeze3A_173, %dma_start3A_181] : memref<100000x64xf32, #tpu.memory_space<hbm>> -> memref<1x64xf32, #tpu.memory_space<hbm>>
      %dma_start3A_183 = tpu.memref_squeeze %dma_start3A_182 : memref<1x64xf32, #tpu.memory_space<hbm>> -> memref<64xf32, #tpu.memory_space<hbm>>
      %dma_start3A_184 = arith.constant 0 : i32
      %dma_start3A_185 = tpu.memref_slice %arg9[%add3A_177, %dma_start3A_184] : memref<256x64xf32, #tpu.memory_space<vmem>> -> memref<1x64xf32, #tpu.memory_space<vmem>>
      %dma_start3A_186 = tpu.memref_squeeze %dma_start3A_185 : memref<1x64xf32, #tpu.memory_space<vmem>> -> memref<64xf32, #tpu.memory_space<vmem>>
      %dma_start3A_187 = arith.constant 0 : i32
      %dma_start3A_188 = tpu.memref_slice %arg2[%squeeze3A_173, %dma_start3A_187] : memref<100000x64xf32, #tpu.memory_space<hbm>> -> memref<1x64xf32, #tpu.memory_space<hbm>>
      %dma_start3A_189 = tpu.memref_squeeze %dma_start3A_188 : memref<1x64xf32, #tpu.memory_space<hbm>> -> memref<64xf32, #tpu.memory_space<hbm>>
      tpu.enqueue_dma source(%dma_start3A_189 : memref<64xf32, #tpu.memory_space<hbm>>) target(%dma_start3A_186 : memref<64xf32, #tpu.memory_space<vmem>>) target_semaphore(%arg11 : memref<!tpu.dma_semaphore, #tpu.memory_space<semaphore_mem>>)
      %slice3A_190 = vector.extract_strided_slice %get3A_66 {offsets = [7], sizes = [1], strides = [1]} : vector<16xi32> to vector<1xi32>
      %squeeze3A_191 = vector.extract %slice3A_190[0] : i32 from vector<1xi32>
      %mul3A_192 = arith.constant 16 : i32
      %mul3A_193 = arith.muli %scan3A_60, %mul3A_192 : i32
      %add3A_194 = arith.constant 7 : i32
      %add3A_195 = arith.addi %mul3A_193, %add3A_194 : i32
      %dma_start3A_196 = arith.constant 0 : i32
      %dma_start3A_197 = tpu.memref_slice %arg9[%add3A_195, %dma_start3A_196] : memref<256x64xf32, #tpu.memory_space<vmem>> -> memref<1x64xf32, #tpu.memory_space<vmem>>
      %dma_start3A_198 = tpu.memref_squeeze %dma_start3A_197 : memref<1x64xf32, #tpu.memory_space<vmem>> -> memref<64xf32, #tpu.memory_space<vmem>>
      %dma_start3A_199 = arith.constant 0 : i32
      %dma_start3A_200 = tpu.memref_slice %arg2[%squeeze3A_191, %dma_start3A_199] : memref<100000x64xf32, #tpu.memory_space<hbm>> -> memref<1x64xf32, #tpu.memory_space<hbm>>
      %dma_start3A_201 = tpu.memref_squeeze %dma_start3A_200 : memref<1x64xf32, #tpu.memory_space<hbm>> -> memref<64xf32, #tpu.memory_space<hbm>>
      %dma_start3A_202 = arith.constant 0 : i32
      %dma_start3A_203 = tpu.memref_slice %arg9[%add3A_195, %dma_start3A_202] : memref<256x64xf32, #tpu.memory_space<vmem>> -> memref<1x64xf32, #tpu.memory_space<vmem>>
      %dma_start3A_204 = tpu.memref_squeeze %dma_start3A_203 : memref<1x64xf32, #tpu.memory_space<vmem>> -> memref<64xf32, #tpu.memory_space<vmem>>
      %dma_start3A_205 = arith.constant 0 : i32
      %dma_start3A_206 = tpu.memref_slice %arg2[%squeeze3A_191, %dma_start3A_205] : memref<100000x64xf32, #tpu.memory_space<hbm>> -> memref<1x64xf32, #tpu.memory_space<hbm>>
      %dma_start3A_207 = tpu.memref_squeeze %dma_start3A_206 : memref<1x64xf32, #tpu.memory_space<hbm>> -> memref<64xf32, #tpu.memory_space<hbm>>
      tpu.enqueue_dma source(%dma_start3A_207 : memref<64xf32, #tpu.memory_space<hbm>>) target(%dma_start3A_204 : memref<64xf32, #tpu.memory_space<vmem>>) target_semaphore(%arg11 : memref<!tpu.dma_semaphore, #tpu.memory_space<semaphore_mem>>)
      %slice3A_208 = vector.extract_strided_slice %get3A_66 {offsets = [8], sizes = [1], strides = [1]} : vector<16xi32> to vector<1xi32>
      %squeeze3A_209 = vector.extract %slice3A_208[0] : i32 from vector<1xi32>
      %mul3A_210 = arith.constant 16 : i32
      %mul3A_211 = arith.muli %scan3A_60, %mul3A_210 : i32
      %add3A_212 = arith.constant 8 : i32
      %add3A_213 = arith.addi %mul3A_211, %add3A_212 : i32
      %dma_start3A_214 = arith.constant 0 : i32
      %dma_start3A_215 = tpu.memref_slice %arg9[%add3A_213, %dma_start3A_214] : memref<256x64xf32, #tpu.memory_space<vmem>> -> memref<1x64xf32, #tpu.memory_space<vmem>>
      %dma_start3A_216 = tpu.memref_squeeze %dma_start3A_215 : memref<1x64xf32, #tpu.memory_space<vmem>> -> memref<64xf32, #tpu.memory_space<vmem>>
      %dma_start3A_217 = arith.constant 0 : i32
      %dma_start3A_218 = tpu.memref_slice %arg2[%squeeze3A_209, %dma_start3A_217] : memref<100000x64xf32, #tpu.memory_space<hbm>> -> memref<1x64xf32, #tpu.memory_space<hbm>>
      %dma_start3A_219 = tpu.memref_squeeze %dma_start3A_218 : memref<1x64xf32, #tpu.memory_space<hbm>> -> memref<64xf32, #tpu.memory_space<hbm>>
      %dma_start3A_220 = arith.constant 0 : i32
      %dma_start3A_221 = tpu.memref_slice %arg9[%add3A_213, %dma_start3A_220] : memref<256x64xf32, #tpu.memory_space<vmem>> -> memref<1x64xf32, #tpu.memory_space<vmem>>
      %dma_start3A_222 = tpu.memref_squeeze %dma_start3A_221 : memref<1x64xf32, #tpu.memory_space<vmem>> -> memref<64xf32, #tpu.memory_space<vmem>>
      %dma_start3A_223 = arith.constant 0 : i32
      %dma_start3A_224 = tpu.memref_slice %arg2[%squeeze3A_209, %dma_start3A_223] : memref<100000x64xf32, #tpu.memory_space<hbm>> -> memref<1x64xf32, #tpu.memory_space<hbm>>
      %dma_start3A_225 = tpu.memref_squeeze %dma_start3A_224 : memref<1x64xf32, #tpu.memory_space<hbm>> -> memref<64xf32, #tpu.memory_space<hbm>>
      tpu.enqueue_dma source(%dma_start3A_225 : memref<64xf32, #tpu.memory_space<hbm>>) target(%dma_start3A_222 : memref<64xf32, #tpu.memory_space<vmem>>) target_semaphore(%arg11 : memref<!tpu.dma_semaphore, #tpu.memory_space<semaphore_mem>>)
      %slice3A_226 = vector.extract_strided_slice %get3A_66 {offsets = [9], sizes = [1], strides = [1]} : vector<16xi32> to vector<1xi32>
      %squeeze3A_227 = vector.extract %slice3A_226[0] : i32 from vector<1xi32>
      %mul3A_228 = arith.constant 16 : i32
      %mul3A_229 = arith.muli %scan3A_60, %mul3A_228 : i32
      %add3A_230 = arith.constant 9 : i32
      %add3A_231 = arith.addi %mul3A_229, %add3A_230 : i32
      %dma_start3A_232 = arith.constant 0 : i32
      %dma_start3A_233 = tpu.memref_slice %arg9[%add3A_231, %dma_start3A_232] : memref<256x64xf32, #tpu.memory_space<vmem>> -> memref<1x64xf32, #tpu.memory_space<vmem>>
      %dma_start3A_234 = tpu.memref_squeeze %dma_start3A_233 : memref<1x64xf32, #tpu.memory_space<vmem>> -> memref<64xf32, #tpu.memory_space<vmem>>
      %dma_start3A_235 = arith.constant 0 : i32
      %dma_start3A_236 = tpu.memref_slice %arg2[%squeeze3A_227, %dma_start3A_235] : memref<100000x64xf32, #tpu.memory_space<hbm>> -> memref<1x64xf32, #tpu.memory_space<hbm>>
      %dma_start3A_237 = tpu.memref_squeeze %dma_start3A_236 : memref<1x64xf32, #tpu.memory_space<hbm>> -> memref<64xf32, #tpu.memory_space<hbm>>
      %dma_start3A_238 = arith.constant 0 : i32
      %dma_start3A_239 = tpu.memref_slice %arg9[%add3A_231, %dma_start3A_238] : memref<256x64xf32, #tpu.memory_space<vmem>> -> memref<1x64xf32, #tpu.memory_space<vmem>>
      %dma_start3A_240 = tpu.memref_squeeze %dma_start3A_239 : memref<1x64xf32, #tpu.memory_space<vmem>> -> memref<64xf32, #tpu.memory_space<vmem>>
      %dma_start3A_241 = arith.constant 0 : i32
      %dma_start3A_242 = tpu.memref_slice %arg2[%squeeze3A_227, %dma_start3A_241] : memref<100000x64xf32, #tpu.memory_space<hbm>> -> memref<1x64xf32, #tpu.memory_space<hbm>>
      %dma_start3A_243 = tpu.memref_squeeze %dma_start3A_242 : memref<1x64xf32, #tpu.memory_space<hbm>> -> memref<64xf32, #tpu.memory_space<hbm>>
      tpu.enqueue_dma source(%dma_start3A_243 : memref<64xf32, #tpu.memory_space<hbm>>) target(%dma_start3A_240 : memref<64xf32, #tpu.memory_space<vmem>>) target_semaphore(%arg11 : memref<!tpu.dma_semaphore, #tpu.memory_space<semaphore_mem>>)
      %slice3A_244 = vector.extract_strided_slice %get3A_66 {offsets = [10], sizes = [1], strides = [1]} : vector<16xi32> to vector<1xi32>
      %squeeze3A_245 = vector.extract %slice3A_244[0] : i32 from vector<1xi32>
      %mul3A_246 = arith.constant 16 : i32
      %mul3A_247 = arith.muli %scan3A_60, %mul3A_246 : i32
      %add3A_248 = arith.constant 10 : i32
      %add3A_249 = arith.addi %mul3A_247, %add3A_248 : i32
      %dma_start3A_250 = arith.constant 0 : i32
      %dma_start3A_251 = tpu.memref_slice %arg9[%add3A_249, %dma_start3A_250] : memref<256x64xf32, #tpu.memory_space<vmem>> -> memref<1x64xf32, #tpu.memory_space<vmem>>
      %dma_start3A_252 = tpu.memref_squeeze %dma_start3A_251 : memref<1x64xf32, #tpu.memory_space<vmem>> -> memref<64xf32, #tpu.memory_space<vmem>>
      %dma_start3A_253 = arith.constant 0 : i32
      %dma_start3A_254 = tpu.memref_slice %arg2[%squeeze3A_245, %dma_start3A_253] : memref<100000x64xf32, #tpu.memory_space<hbm>> -> memref<1x64xf32, #tpu.memory_space<hbm>>
      %dma_start3A_255 = tpu.memref_squeeze %dma_start3A_254 : memref<1x64xf32, #tpu.memory_space<hbm>> -> memref<64xf32, #tpu.memory_space<hbm>>
      %dma_start3A_256 = arith.constant 0 : i32
      %dma_start3A_257 = tpu.memref_slice %arg9[%add3A_249, %dma_start3A_256] : memref<256x64xf32, #tpu.memory_space<vmem>> -> memref<1x64xf32, #tpu.memory_space<vmem>>
      %dma_start3A_258 = tpu.memref_squeeze %dma_start3A_257 : memref<1x64xf32, #tpu.memory_space<vmem>> -> memref<64xf32, #tpu.memory_space<vmem>>
      %dma_start3A_259 = arith.constant 0 : i32
      %dma_start3A_260 = tpu.memref_slice %arg2[%squeeze3A_245, %dma_start3A_259] : memref<100000x64xf32, #tpu.memory_space<hbm>> -> memref<1x64xf32, #tpu.memory_space<hbm>>
      %dma_start3A_261 = tpu.memref_squeeze %dma_start3A_260 : memref<1x64xf32, #tpu.memory_space<hbm>> -> memref<64xf32, #tpu.memory_space<hbm>>
      tpu.enqueue_dma source(%dma_start3A_261 : memref<64xf32, #tpu.memory_space<hbm>>) target(%dma_start3A_258 : memref<64xf32, #tpu.memory_space<vmem>>) target_semaphore(%arg11 : memref<!tpu.dma_semaphore, #tpu.memory_space<semaphore_mem>>)
      %slice3A_262 = vector.extract_strided_slice %get3A_66 {offsets = [11], sizes = [1], strides = [1]} : vector<16xi32> to vector<1xi32>
      %squeeze3A_263 = vector.extract %slice3A_262[0] : i32 from vector<1xi32>
      %mul3A_264 = arith.constant 16 : i32
      %mul3A_265 = arith.muli %scan3A_60, %mul3A_264 : i32
      %add3A_266 = arith.constant 11 : i32
      %add3A_267 = arith.addi %mul3A_265, %add3A_266 : i32
      %dma_start3A_268 = arith.constant 0 : i32
      %dma_start3A_269 = tpu.memref_slice %arg9[%add3A_267, %dma_start3A_268] : memref<256x64xf32, #tpu.memory_space<vmem>> -> memref<1x64xf32, #tpu.memory_space<vmem>>
      %dma_start3A_270 = tpu.memref_squeeze %dma_start3A_269 : memref<1x64xf32, #tpu.memory_space<vmem>> -> memref<64xf32, #tpu.memory_space<vmem>>
      %dma_start3A_271 = arith.constant 0 : i32
      %dma_start3A_272 = tpu.memref_slice %arg2[%squeeze3A_263, %dma_start3A_271] : memref<100000x64xf32, #tpu.memory_space<hbm>> -> memref<1x64xf32, #tpu.memory_space<hbm>>
      %dma_start3A_273 = tpu.memref_squeeze %dma_start3A_272 : memref<1x64xf32, #tpu.memory_space<hbm>> -> memref<64xf32, #tpu.memory_space<hbm>>
      %dma_start3A_274 = arith.constant 0 : i32
      %dma_start3A_275 = tpu.memref_slice %arg9[%add3A_267, %dma_start3A_274] : memref<256x64xf32, #tpu.memory_space<vmem>> -> memref<1x64xf32, #tpu.memory_space<vmem>>
      %dma_start3A_276 = tpu.memref_squeeze %dma_start3A_275 : memref<1x64xf32, #tpu.memory_space<vmem>> -> memref<64xf32, #tpu.memory_space<vmem>>
      %dma_start3A_277 = arith.constant 0 : i32
      %dma_start3A_278 = tpu.memref_slice %arg2[%squeeze3A_263, %dma_start3A_277] : memref<100000x64xf32, #tpu.memory_space<hbm>> -> memref<1x64xf32, #tpu.memory_space<hbm>>
      %dma_start3A_279 = tpu.memref_squeeze %dma_start3A_278 : memref<1x64xf32, #tpu.memory_space<hbm>> -> memref<64xf32, #tpu.memory_space<hbm>>
      tpu.enqueue_dma source(%dma_start3A_279 : memref<64xf32, #tpu.memory_space<hbm>>) target(%dma_start3A_276 : memref<64xf32, #tpu.memory_space<vmem>>) target_semaphore(%arg11 : memref<!tpu.dma_semaphore, #tpu.memory_space<semaphore_mem>>)
      %slice3A_280 = vector.extract_strided_slice %get3A_66 {offsets = [12], sizes = [1], strides = [1]} : vector<16xi32> to vector<1xi32>
      %squeeze3A_281 = vector.extract %slice3A_280[0] : i32 from vector<1xi32>
      %mul3A_282 = arith.constant 16 : i32
      %mul3A_283 = arith.muli %scan3A_60, %mul3A_282 : i32
      %add3A_284 = arith.constant 12 : i32
      %add3A_285 = arith.addi %mul3A_283, %add3A_284 : i32
      %dma_start3A_286 = arith.constant 0 : i32
      %dma_start3A_287 = tpu.memref_slice %arg9[%add3A_285, %dma_start3A_286] : memref<256x64xf32, #tpu.memory_space<vmem>> -> memref<1x64xf32, #tpu.memory_space<vmem>>
      %dma_start3A_288 = tpu.memref_squeeze %dma_start3A_287 : memref<1x64xf32, #tpu.memory_space<vmem>> -> memref<64xf32, #tpu.memory_space<vmem>>
      %dma_start3A_289 = arith.constant 0 : i32
      %dma_start3A_290 = tpu.memref_slice %arg2[%squeeze3A_281, %dma_start3A_289] : memref<100000x64xf32, #tpu.memory_space<hbm>> -> memref<1x64xf32, #tpu.memory_space<hbm>>
      %dma_start3A_291 = tpu.memref_squeeze %dma_start3A_290 : memref<1x64xf32, #tpu.memory_space<hbm>> -> memref<64xf32, #tpu.memory_space<hbm>>
      %dma_start3A_292 = arith.constant 0 : i32
      %dma_start3A_293 = tpu.memref_slice %arg9[%add3A_285, %dma_start3A_292] : memref<256x64xf32, #tpu.memory_space<vmem>> -> memref<1x64xf32, #tpu.memory_space<vmem>>
      %dma_start3A_294 = tpu.memref_squeeze %dma_start3A_293 : memref<1x64xf32, #tpu.memory_space<vmem>> -> memref<64xf32, #tpu.memory_space<vmem>>
      %dma_start3A_295 = arith.constant 0 : i32
      %dma_start3A_296 = tpu.memref_slice %arg2[%squeeze3A_281, %dma_start3A_295] : memref<100000x64xf32, #tpu.memory_space<hbm>> -> memref<1x64xf32, #tpu.memory_space<hbm>>
      %dma_start3A_297 = tpu.memref_squeeze %dma_start3A_296 : memref<1x64xf32, #tpu.memory_space<hbm>> -> memref<64xf32, #tpu.memory_space<hbm>>
      tpu.enqueue_dma source(%dma_start3A_297 : memref<64xf32, #tpu.memory_space<hbm>>) target(%dma_start3A_294 : memref<64xf32, #tpu.memory_space<vmem>>) target_semaphore(%arg11 : memref<!tpu.dma_semaphore, #tpu.memory_space<semaphore_mem>>)
      %slice3A_298 = vector.extract_strided_slice %get3A_66 {offsets = [13], sizes = [1], strides = [1]} : vector<16xi32> to vector<1xi32>
      %squeeze3A_299 = vector.extract %slice3A_298[0] : i32 from vector<1xi32>
      %mul3A_300 = arith.constant 16 : i32
      %mul3A_301 = arith.muli %scan3A_60, %mul3A_300 : i32
      %add3A_302 = arith.constant 13 : i32
      %add3A_303 = arith.addi %mul3A_301, %add3A_302 : i32
      %dma_start3A_304 = arith.constant 0 : i32
      %dma_start3A_305 = tpu.memref_slice %arg9[%add3A_303, %dma_start3A_304] : memref<256x64xf32, #tpu.memory_space<vmem>> -> memref<1x64xf32, #tpu.memory_space<vmem>>
      %dma_start3A_306 = tpu.memref_squeeze %dma_start3A_305 : memref<1x64xf32, #tpu.memory_space<vmem>> -> memref<64xf32, #tpu.memory_space<vmem>>
      %dma_start3A_307 = arith.constant 0 : i32
      %dma_start3A_308 = tpu.memref_slice %arg2[%squeeze3A_299, %dma_start3A_307] : memref<100000x64xf32, #tpu.memory_space<hbm>> -> memref<1x64xf32, #tpu.memory_space<hbm>>
      %dma_start3A_309 = tpu.memref_squeeze %dma_start3A_308 : memref<1x64xf32, #tpu.memory_space<hbm>> -> memref<64xf32, #tpu.memory_space<hbm>>
      %dma_start3A_310 = arith.constant 0 : i32
      %dma_start3A_311 = tpu.memref_slice %arg9[%add3A_303, %dma_start3A_310] : memref<256x64xf32, #tpu.memory_space<vmem>> -> memref<1x64xf32, #tpu.memory_space<vmem>>
      %dma_start3A_312 = tpu.memref_squeeze %dma_start3A_311 : memref<1x64xf32, #tpu.memory_space<vmem>> -> memref<64xf32, #tpu.memory_space<vmem>>
      %dma_start3A_313 = arith.constant 0 : i32
      %dma_start3A_314 = tpu.memref_slice %arg2[%squeeze3A_299, %dma_start3A_313] : memref<100000x64xf32, #tpu.memory_space<hbm>> -> memref<1x64xf32, #tpu.memory_space<hbm>>
      %dma_start3A_315 = tpu.memref_squeeze %dma_start3A_314 : memref<1x64xf32, #tpu.memory_space<hbm>> -> memref<64xf32, #tpu.memory_space<hbm>>
      tpu.enqueue_dma source(%dma_start3A_315 : memref<64xf32, #tpu.memory_space<hbm>>) target(%dma_start3A_312 : memref<64xf32, #tpu.memory_space<vmem>>) target_semaphore(%arg11 : memref<!tpu.dma_semaphore, #tpu.memory_space<semaphore_mem>>)
      %slice3A_316 = vector.extract_strided_slice %get3A_66 {offsets = [14], sizes = [1], strides = [1]} : vector<16xi32> to vector<1xi32>
      %squeeze3A_317 = vector.extract %slice3A_316[0] : i32 from vector<1xi32>
      %mul3A_318 = arith.constant 16 : i32
      %mul3A_319 = arith.muli %scan3A_60, %mul3A_318 : i32
      %add3A_320 = arith.constant 14 : i32
      %add3A_321 = arith.addi %mul3A_319, %add3A_320 : i32
      %dma_start3A_322 = arith.constant 0 : i32
      %dma_start3A_323 = tpu.memref_slice %arg9[%add3A_321, %dma_start3A_322] : memref<256x64xf32, #tpu.memory_space<vmem>> -> memref<1x64xf32, #tpu.memory_space<vmem>>
      %dma_start3A_324 = tpu.memref_squeeze %dma_start3A_323 : memref<1x64xf32, #tpu.memory_space<vmem>> -> memref<64xf32, #tpu.memory_space<vmem>>
      %dma_start3A_325 = arith.constant 0 : i32
      %dma_start3A_326 = tpu.memref_slice %arg2[%squeeze3A_317, %dma_start3A_325] : memref<100000x64xf32, #tpu.memory_space<hbm>> -> memref<1x64xf32, #tpu.memory_space<hbm>>
      %dma_start3A_327 = tpu.memref_squeeze %dma_start3A_326 : memref<1x64xf32, #tpu.memory_space<hbm>> -> memref<64xf32, #tpu.memory_space<hbm>>
      %dma_start3A_328 = arith.constant 0 : i32
      %dma_start3A_329 = tpu.memref_slice %arg9[%add3A_321, %dma_start3A_328] : memref<256x64xf32, #tpu.memory_space<vmem>> -> memref<1x64xf32, #tpu.memory_space<vmem>>
      %dma_start3A_330 = tpu.memref_squeeze %dma_start3A_329 : memref<1x64xf32, #tpu.memory_space<vmem>> -> memref<64xf32, #tpu.memory_space<vmem>>
      %dma_start3A_331 = arith.constant 0 : i32
      %dma_start3A_332 = tpu.memref_slice %arg2[%squeeze3A_317, %dma_start3A_331] : memref<100000x64xf32, #tpu.memory_space<hbm>> -> memref<1x64xf32, #tpu.memory_space<hbm>>
      %dma_start3A_333 = tpu.memref_squeeze %dma_start3A_332 : memref<1x64xf32, #tpu.memory_space<hbm>> -> memref<64xf32, #tpu.memory_space<hbm>>
      tpu.enqueue_dma source(%dma_start3A_333 : memref<64xf32, #tpu.memory_space<hbm>>) target(%dma_start3A_330 : memref<64xf32, #tpu.memory_space<vmem>>) target_semaphore(%arg11 : memref<!tpu.dma_semaphore, #tpu.memory_space<semaphore_mem>>)
      %slice3A_334 = vector.extract_strided_slice %get3A_66 {offsets = [15], sizes = [1], strides = [1]} : vector<16xi32> to vector<1xi32>
      %squeeze3A_335 = vector.extract %slice3A_334[0] : i32 from vector<1xi32>
      %mul3A_336 = arith.constant 16 : i32
      %mul3A_337 = arith.muli %scan3A_60, %mul3A_336 : i32
      %add3A_338 = arith.constant 15 : i32
      %add3A_339 = arith.addi %mul3A_337, %add3A_338 : i32
      %dma_start3A_340 = arith.constant 0 : i32
      %dma_start3A_341 = tpu.memref_slice %arg9[%add3A_339, %dma_start3A_340] : memref<256x64xf32, #tpu.memory_space<vmem>> -> memref<1x64xf32, #tpu.memory_space<vmem>>
      %dma_start3A_342 = tpu.memref_squeeze %dma_start3A_341 : memref<1x64xf32, #tpu.memory_space<vmem>> -> memref<64xf32, #tpu.memory_space<vmem>>
      %dma_start3A_343 = arith.constant 0 : i32
      %dma_start3A_344 = tpu.memref_slice %arg2[%squeeze3A_335, %dma_start3A_343] : memref<100000x64xf32, #tpu.memory_space<hbm>> -> memref<1x64xf32, #tpu.memory_space<hbm>>
      %dma_start3A_345 = tpu.memref_squeeze %dma_start3A_344 : memref<1x64xf32, #tpu.memory_space<hbm>> -> memref<64xf32, #tpu.memory_space<hbm>>
      %dma_start3A_346 = arith.constant 0 : i32
      %dma_start3A_347 = tpu.memref_slice %arg9[%add3A_339, %dma_start3A_346] : memref<256x64xf32, #tpu.memory_space<vmem>> -> memref<1x64xf32, #tpu.memory_space<vmem>>
      %dma_start3A_348 = tpu.memref_squeeze %dma_start3A_347 : memref<1x64xf32, #tpu.memory_space<vmem>> -> memref<64xf32, #tpu.memory_space<vmem>>
      %dma_start3A_349 = arith.constant 0 : i32
      %dma_start3A_350 = tpu.memref_slice %arg2[%squeeze3A_335, %dma_start3A_349] : memref<100000x64xf32, #tpu.memory_space<hbm>> -> memref<1x64xf32, #tpu.memory_space<hbm>>
      %dma_start3A_351 = tpu.memref_squeeze %dma_start3A_350 : memref<1x64xf32, #tpu.memory_space<hbm>> -> memref<64xf32, #tpu.memory_space<hbm>>
      tpu.enqueue_dma source(%dma_start3A_351 : memref<64xf32, #tpu.memory_space<hbm>>) target(%dma_start3A_348 : memref<64xf32, #tpu.memory_space<vmem>>) target_semaphore(%arg11 : memref<!tpu.dma_semaphore, #tpu.memory_space<semaphore_mem>>)
    }
    %scan3A_26 = arith.constant 16 : i32
    %dma_wait3A_27 = arith.constant 0 : i32
    %dma_wait3A_28 = arith.constant 0 : i32
    %dma_wait3A_29 = tpu.memref_slice %arg3[%dma_wait3A_27, %dma_wait3A_28] : memref<100000x64xf32, #tpu.memory_space<hbm>> -> memref<256x64xf32, #tpu.memory_space<hbm>>
    %dma_wait3A_30 = arith.constant 0 : i32
    %dma_wait3A_31 = arith.constant 0 : i32
    %dma_wait3A_32 = tpu.memref_slice %arg3[%dma_wait3A_30, %dma_wait3A_31] : memref<100000x64xf32, #tpu.memory_space<hbm>> -> memref<256x64xf32, #tpu.memory_space<hbm>>
    tpu.wait_dma2 semaphore(%arg12 : memref<!tpu.dma_semaphore, #tpu.memory_space<semaphore_mem>>) src(%dma_wait3A_32 : memref<256x64xf32, #tpu.memory_space<hbm>>) dst(%arg10 : memref<256x64xf32, #tpu.memory_space<vmem>>)
    %add3A_33 = arith.constant 0 : i32
    %add3A_34 = arith.addi %mul3A_2, %add3A_33 : i32
    %run_scoped3A_35 = arith.constant 1 : i32
    "tpu.region"() ({
      %run_scoped3A_60 = tpu.sem_alloc : memref<!tpu.dma_semaphore, #tpu.memory_space<semaphore_mem>>
      %dma_start3A = arith.constant 0 : i32
      %dma_start3A_61 = tpu.memref_slice %arg6[%run_scoped3A_35, %add3A_34, %dma_start3A] : memref<2x16384x64xf32, #tpu.memory_space<hbm>> -> memref<1x256x64xf32, #tpu.memory_space<hbm>>
      %dma_start3A_62 = tpu.memref_squeeze %dma_start3A_61 : memref<1x256x64xf32, #tpu.memory_space<hbm>> -> memref<256x64xf32, #tpu.memory_space<hbm>>
      %dma_start3A_63 = arith.constant 0 : i32
      %dma_start3A_64 = tpu.memref_slice %arg6[%run_scoped3A_35, %add3A_34, %dma_start3A_63] : memref<2x16384x64xf32, #tpu.memory_space<hbm>> -> memref<1x256x64xf32, #tpu.memory_space<hbm>>
      %dma_start3A_65 = tpu.memref_squeeze %dma_start3A_64 : memref<1x256x64xf32, #tpu.memory_space<hbm>> -> memref<256x64xf32, #tpu.memory_space<hbm>>
      tpu.enqueue_dma source(%arg10 : memref<256x64xf32, #tpu.memory_space<vmem>>) target(%dma_start3A_65 : memref<256x64xf32, #tpu.memory_space<hbm>>) target_semaphore(%run_scoped3A_60 : memref<!tpu.dma_semaphore, #tpu.memory_space<semaphore_mem>>)
      %dma_wait3A_66 = arith.constant 0 : i32
      %dma_wait3A_67 = tpu.memref_slice %arg6[%run_scoped3A_35, %add3A_34, %dma_wait3A_66] : memref<2x16384x64xf32, #tpu.memory_space<hbm>> -> memref<1x256x64xf32, #tpu.memory_space<hbm>>
      %dma_wait3A_68 = tpu.memref_squeeze %dma_wait3A_67 : memref<1x256x64xf32, #tpu.memory_space<hbm>> -> memref<256x64xf32, #tpu.memory_space<hbm>>
      %dma_wait3A_69 = arith.constant 0 : i32
      %dma_wait3A_70 = tpu.memref_slice %arg6[%run_scoped3A_35, %add3A_34, %dma_wait3A_69] : memref<2x16384x64xf32, #tpu.memory_space<hbm>> -> memref<1x256x64xf32, #tpu.memory_space<hbm>>
      %dma_wait3A_71 = tpu.memref_squeeze %dma_wait3A_70 : memref<1x256x64xf32, #tpu.memory_space<hbm>> -> memref<256x64xf32, #tpu.memory_space<hbm>>
      tpu.wait_dma2 semaphore(%run_scoped3A_60 : memref<!tpu.dma_semaphore, #tpu.memory_space<semaphore_mem>>) src(%arg10 : memref<256x64xf32, #tpu.memory_space<vmem>>) dst(%dma_wait3A_71 : memref<256x64xf32, #tpu.memory_space<hbm>>)
      tpu.yield
    }) : () -> ()
    %scan3A_36 = arith.constant 0 : i32
    %scan3A_37 = arith.constant 0 : i32
    %scan3A_38 = arith.constant 16 : i32
    %scan3A_39 = arith.addi %scan3A_37, %scan3A_38 : i32
    %scan3A_40 = arith.constant 1 : i32
    scf.for %scan3A_60 = %scan3A_37 to %scan3A_39 step %scan3A_40  : i32 {
      %mul3A_61 = arith.constant 16 : i32
      %mul3A_62 = arith.muli %scan3A_60, %mul3A_61 : i32
      %add3A_63 = arith.constant 256 : i32
      %add3A_64 = arith.addi %add3A_63, %mul3A_62 : i32
      %get3A = arith.index_cast %add3A_64 : i32 to index
      %get3A_65 = tpu.vector_load %arg8[%get3A] {strides = array<i32>} : memref<512xi32, #tpu.memory_space<vmem>>, vector<16xi32>,
      %get3A_66 = vector.shape_cast %get3A_65 : vector<16xi32> to vector<16xi32>
      %slice3A = vector.extract_strided_slice %get3A_66 {offsets = [0], sizes = [1], strides = [1]} : vector<16xi32> to vector<1xi32>
      %squeeze3A = vector.extract %slice3A[0] : i32 from vector<1xi32>
      %mul3A_67 = arith.constant 16 : i32
      %mul3A_68 = arith.muli %scan3A_60, %mul3A_67 : i32
      %add3A_69 = arith.constant 0 : i32
      %add3A_70 = arith.addi %mul3A_68, %add3A_69 : i32
      %dma_start3A = arith.constant 0 : i32
      %dma_start3A_71 = tpu.memref_slice %arg10[%add3A_70, %dma_start3A] : memref<256x64xf32, #tpu.memory_space<vmem>> -> memref<1x64xf32, #tpu.memory_space<vmem>>
      %dma_start3A_72 = tpu.memref_squeeze %dma_start3A_71 : memref<1x64xf32, #tpu.memory_space<vmem>> -> memref<64xf32, #tpu.memory_space<vmem>>
      %dma_start3A_73 = arith.constant 0 : i32
      %dma_start3A_74 = tpu.memref_slice %arg3[%squeeze3A, %dma_start3A_73] : memref<100000x64xf32, #tpu.memory_space<hbm>> -> memref<1x64xf32, #tpu.memory_space<hbm>>
      %dma_start3A_75 = tpu.memref_squeeze %dma_start3A_74 : memref<1x64xf32, #tpu.memory_space<hbm>> -> memref<64xf32, #tpu.memory_space<hbm>>
      %dma_start3A_76 = arith.constant 0 : i32
      %dma_start3A_77 = tpu.memref_slice %arg10[%add3A_70, %dma_start3A_76] : memref<256x64xf32, #tpu.memory_space<vmem>> -> memref<1x64xf32, #tpu.memory_space<vmem>>
      %dma_start3A_78 = tpu.memref_squeeze %dma_start3A_77 : memref<1x64xf32, #tpu.memory_space<vmem>> -> memref<64xf32, #tpu.memory_space<vmem>>
      %dma_start3A_79 = arith.constant 0 : i32
      %dma_start3A_80 = tpu.memref_slice %arg3[%squeeze3A, %dma_start3A_79] : memref<100000x64xf32, #tpu.memory_space<hbm>> -> memref<1x64xf32, #tpu.memory_space<hbm>>
      %dma_start3A_81 = tpu.memref_squeeze %dma_start3A_80 : memref<1x64xf32, #tpu.memory_space<hbm>> -> memref<64xf32, #tpu.memory_space<hbm>>
      tpu.enqueue_dma source(%dma_start3A_81 : memref<64xf32, #tpu.memory_space<hbm>>) target(%dma_start3A_78 : memref<64xf32, #tpu.memory_space<vmem>>) target_semaphore(%arg12 : memref<!tpu.dma_semaphore, #tpu.memory_space<semaphore_mem>>)
      %slice3A_82 = vector.extract_strided_slice %get3A_66 {offsets = [1], sizes = [1], strides = [1]} : vector<16xi32> to vector<1xi32>
      %squeeze3A_83 = vector.extract %slice3A_82[0] : i32 from vector<1xi32>
      %mul3A_84 = arith.constant 16 : i32
      %mul3A_85 = arith.muli %scan3A_60, %mul3A_84 : i32
      %add3A_86 = arith.constant 1 : i32
      %add3A_87 = arith.addi %mul3A_85, %add3A_86 : i32
      %dma_start3A_88 = arith.constant 0 : i32
      %dma_start3A_89 = tpu.memref_slice %arg10[%add3A_87, %dma_start3A_88] : memref<256x64xf32, #tpu.memory_space<vmem>> -> memref<1x64xf32, #tpu.memory_space<vmem>>
      %dma_start3A_90 = tpu.memref_squeeze %dma_start3A_89 : memref<1x64xf32, #tpu.memory_space<vmem>> -> memref<64xf32, #tpu.memory_space<vmem>>
      %dma_start3A_91 = arith.constant 0 : i32
      %dma_start3A_92 = tpu.memref_slice %arg3[%squeeze3A_83, %dma_start3A_91] : memref<100000x64xf32, #tpu.memory_space<hbm>> -> memref<1x64xf32, #tpu.memory_space<hbm>>
      %dma_start3A_93 = tpu.memref_squeeze %dma_start3A_92 : memref<1x64xf32, #tpu.memory_space<hbm>> -> memref<64xf32, #tpu.memory_space<hbm>>
      %dma_start3A_94 = arith.constant 0 : i32
      %dma_start3A_95 = tpu.memref_slice %arg10[%add3A_87, %dma_start3A_94] : memref<256x64xf32, #tpu.memory_space<vmem>> -> memref<1x64xf32, #tpu.memory_space<vmem>>
      %dma_start3A_96 = tpu.memref_squeeze %dma_start3A_95 : memref<1x64xf32, #tpu.memory_space<vmem>> -> memref<64xf32, #tpu.memory_space<vmem>>
      %dma_start3A_97 = arith.constant 0 : i32
      %dma_start3A_98 = tpu.memref_slice %arg3[%squeeze3A_83, %dma_start3A_97] : memref<100000x64xf32, #tpu.memory_space<hbm>> -> memref<1x64xf32, #tpu.memory_space<hbm>>
      %dma_start3A_99 = tpu.memref_squeeze %dma_start3A_98 : memref<1x64xf32, #tpu.memory_space<hbm>> -> memref<64xf32, #tpu.memory_space<hbm>>
      tpu.enqueue_dma source(%dma_start3A_99 : memref<64xf32, #tpu.memory_space<hbm>>) target(%dma_start3A_96 : memref<64xf32, #tpu.memory_space<vmem>>) target_semaphore(%arg12 : memref<!tpu.dma_semaphore, #tpu.memory_space<semaphore_mem>>)
      %slice3A_100 = vector.extract_strided_slice %get3A_66 {offsets = [2], sizes = [1], strides = [1]} : vector<16xi32> to vector<1xi32>
      %squeeze3A_101 = vector.extract %slice3A_100[0] : i32 from vector<1xi32>
      %mul3A_102 = arith.constant 16 : i32
      %mul3A_103 = arith.muli %scan3A_60, %mul3A_102 : i32
      %add3A_104 = arith.constant 2 : i32
      %add3A_105 = arith.addi %mul3A_103, %add3A_104 : i32
      %dma_start3A_106 = arith.constant 0 : i32
      %dma_start3A_107 = tpu.memref_slice %arg10[%add3A_105, %dma_start3A_106] : memref<256x64xf32, #tpu.memory_space<vmem>> -> memref<1x64xf32, #tpu.memory_space<vmem>>
      %dma_start3A_108 = tpu.memref_squeeze %dma_start3A_107 : memref<1x64xf32, #tpu.memory_space<vmem>> -> memref<64xf32, #tpu.memory_space<vmem>>
      %dma_start3A_109 = arith.constant 0 : i32
      %dma_start3A_110 = tpu.memref_slice %arg3[%squeeze3A_101, %dma_start3A_109] : memref<100000x64xf32, #tpu.memory_space<hbm>> -> memref<1x64xf32, #tpu.memory_space<hbm>>
      %dma_start3A_111 = tpu.memref_squeeze %dma_start3A_110 : memref<1x64xf32, #tpu.memory_space<hbm>> -> memref<64xf32, #tpu.memory_space<hbm>>
      %dma_start3A_112 = arith.constant 0 : i32
      %dma_start3A_113 = tpu.memref_slice %arg10[%add3A_105, %dma_start3A_112] : memref<256x64xf32, #tpu.memory_space<vmem>> -> memref<1x64xf32, #tpu.memory_space<vmem>>
      %dma_start3A_114 = tpu.memref_squeeze %dma_start3A_113 : memref<1x64xf32, #tpu.memory_space<vmem>> -> memref<64xf32, #tpu.memory_space<vmem>>
      %dma_start3A_115 = arith.constant 0 : i32
      %dma_start3A_116 = tpu.memref_slice %arg3[%squeeze3A_101, %dma_start3A_115] : memref<100000x64xf32, #tpu.memory_space<hbm>> -> memref<1x64xf32, #tpu.memory_space<hbm>>
      %dma_start3A_117 = tpu.memref_squeeze %dma_start3A_116 : memref<1x64xf32, #tpu.memory_space<hbm>> -> memref<64xf32, #tpu.memory_space<hbm>>
      tpu.enqueue_dma source(%dma_start3A_117 : memref<64xf32, #tpu.memory_space<hbm>>) target(%dma_start3A_114 : memref<64xf32, #tpu.memory_space<vmem>>) target_semaphore(%arg12 : memref<!tpu.dma_semaphore, #tpu.memory_space<semaphore_mem>>)
      %slice3A_118 = vector.extract_strided_slice %get3A_66 {offsets = [3], sizes = [1], strides = [1]} : vector<16xi32> to vector<1xi32>
      %squeeze3A_119 = vector.extract %slice3A_118[0] : i32 from vector<1xi32>
      %mul3A_120 = arith.constant 16 : i32
      %mul3A_121 = arith.muli %scan3A_60, %mul3A_120 : i32
      %add3A_122 = arith.constant 3 : i32
      %add3A_123 = arith.addi %mul3A_121, %add3A_122 : i32
      %dma_start3A_124 = arith.constant 0 : i32
      %dma_start3A_125 = tpu.memref_slice %arg10[%add3A_123, %dma_start3A_124] : memref<256x64xf32, #tpu.memory_space<vmem>> -> memref<1x64xf32, #tpu.memory_space<vmem>>
      %dma_start3A_126 = tpu.memref_squeeze %dma_start3A_125 : memref<1x64xf32, #tpu.memory_space<vmem>> -> memref<64xf32, #tpu.memory_space<vmem>>
      %dma_start3A_127 = arith.constant 0 : i32
      %dma_start3A_128 = tpu.memref_slice %arg3[%squeeze3A_119, %dma_start3A_127] : memref<100000x64xf32, #tpu.memory_space<hbm>> -> memref<1x64xf32, #tpu.memory_space<hbm>>
      %dma_start3A_129 = tpu.memref_squeeze %dma_start3A_128 : memref<1x64xf32, #tpu.memory_space<hbm>> -> memref<64xf32, #tpu.memory_space<hbm>>
      %dma_start3A_130 = arith.constant 0 : i32
      %dma_start3A_131 = tpu.memref_slice %arg10[%add3A_123, %dma_start3A_130] : memref<256x64xf32, #tpu.memory_space<vmem>> -> memref<1x64xf32, #tpu.memory_space<vmem>>
      %dma_start3A_132 = tpu.memref_squeeze %dma_start3A_131 : memref<1x64xf32, #tpu.memory_space<vmem>> -> memref<64xf32, #tpu.memory_space<vmem>>
      %dma_start3A_133 = arith.constant 0 : i32
      %dma_start3A_134 = tpu.memref_slice %arg3[%squeeze3A_119, %dma_start3A_133] : memref<100000x64xf32, #tpu.memory_space<hbm>> -> memref<1x64xf32, #tpu.memory_space<hbm>>
      %dma_start3A_135 = tpu.memref_squeeze %dma_start3A_134 : memref<1x64xf32, #tpu.memory_space<hbm>> -> memref<64xf32, #tpu.memory_space<hbm>>
      tpu.enqueue_dma source(%dma_start3A_135 : memref<64xf32, #tpu.memory_space<hbm>>) target(%dma_start3A_132 : memref<64xf32, #tpu.memory_space<vmem>>) target_semaphore(%arg12 : memref<!tpu.dma_semaphore, #tpu.memory_space<semaphore_mem>>)
      %slice3A_136 = vector.extract_strided_slice %get3A_66 {offsets = [4], sizes = [1], strides = [1]} : vector<16xi32> to vector<1xi32>
      %squeeze3A_137 = vector.extract %slice3A_136[0] : i32 from vector<1xi32>
      %mul3A_138 = arith.constant 16 : i32
      %mul3A_139 = arith.muli %scan3A_60, %mul3A_138 : i32
      %add3A_140 = arith.constant 4 : i32
      %add3A_141 = arith.addi %mul3A_139, %add3A_140 : i32
      %dma_start3A_142 = arith.constant 0 : i32
      %dma_start3A_143 = tpu.memref_slice %arg10[%add3A_141, %dma_start3A_142] : memref<256x64xf32, #tpu.memory_space<vmem>> -> memref<1x64xf32, #tpu.memory_space<vmem>>
      %dma_start3A_144 = tpu.memref_squeeze %dma_start3A_143 : memref<1x64xf32, #tpu.memory_space<vmem>> -> memref<64xf32, #tpu.memory_space<vmem>>
      %dma_start3A_145 = arith.constant 0 : i32
      %dma_start3A_146 = tpu.memref_slice %arg3[%squeeze3A_137, %dma_start3A_145] : memref<100000x64xf32, #tpu.memory_space<hbm>> -> memref<1x64xf32, #tpu.memory_space<hbm>>
      %dma_start3A_147 = tpu.memref_squeeze %dma_start3A_146 : memref<1x64xf32, #tpu.memory_space<hbm>> -> memref<64xf32, #tpu.memory_space<hbm>>
      %dma_start3A_148 = arith.constant 0 : i32
      %dma_start3A_149 = tpu.memref_slice %arg10[%add3A_141, %dma_start3A_148] : memref<256x64xf32, #tpu.memory_space<vmem>> -> memref<1x64xf32, #tpu.memory_space<vmem>>
      %dma_start3A_150 = tpu.memref_squeeze %dma_start3A_149 : memref<1x64xf32, #tpu.memory_space<vmem>> -> memref<64xf32, #tpu.memory_space<vmem>>
      %dma_start3A_151 = arith.constant 0 : i32
      %dma_start3A_152 = tpu.memref_slice %arg3[%squeeze3A_137, %dma_start3A_151] : memref<100000x64xf32, #tpu.memory_space<hbm>> -> memref<1x64xf32, #tpu.memory_space<hbm>>
      %dma_start3A_153 = tpu.memref_squeeze %dma_start3A_152 : memref<1x64xf32, #tpu.memory_space<hbm>> -> memref<64xf32, #tpu.memory_space<hbm>>
      tpu.enqueue_dma source(%dma_start3A_153 : memref<64xf32, #tpu.memory_space<hbm>>) target(%dma_start3A_150 : memref<64xf32, #tpu.memory_space<vmem>>) target_semaphore(%arg12 : memref<!tpu.dma_semaphore, #tpu.memory_space<semaphore_mem>>)
      %slice3A_154 = vector.extract_strided_slice %get3A_66 {offsets = [5], sizes = [1], strides = [1]} : vector<16xi32> to vector<1xi32>
      %squeeze3A_155 = vector.extract %slice3A_154[0] : i32 from vector<1xi32>
      %mul3A_156 = arith.constant 16 : i32
      %mul3A_157 = arith.muli %scan3A_60, %mul3A_156 : i32
      %add3A_158 = arith.constant 5 : i32
      %add3A_159 = arith.addi %mul3A_157, %add3A_158 : i32
      %dma_start3A_160 = arith.constant 0 : i32
      %dma_start3A_161 = tpu.memref_slice %arg10[%add3A_159, %dma_start3A_160] : memref<256x64xf32, #tpu.memory_space<vmem>> -> memref<1x64xf32, #tpu.memory_space<vmem>>
      %dma_start3A_162 = tpu.memref_squeeze %dma_start3A_161 : memref<1x64xf32, #tpu.memory_space<vmem>> -> memref<64xf32, #tpu.memory_space<vmem>>
      %dma_start3A_163 = arith.constant 0 : i32
      %dma_start3A_164 = tpu.memref_slice %arg3[%squeeze3A_155, %dma_start3A_163] : memref<100000x64xf32, #tpu.memory_space<hbm>> -> memref<1x64xf32, #tpu.memory_space<hbm>>
      %dma_start3A_165 = tpu.memref_squeeze %dma_start3A_164 : memref<1x64xf32, #tpu.memory_space<hbm>> -> memref<64xf32, #tpu.memory_space<hbm>>
      %dma_start3A_166 = arith.constant 0 : i32
      %dma_start3A_167 = tpu.memref_slice %arg10[%add3A_159, %dma_start3A_166] : memref<256x64xf32, #tpu.memory_space<vmem>> -> memref<1x64xf32, #tpu.memory_space<vmem>>
      %dma_start3A_168 = tpu.memref_squeeze %dma_start3A_167 : memref<1x64xf32, #tpu.memory_space<vmem>> -> memref<64xf32, #tpu.memory_space<vmem>>
      %dma_start3A_169 = arith.constant 0 : i32
      %dma_start3A_170 = tpu.memref_slice %arg3[%squeeze3A_155, %dma_start3A_169] : memref<100000x64xf32, #tpu.memory_space<hbm>> -> memref<1x64xf32, #tpu.memory_space<hbm>>
      %dma_start3A_171 = tpu.memref_squeeze %dma_start3A_170 : memref<1x64xf32, #tpu.memory_space<hbm>> -> memref<64xf32, #tpu.memory_space<hbm>>
      tpu.enqueue_dma source(%dma_start3A_171 : memref<64xf32, #tpu.memory_space<hbm>>) target(%dma_start3A_168 : memref<64xf32, #tpu.memory_space<vmem>>) target_semaphore(%arg12 : memref<!tpu.dma_semaphore, #tpu.memory_space<semaphore_mem>>)
      %slice3A_172 = vector.extract_strided_slice %get3A_66 {offsets = [6], sizes = [1], strides = [1]} : vector<16xi32> to vector<1xi32>
      %squeeze3A_173 = vector.extract %slice3A_172[0] : i32 from vector<1xi32>
      %mul3A_174 = arith.constant 16 : i32
      %mul3A_175 = arith.muli %scan3A_60, %mul3A_174 : i32
      %add3A_176 = arith.constant 6 : i32
      %add3A_177 = arith.addi %mul3A_175, %add3A_176 : i32
      %dma_start3A_178 = arith.constant 0 : i32
      %dma_start3A_179 = tpu.memref_slice %arg10[%add3A_177, %dma_start3A_178] : memref<256x64xf32, #tpu.memory_space<vmem>> -> memref<1x64xf32, #tpu.memory_space<vmem>>
      %dma_start3A_180 = tpu.memref_squeeze %dma_start3A_179 : memref<1x64xf32, #tpu.memory_space<vmem>> -> memref<64xf32, #tpu.memory_space<vmem>>
      %dma_start3A_181 = arith.constant 0 : i32
      %dma_start3A_182 = tpu.memref_slice %arg3[%squeeze3A_173, %dma_start3A_181] : memref<100000x64xf32, #tpu.memory_space<hbm>> -> memref<1x64xf32, #tpu.memory_space<hbm>>
      %dma_start3A_183 = tpu.memref_squeeze %dma_start3A_182 : memref<1x64xf32, #tpu.memory_space<hbm>> -> memref<64xf32, #tpu.memory_space<hbm>>
      %dma_start3A_184 = arith.constant 0 : i32
      %dma_start3A_185 = tpu.memref_slice %arg10[%add3A_177, %dma_start3A_184] : memref<256x64xf32, #tpu.memory_space<vmem>> -> memref<1x64xf32, #tpu.memory_space<vmem>>
      %dma_start3A_186 = tpu.memref_squeeze %dma_start3A_185 : memref<1x64xf32, #tpu.memory_space<vmem>> -> memref<64xf32, #tpu.memory_space<vmem>>
      %dma_start3A_187 = arith.constant 0 : i32
      %dma_start3A_188 = tpu.memref_slice %arg3[%squeeze3A_173, %dma_start3A_187] : memref<100000x64xf32, #tpu.memory_space<hbm>> -> memref<1x64xf32, #tpu.memory_space<hbm>>
      %dma_start3A_189 = tpu.memref_squeeze %dma_start3A_188 : memref<1x64xf32, #tpu.memory_space<hbm>> -> memref<64xf32, #tpu.memory_space<hbm>>
      tpu.enqueue_dma source(%dma_start3A_189 : memref<64xf32, #tpu.memory_space<hbm>>) target(%dma_start3A_186 : memref<64xf32, #tpu.memory_space<vmem>>) target_semaphore(%arg12 : memref<!tpu.dma_semaphore, #tpu.memory_space<semaphore_mem>>)
      %slice3A_190 = vector.extract_strided_slice %get3A_66 {offsets = [7], sizes = [1], strides = [1]} : vector<16xi32> to vector<1xi32>
      %squeeze3A_191 = vector.extract %slice3A_190[0] : i32 from vector<1xi32>
      %mul3A_192 = arith.constant 16 : i32
      %mul3A_193 = arith.muli %scan3A_60, %mul3A_192 : i32
      %add3A_194 = arith.constant 7 : i32
      %add3A_195 = arith.addi %mul3A_193, %add3A_194 : i32
      %dma_start3A_196 = arith.constant 0 : i32
      %dma_start3A_197 = tpu.memref_slice %arg10[%add3A_195, %dma_start3A_196] : memref<256x64xf32, #tpu.memory_space<vmem>> -> memref<1x64xf32, #tpu.memory_space<vmem>>
      %dma_start3A_198 = tpu.memref_squeeze %dma_start3A_197 : memref<1x64xf32, #tpu.memory_space<vmem>> -> memref<64xf32, #tpu.memory_space<vmem>>
      %dma_start3A_199 = arith.constant 0 : i32
      %dma_start3A_200 = tpu.memref_slice %arg3[%squeeze3A_191, %dma_start3A_199] : memref<100000x64xf32, #tpu.memory_space<hbm>> -> memref<1x64xf32, #tpu.memory_space<hbm>>
      %dma_start3A_201 = tpu.memref_squeeze %dma_start3A_200 : memref<1x64xf32, #tpu.memory_space<hbm>> -> memref<64xf32, #tpu.memory_space<hbm>>
      %dma_start3A_202 = arith.constant 0 : i32
      %dma_start3A_203 = tpu.memref_slice %arg10[%add3A_195, %dma_start3A_202] : memref<256x64xf32, #tpu.memory_space<vmem>> -> memref<1x64xf32, #tpu.memory_space<vmem>>
      %dma_start3A_204 = tpu.memref_squeeze %dma_start3A_203 : memref<1x64xf32, #tpu.memory_space<vmem>> -> memref<64xf32, #tpu.memory_space<vmem>>
      %dma_start3A_205 = arith.constant 0 : i32
      %dma_start3A_206 = tpu.memref_slice %arg3[%squeeze3A_191, %dma_start3A_205] : memref<100000x64xf32, #tpu.memory_space<hbm>> -> memref<1x64xf32, #tpu.memory_space<hbm>>
      %dma_start3A_207 = tpu.memref_squeeze %dma_start3A_206 : memref<1x64xf32, #tpu.memory_space<hbm>> -> memref<64xf32, #tpu.memory_space<hbm>>
      tpu.enqueue_dma source(%dma_start3A_207 : memref<64xf32, #tpu.memory_space<hbm>>) target(%dma_start3A_204 : memref<64xf32, #tpu.memory_space<vmem>>) target_semaphore(%arg12 : memref<!tpu.dma_semaphore, #tpu.memory_space<semaphore_mem>>)
      %slice3A_208 = vector.extract_strided_slice %get3A_66 {offsets = [8], sizes = [1], strides = [1]} : vector<16xi32> to vector<1xi32>
      %squeeze3A_209 = vector.extract %slice3A_208[0] : i32 from vector<1xi32>
      %mul3A_210 = arith.constant 16 : i32
      %mul3A_211 = arith.muli %scan3A_60, %mul3A_210 : i32
      %add3A_212 = arith.constant 8 : i32
      %add3A_213 = arith.addi %mul3A_211, %add3A_212 : i32
      %dma_start3A_214 = arith.constant 0 : i32
      %dma_start3A_215 = tpu.memref_slice %arg10[%add3A_213, %dma_start3A_214] : memref<256x64xf32, #tpu.memory_space<vmem>> -> memref<1x64xf32, #tpu.memory_space<vmem>>
      %dma_start3A_216 = tpu.memref_squeeze %dma_start3A_215 : memref<1x64xf32, #tpu.memory_space<vmem>> -> memref<64xf32, #tpu.memory_space<vmem>>
      %dma_start3A_217 = arith.constant 0 : i32
      %dma_start3A_218 = tpu.memref_slice %arg3[%squeeze3A_209, %dma_start3A_217] : memref<100000x64xf32, #tpu.memory_space<hbm>> -> memref<1x64xf32, #tpu.memory_space<hbm>>
      %dma_start3A_219 = tpu.memref_squeeze %dma_start3A_218 : memref<1x64xf32, #tpu.memory_space<hbm>> -> memref<64xf32, #tpu.memory_space<hbm>>
      %dma_start3A_220 = arith.constant 0 : i32
      %dma_start3A_221 = tpu.memref_slice %arg10[%add3A_213, %dma_start3A_220] : memref<256x64xf32, #tpu.memory_space<vmem>> -> memref<1x64xf32, #tpu.memory_space<vmem>>
      %dma_start3A_222 = tpu.memref_squeeze %dma_start3A_221 : memref<1x64xf32, #tpu.memory_space<vmem>> -> memref<64xf32, #tpu.memory_space<vmem>>
      %dma_start3A_223 = arith.constant 0 : i32
      %dma_start3A_224 = tpu.memref_slice %arg3[%squeeze3A_209, %dma_start3A_223] : memref<100000x64xf32, #tpu.memory_space<hbm>> -> memref<1x64xf32, #tpu.memory_space<hbm>>
      %dma_start3A_225 = tpu.memref_squeeze %dma_start3A_224 : memref<1x64xf32, #tpu.memory_space<hbm>> -> memref<64xf32, #tpu.memory_space<hbm>>
      tpu.enqueue_dma source(%dma_start3A_225 : memref<64xf32, #tpu.memory_space<hbm>>) target(%dma_start3A_222 : memref<64xf32, #tpu.memory_space<vmem>>) target_semaphore(%arg12 : memref<!tpu.dma_semaphore, #tpu.memory_space<semaphore_mem>>)
      %slice3A_226 = vector.extract_strided_slice %get3A_66 {offsets = [9], sizes = [1], strides = [1]} : vector<16xi32> to vector<1xi32>
      %squeeze3A_227 = vector.extract %slice3A_226[0] : i32 from vector<1xi32>
      %mul3A_228 = arith.constant 16 : i32
      %mul3A_229 = arith.muli %scan3A_60, %mul3A_228 : i32
      %add3A_230 = arith.constant 9 : i32
      %add3A_231 = arith.addi %mul3A_229, %add3A_230 : i32
      %dma_start3A_232 = arith.constant 0 : i32
      %dma_start3A_233 = tpu.memref_slice %arg10[%add3A_231, %dma_start3A_232] : memref<256x64xf32, #tpu.memory_space<vmem>> -> memref<1x64xf32, #tpu.memory_space<vmem>>
      %dma_start3A_234 = tpu.memref_squeeze %dma_start3A_233 : memref<1x64xf32, #tpu.memory_space<vmem>> -> memref<64xf32, #tpu.memory_space<vmem>>
      %dma_start3A_235 = arith.constant 0 : i32
      %dma_start3A_236 = tpu.memref_slice %arg3[%squeeze3A_227, %dma_start3A_235] : memref<100000x64xf32, #tpu.memory_space<hbm>> -> memref<1x64xf32, #tpu.memory_space<hbm>>
      %dma_start3A_237 = tpu.memref_squeeze %dma_start3A_236 : memref<1x64xf32, #tpu.memory_space<hbm>> -> memref<64xf32, #tpu.memory_space<hbm>>
      %dma_start3A_238 = arith.constant 0 : i32
      %dma_start3A_239 = tpu.memref_slice %arg10[%add3A_231, %dma_start3A_238] : memref<256x64xf32, #tpu.memory_space<vmem>> -> memref<1x64xf32, #tpu.memory_space<vmem>>
      %dma_start3A_240 = tpu.memref_squeeze %dma_start3A_239 : memref<1x64xf32, #tpu.memory_space<vmem>> -> memref<64xf32, #tpu.memory_space<vmem>>
      %dma_start3A_241 = arith.constant 0 : i32
      %dma_start3A_242 = tpu.memref_slice %arg3[%squeeze3A_227, %dma_start3A_241] : memref<100000x64xf32, #tpu.memory_space<hbm>> -> memref<1x64xf32, #tpu.memory_space<hbm>>
      %dma_start3A_243 = tpu.memref_squeeze %dma_start3A_242 : memref<1x64xf32, #tpu.memory_space<hbm>> -> memref<64xf32, #tpu.memory_space<hbm>>
      tpu.enqueue_dma source(%dma_start3A_243 : memref<64xf32, #tpu.memory_space<hbm>>) target(%dma_start3A_240 : memref<64xf32, #tpu.memory_space<vmem>>) target_semaphore(%arg12 : memref<!tpu.dma_semaphore, #tpu.memory_space<semaphore_mem>>)
      %slice3A_244 = vector.extract_strided_slice %get3A_66 {offsets = [10], sizes = [1], strides = [1]} : vector<16xi32> to vector<1xi32>
      %squeeze3A_245 = vector.extract %slice3A_244[0] : i32 from vector<1xi32>
      %mul3A_246 = arith.constant 16 : i32
      %mul3A_247 = arith.muli %scan3A_60, %mul3A_246 : i32
      %add3A_248 = arith.constant 10 : i32
      %add3A_249 = arith.addi %mul3A_247, %add3A_248 : i32
      %dma_start3A_250 = arith.constant 0 : i32
      %dma_start3A_251 = tpu.memref_slice %arg10[%add3A_249, %dma_start3A_250] : memref<256x64xf32, #tpu.memory_space<vmem>> -> memref<1x64xf32, #tpu.memory_space<vmem>>
      %dma_start3A_252 = tpu.memref_squeeze %dma_start3A_251 : memref<1x64xf32, #tpu.memory_space<vmem>> -> memref<64xf32, #tpu.memory_space<vmem>>
      %dma_start3A_253 = arith.constant 0 : i32
      %dma_start3A_254 = tpu.memref_slice %arg3[%squeeze3A_245, %dma_start3A_253] : memref<100000x64xf32, #tpu.memory_space<hbm>> -> memref<1x64xf32, #tpu.memory_space<hbm>>
      %dma_start3A_255 = tpu.memref_squeeze %dma_start3A_254 : memref<1x64xf32, #tpu.memory_space<hbm>> -> memref<64xf32, #tpu.memory_space<hbm>>
      %dma_start3A_256 = arith.constant 0 : i32
      %dma_start3A_257 = tpu.memref_slice %arg10[%add3A_249, %dma_start3A_256] : memref<256x64xf32, #tpu.memory_space<vmem>> -> memref<1x64xf32, #tpu.memory_space<vmem>>
      %dma_start3A_258 = tpu.memref_squeeze %dma_start3A_257 : memref<1x64xf32, #tpu.memory_space<vmem>> -> memref<64xf32, #tpu.memory_space<vmem>>
      %dma_start3A_259 = arith.constant 0 : i32
      %dma_start3A_260 = tpu.memref_slice %arg3[%squeeze3A_245, %dma_start3A_259] : memref<100000x64xf32, #tpu.memory_space<hbm>> -> memref<1x64xf32, #tpu.memory_space<hbm>>
      %dma_start3A_261 = tpu.memref_squeeze %dma_start3A_260 : memref<1x64xf32, #tpu.memory_space<hbm>> -> memref<64xf32, #tpu.memory_space<hbm>>
      tpu.enqueue_dma source(%dma_start3A_261 : memref<64xf32, #tpu.memory_space<hbm>>) target(%dma_start3A_258 : memref<64xf32, #tpu.memory_space<vmem>>) target_semaphore(%arg12 : memref<!tpu.dma_semaphore, #tpu.memory_space<semaphore_mem>>)
      %slice3A_262 = vector.extract_strided_slice %get3A_66 {offsets = [11], sizes = [1], strides = [1]} : vector<16xi32> to vector<1xi32>
      %squeeze3A_263 = vector.extract %slice3A_262[0] : i32 from vector<1xi32>
      %mul3A_264 = arith.constant 16 : i32
      %mul3A_265 = arith.muli %scan3A_60, %mul3A_264 : i32
      %add3A_266 = arith.constant 11 : i32
      %add3A_267 = arith.addi %mul3A_265, %add3A_266 : i32
      %dma_start3A_268 = arith.constant 0 : i32
      %dma_start3A_269 = tpu.memref_slice %arg10[%add3A_267, %dma_start3A_268] : memref<256x64xf32, #tpu.memory_space<vmem>> -> memref<1x64xf32, #tpu.memory_space<vmem>>
      %dma_start3A_270 = tpu.memref_squeeze %dma_start3A_269 : memref<1x64xf32, #tpu.memory_space<vmem>> -> memref<64xf32, #tpu.memory_space<vmem>>
      %dma_start3A_271 = arith.constant 0 : i32
      %dma_start3A_272 = tpu.memref_slice %arg3[%squeeze3A_263, %dma_start3A_271] : memref<100000x64xf32, #tpu.memory_space<hbm>> -> memref<1x64xf32, #tpu.memory_space<hbm>>
      %dma_start3A_273 = tpu.memref_squeeze %dma_start3A_272 : memref<1x64xf32, #tpu.memory_space<hbm>> -> memref<64xf32, #tpu.memory_space<hbm>>
      %dma_start3A_274 = arith.constant 0 : i32
      %dma_start3A_275 = tpu.memref_slice %arg10[%add3A_267, %dma_start3A_274] : memref<256x64xf32, #tpu.memory_space<vmem>> -> memref<1x64xf32, #tpu.memory_space<vmem>>
      %dma_start3A_276 = tpu.memref_squeeze %dma_start3A_275 : memref<1x64xf32, #tpu.memory_space<vmem>> -> memref<64xf32, #tpu.memory_space<vmem>>
      %dma_start3A_277 = arith.constant 0 : i32
      %dma_start3A_278 = tpu.memref_slice %arg3[%squeeze3A_263, %dma_start3A_277] : memref<100000x64xf32, #tpu.memory_space<hbm>> -> memref<1x64xf32, #tpu.memory_space<hbm>>
      %dma_start3A_279 = tpu.memref_squeeze %dma_start3A_278 : memref<1x64xf32, #tpu.memory_space<hbm>> -> memref<64xf32, #tpu.memory_space<hbm>>
      tpu.enqueue_dma source(%dma_start3A_279 : memref<64xf32, #tpu.memory_space<hbm>>) target(%dma_start3A_276 : memref<64xf32, #tpu.memory_space<vmem>>) target_semaphore(%arg12 : memref<!tpu.dma_semaphore, #tpu.memory_space<semaphore_mem>>)
      %slice3A_280 = vector.extract_strided_slice %get3A_66 {offsets = [12], sizes = [1], strides = [1]} : vector<16xi32> to vector<1xi32>
      %squeeze3A_281 = vector.extract %slice3A_280[0] : i32 from vector<1xi32>
      %mul3A_282 = arith.constant 16 : i32
      %mul3A_283 = arith.muli %scan3A_60, %mul3A_282 : i32
      %add3A_284 = arith.constant 12 : i32
      %add3A_285 = arith.addi %mul3A_283, %add3A_284 : i32
      %dma_start3A_286 = arith.constant 0 : i32
      %dma_start3A_287 = tpu.memref_slice %arg10[%add3A_285, %dma_start3A_286] : memref<256x64xf32, #tpu.memory_space<vmem>> -> memref<1x64xf32, #tpu.memory_space<vmem>>
      %dma_start3A_288 = tpu.memref_squeeze %dma_start3A_287 : memref<1x64xf32, #tpu.memory_space<vmem>> -> memref<64xf32, #tpu.memory_space<vmem>>
      %dma_start3A_289 = arith.constant 0 : i32
      %dma_start3A_290 = tpu.memref_slice %arg3[%squeeze3A_281, %dma_start3A_289] : memref<100000x64xf32, #tpu.memory_space<hbm>> -> memref<1x64xf32, #tpu.memory_space<hbm>>
      %dma_start3A_291 = tpu.memref_squeeze %dma_start3A_290 : memref<1x64xf32, #tpu.memory_space<hbm>> -> memref<64xf32, #tpu.memory_space<hbm>>
      %dma_start3A_292 = arith.constant 0 : i32
      %dma_start3A_293 = tpu.memref_slice %arg10[%add3A_285, %dma_start3A_292] : memref<256x64xf32, #tpu.memory_space<vmem>> -> memref<1x64xf32, #tpu.memory_space<vmem>>
      %dma_start3A_294 = tpu.memref_squeeze %dma_start3A_293 : memref<1x64xf32, #tpu.memory_space<vmem>> -> memref<64xf32, #tpu.memory_space<vmem>>
      %dma_start3A_295 = arith.constant 0 : i32
      %dma_start3A_296 = tpu.memref_slice %arg3[%squeeze3A_281, %dma_start3A_295] : memref<100000x64xf32, #tpu.memory_space<hbm>> -> memref<1x64xf32, #tpu.memory_space<hbm>>
      %dma_start3A_297 = tpu.memref_squeeze %dma_start3A_296 : memref<1x64xf32, #tpu.memory_space<hbm>> -> memref<64xf32, #tpu.memory_space<hbm>>
      tpu.enqueue_dma source(%dma_start3A_297 : memref<64xf32, #tpu.memory_space<hbm>>) target(%dma_start3A_294 : memref<64xf32, #tpu.memory_space<vmem>>) target_semaphore(%arg12 : memref<!tpu.dma_semaphore, #tpu.memory_space<semaphore_mem>>)
      %slice3A_298 = vector.extract_strided_slice %get3A_66 {offsets = [13], sizes = [1], strides = [1]} : vector<16xi32> to vector<1xi32>
      %squeeze3A_299 = vector.extract %slice3A_298[0] : i32 from vector<1xi32>
      %mul3A_300 = arith.constant 16 : i32
      %mul3A_301 = arith.muli %scan3A_60, %mul3A_300 : i32
      %add3A_302 = arith.constant 13 : i32
      %add3A_303 = arith.addi %mul3A_301, %add3A_302 : i32
      %dma_start3A_304 = arith.constant 0 : i32
      %dma_start3A_305 = tpu.memref_slice %arg10[%add3A_303, %dma_start3A_304] : memref<256x64xf32, #tpu.memory_space<vmem>> -> memref<1x64xf32, #tpu.memory_space<vmem>>
      %dma_start3A_306 = tpu.memref_squeeze %dma_start3A_305 : memref<1x64xf32, #tpu.memory_space<vmem>> -> memref<64xf32, #tpu.memory_space<vmem>>
      %dma_start3A_307 = arith.constant 0 : i32
      %dma_start3A_308 = tpu.memref_slice %arg3[%squeeze3A_299, %dma_start3A_307] : memref<100000x64xf32, #tpu.memory_space<hbm>> -> memref<1x64xf32, #tpu.memory_space<hbm>>
      %dma_start3A_309 = tpu.memref_squeeze %dma_start3A_308 : memref<1x64xf32, #tpu.memory_space<hbm>> -> memref<64xf32, #tpu.memory_space<hbm>>
      %dma_start3A_310 = arith.constant 0 : i32
      %dma_start3A_311 = tpu.memref_slice %arg10[%add3A_303, %dma_start3A_310] : memref<256x64xf32, #tpu.memory_space<vmem>> -> memref<1x64xf32, #tpu.memory_space<vmem>>
      %dma_start3A_312 = tpu.memref_squeeze %dma_start3A_311 : memref<1x64xf32, #tpu.memory_space<vmem>> -> memref<64xf32, #tpu.memory_space<vmem>>
      %dma_start3A_313 = arith.constant 0 : i32
      %dma_start3A_314 = tpu.memref_slice %arg3[%squeeze3A_299, %dma_start3A_313] : memref<100000x64xf32, #tpu.memory_space<hbm>> -> memref<1x64xf32, #tpu.memory_space<hbm>>
      %dma_start3A_315 = tpu.memref_squeeze %dma_start3A_314 : memref<1x64xf32, #tpu.memory_space<hbm>> -> memref<64xf32, #tpu.memory_space<hbm>>
      tpu.enqueue_dma source(%dma_start3A_315 : memref<64xf32, #tpu.memory_space<hbm>>) target(%dma_start3A_312 : memref<64xf32, #tpu.memory_space<vmem>>) target_semaphore(%arg12 : memref<!tpu.dma_semaphore, #tpu.memory_space<semaphore_mem>>)
      %slice3A_316 = vector.extract_strided_slice %get3A_66 {offsets = [14], sizes = [1], strides = [1]} : vector<16xi32> to vector<1xi32>
      %squeeze3A_317 = vector.extract %slice3A_316[0] : i32 from vector<1xi32>
      %mul3A_318 = arith.constant 16 : i32
      %mul3A_319 = arith.muli %scan3A_60, %mul3A_318 : i32
      %add3A_320 = arith.constant 14 : i32
      %add3A_321 = arith.addi %mul3A_319, %add3A_320 : i32
      %dma_start3A_322 = arith.constant 0 : i32
      %dma_start3A_323 = tpu.memref_slice %arg10[%add3A_321, %dma_start3A_322] : memref<256x64xf32, #tpu.memory_space<vmem>> -> memref<1x64xf32, #tpu.memory_space<vmem>>
      %dma_start3A_324 = tpu.memref_squeeze %dma_start3A_323 : memref<1x64xf32, #tpu.memory_space<vmem>> -> memref<64xf32, #tpu.memory_space<vmem>>
      %dma_start3A_325 = arith.constant 0 : i32
      %dma_start3A_326 = tpu.memref_slice %arg3[%squeeze3A_317, %dma_start3A_325] : memref<100000x64xf32, #tpu.memory_space<hbm>> -> memref<1x64xf32, #tpu.memory_space<hbm>>
      %dma_start3A_327 = tpu.memref_squeeze %dma_start3A_326 : memref<1x64xf32, #tpu.memory_space<hbm>> -> memref<64xf32, #tpu.memory_space<hbm>>
      %dma_start3A_328 = arith.constant 0 : i32
      %dma_start3A_329 = tpu.memref_slice %arg10[%add3A_321, %dma_start3A_328] : memref<256x64xf32, #tpu.memory_space<vmem>> -> memref<1x64xf32, #tpu.memory_space<vmem>>
      %dma_start3A_330 = tpu.memref_squeeze %dma_start3A_329 : memref<1x64xf32, #tpu.memory_space<vmem>> -> memref<64xf32, #tpu.memory_space<vmem>>
      %dma_start3A_331 = arith.constant 0 : i32
      %dma_start3A_332 = tpu.memref_slice %arg3[%squeeze3A_317, %dma_start3A_331] : memref<100000x64xf32, #tpu.memory_space<hbm>> -> memref<1x64xf32, #tpu.memory_space<hbm>>
      %dma_start3A_333 = tpu.memref_squeeze %dma_start3A_332 : memref<1x64xf32, #tpu.memory_space<hbm>> -> memref<64xf32, #tpu.memory_space<hbm>>
      tpu.enqueue_dma source(%dma_start3A_333 : memref<64xf32, #tpu.memory_space<hbm>>) target(%dma_start3A_330 : memref<64xf32, #tpu.memory_space<vmem>>) target_semaphore(%arg12 : memref<!tpu.dma_semaphore, #tpu.memory_space<semaphore_mem>>)
      %slice3A_334 = vector.extract_strided_slice %get3A_66 {offsets = [15], sizes = [1], strides = [1]} : vector<16xi32> to vector<1xi32>
      %squeeze3A_335 = vector.extract %slice3A_334[0] : i32 from vector<1xi32>
      %mul3A_336 = arith.constant 16 : i32
      %mul3A_337 = arith.muli %scan3A_60, %mul3A_336 : i32
      %add3A_338 = arith.constant 15 : i32
      %add3A_339 = arith.addi %mul3A_337, %add3A_338 : i32
      %dma_start3A_340 = arith.constant 0 : i32
      %dma_start3A_341 = tpu.memref_slice %arg10[%add3A_339, %dma_start3A_340] : memref<256x64xf32, #tpu.memory_space<vmem>> -> memref<1x64xf32, #tpu.memory_space<vmem>>
      %dma_start3A_342 = tpu.memref_squeeze %dma_start3A_341 : memref<1x64xf32, #tpu.memory_space<vmem>> -> memref<64xf32, #tpu.memory_space<vmem>>
      %dma_start3A_343 = arith.constant 0 : i32
      %dma_start3A_344 = tpu.memref_slice %arg3[%squeeze3A_335, %dma_start3A_343] : memref<100000x64xf32, #tpu.memory_space<hbm>> -> memref<1x64xf32, #tpu.memory_space<hbm>>
      %dma_start3A_345 = tpu.memref_squeeze %dma_start3A_344 : memref<1x64xf32, #tpu.memory_space<hbm>> -> memref<64xf32, #tpu.memory_space<hbm>>
      %dma_start3A_346 = arith.constant 0 : i32
      %dma_start3A_347 = tpu.memref_slice %arg10[%add3A_339, %dma_start3A_346] : memref<256x64xf32, #tpu.memory_space<vmem>> -> memref<1x64xf32, #tpu.memory_space<vmem>>
      %dma_start3A_348 = tpu.memref_squeeze %dma_start3A_347 : memref<1x64xf32, #tpu.memory_space<vmem>> -> memref<64xf32, #tpu.memory_space<vmem>>
      %dma_start3A_349 = arith.constant 0 : i32
      %dma_start3A_350 = tpu.memref_slice %arg3[%squeeze3A_335, %dma_start3A_349] : memref<100000x64xf32, #tpu.memory_space<hbm>> -> memref<1x64xf32, #tpu.memory_space<hbm>>
      %dma_start3A_351 = tpu.memref_squeeze %dma_start3A_350 : memref<1x64xf32, #tpu.memory_space<hbm>> -> memref<64xf32, #tpu.memory_space<hbm>>
      tpu.enqueue_dma source(%dma_start3A_351 : memref<64xf32, #tpu.memory_space<hbm>>) target(%dma_start3A_348 : memref<64xf32, #tpu.memory_space<vmem>>) target_semaphore(%arg12 : memref<!tpu.dma_semaphore, #tpu.memory_space<semaphore_mem>>)
    }
    %scan3A_41 = arith.constant 16 : i32
    %dma_wait3A_42 = arith.constant 0 : i32
    %dma_wait3A_43 = arith.constant 0 : i32
    %dma_wait3A_44 = tpu.memref_slice %arg2[%dma_wait3A_42, %dma_wait3A_43] : memref<100000x64xf32, #tpu.memory_space<hbm>> -> memref<256x64xf32, #tpu.memory_space<hbm>>
    %dma_wait3A_45 = arith.constant 0 : i32
    %dma_wait3A_46 = arith.constant 0 : i32
    %dma_wait3A_47 = tpu.memref_slice %arg2[%dma_wait3A_45, %dma_wait3A_46] : memref<100000x64xf32, #tpu.memory_space<hbm>> -> memref<256x64xf32, #tpu.memory_space<hbm>>
    tpu.wait_dma2 semaphore(%arg11 : memref<!tpu.dma_semaphore, #tpu.memory_space<semaphore_mem>>) src(%dma_wait3A_47 : memref<256x64xf32, #tpu.memory_space<hbm>>) dst(%arg9 : memref<256x64xf32, #tpu.memory_space<vmem>>)
    %add3A_48 = arith.constant 256 : i32
    %add3A_49 = arith.addi %mul3A_2, %add3A_48 : i32
    %run_scoped3A_50 = arith.constant 0 : i32
    "tpu.region"() ({
      %run_scoped3A_60 = tpu.sem_alloc : memref<!tpu.dma_semaphore, #tpu.memory_space<semaphore_mem>>
      %dma_start3A = arith.constant 0 : i32
      %dma_start3A_61 = tpu.memref_slice %arg6[%run_scoped3A_50, %add3A_49, %dma_start3A] : memref<2x16384x64xf32, #tpu.memory_space<hbm>> -> memref<1x256x64xf32, #tpu.memory_space<hbm>>
      %dma_start3A_62 = tpu.memref_squeeze %dma_start3A_61 : memref<1x256x64xf32, #tpu.memory_space<hbm>> -> memref<256x64xf32, #tpu.memory_space<hbm>>
      %dma_start3A_63 = arith.constant 0 : i32
      %dma_start3A_64 = tpu.memref_slice %arg6[%run_scoped3A_50, %add3A_49, %dma_start3A_63] : memref<2x16384x64xf32, #tpu.memory_space<hbm>> -> memref<1x256x64xf32, #tpu.memory_space<hbm>>
      %dma_start3A_65 = tpu.memref_squeeze %dma_start3A_64 : memref<1x256x64xf32, #tpu.memory_space<hbm>> -> memref<256x64xf32, #tpu.memory_space<hbm>>
      tpu.enqueue_dma source(%arg9 : memref<256x64xf32, #tpu.memory_space<vmem>>) target(%dma_start3A_65 : memref<256x64xf32, #tpu.memory_space<hbm>>) target_semaphore(%run_scoped3A_60 : memref<!tpu.dma_semaphore, #tpu.memory_space<semaphore_mem>>)
      %dma_wait3A_66 = arith.constant 0 : i32
      %dma_wait3A_67 = tpu.memref_slice %arg6[%run_scoped3A_50, %add3A_49, %dma_wait3A_66] : memref<2x16384x64xf32, #tpu.memory_space<hbm>> -> memref<1x256x64xf32, #tpu.memory_space<hbm>>
      %dma_wait3A_68 = tpu.memref_squeeze %dma_wait3A_67 : memref<1x256x64xf32, #tpu.memory_space<hbm>> -> memref<256x64xf32, #tpu.memory_space<hbm>>
      %dma_wait3A_69 = arith.constant 0 : i32
      %dma_wait3A_70 = tpu.memref_slice %arg6[%run_scoped3A_50, %add3A_49, %dma_wait3A_69] : memref<2x16384x64xf32, #tpu.memory_space<hbm>> -> memref<1x256x64xf32, #tpu.memory_space<hbm>>
      %dma_wait3A_71 = tpu.memref_squeeze %dma_wait3A_70 : memref<1x256x64xf32, #tpu.memory_space<hbm>> -> memref<256x64xf32, #tpu.memory_space<hbm>>
      tpu.wait_dma2 semaphore(%run_scoped3A_60 : memref<!tpu.dma_semaphore, #tpu.memory_space<semaphore_mem>>) src(%arg9 : memref<256x64xf32, #tpu.memory_space<vmem>>) dst(%dma_wait3A_71 : memref<256x64xf32, #tpu.memory_space<hbm>>)
      tpu.yield
    }) : () -> ()
    %dma_wait3A_51 = arith.constant 0 : i32
    %dma_wait3A_52 = arith.constant 0 : i32
    %dma_wait3A_53 = tpu.memref_slice %arg3[%dma_wait3A_51, %dma_wait3A_52] : memref<100000x64xf32, #tpu.memory_space<hbm>> -> memref<256x64xf32, #tpu.memory_space<hbm>>
    %dma_wait3A_54 = arith.constant 0 : i32
    %dma_wait3A_55 = arith.constant 0 : i32
    %dma_wait3A_56 = tpu.memref_slice %arg3[%dma_wait3A_54, %dma_wait3A_55] : memref<100000x64xf32, #tpu.memory_space<hbm>> -> memref<256x64xf32, #tpu.memory_space<hbm>>
    tpu.wait_dma2 semaphore(%arg12 : memref<!tpu.dma_semaphore, #tpu.memory_space<semaphore_mem>>) src(%dma_wait3A_56 : memref<256x64xf32, #tpu.memory_space<hbm>>) dst(%arg10 : memref<256x64xf32, #tpu.memory_space<vmem>>)
    %add3A_57 = arith.constant 256 : i32
    %add3A_58 = arith.addi %mul3A_2, %add3A_57 : i32
    %run_scoped3A_59 = arith.constant 1 : i32
    "tpu.region"() ({
      %run_scoped3A_60 = tpu.sem_alloc : memref<!tpu.dma_semaphore, #tpu.memory_space<semaphore_mem>>
      %dma_start3A = arith.constant 0 : i32
      %dma_start3A_61 = tpu.memref_slice %arg6[%run_scoped3A_59, %add3A_58, %dma_start3A] : memref<2x16384x64xf32, #tpu.memory_space<hbm>> -> memref<1x256x64xf32, #tpu.memory_space<hbm>>
      %dma_start3A_62 = tpu.memref_squeeze %dma_start3A_61 : memref<1x256x64xf32, #tpu.memory_space<hbm>> -> memref<256x64xf32, #tpu.memory_space<hbm>>
      %dma_start3A_63 = arith.constant 0 : i32
      %dma_start3A_64 = tpu.memref_slice %arg6[%run_scoped3A_59, %add3A_58, %dma_start3A_63] : memref<2x16384x64xf32, #tpu.memory_space<hbm>> -> memref<1x256x64xf32, #tpu.memory_space<hbm>>
      %dma_start3A_65 = tpu.memref_squeeze %dma_start3A_64 : memref<1x256x64xf32, #tpu.memory_space<hbm>> -> memref<256x64xf32, #tpu.memory_space<hbm>>
      tpu.enqueue_dma source(%arg10 : memref<256x64xf32, #tpu.memory_space<vmem>>) target(%dma_start3A_65 : memref<256x64xf32, #tpu.memory_space<hbm>>) target_semaphore(%run_scoped3A_60 : memref<!tpu.dma_semaphore, #tpu.memory_space<semaphore_mem>>)
      %dma_wait3A_66 = arith.constant 0 : i32
      %dma_wait3A_67 = tpu.memref_slice %arg6[%run_scoped3A_59, %add3A_58, %dma_wait3A_66] : memref<2x16384x64xf32, #tpu.memory_space<hbm>> -> memref<1x256x64xf32, #tpu.memory_space<hbm>>
      %dma_wait3A_68 = tpu.memref_squeeze %dma_wait3A_67 : memref<1x256x64xf32, #tpu.memory_space<hbm>> -> memref<256x64xf32, #tpu.memory_space<hbm>>
      %dma_wait3A_69 = arith.constant 0 : i32
      %dma_wait3A_70 = tpu.memref_slice %arg6[%run_scoped3A_59, %add3A_58, %dma_wait3A_69] : memref<2x16384x64xf32, #tpu.memory_space<hbm>> -> memref<1x256x64xf32, #tpu.memory_space<hbm>>
      %dma_wait3A_71 = tpu.memref_squeeze %dma_wait3A_70 : memref<1x256x64xf32, #tpu.memory_space<hbm>> -> memref<256x64xf32, #tpu.memory_space<hbm>>
      tpu.wait_dma2 semaphore(%run_scoped3A_60 : memref<!tpu.dma_semaphore, #tpu.memory_space<semaphore_mem>>) src(%arg10 : memref<256x64xf32, #tpu.memory_space<vmem>>) dst(%dma_wait3A_71 : memref<256x64xf32, #tpu.memory_space<hbm>>)
      tpu.yield
    }) : () -> ()
    return
  }
}

</mosaic_0001>

<sc_bundles>
// kernel: kernel.3.cloned.1.call-start
scs
__scs_entry_jumppad:
0x0: {  	(pc) =	sbr.rel $0x88, $3  }
0x1: {  	(tag) =	ssettag $0x0;
	lr =	simm.s32 $0x1  }
0x2: {  	[smem:$0x3F9D] =	sst lr;
	_ =	strace $0xD0000000  }
0x3: {  	_ = 	snop  }
0x4: {  	_ = 	snop  }
0x5: {  	_ = 	snop  }
0x6: {  	_ = 	snop  }
0x7: {  	_ = 	snop  }
__scs_overlays_trampoline_lowered:
0x8: {  	[smem:$0x3FAC] =	sst s0  }
0x9: {  	[smem:$0x3FAD] =	sst s1  }
0xa: {  	[smem:$0x3FAE] =	sst s2  }
0xb: {  	[smem:$0x3FAF] =	sst s3  }
0xc: {  	[smem:$0x3FB0] =	sst s4  }
0xd: {  	[smem:$0x3FB1] =	sst s5  }
0xe: {  	[smem:$0x3FB2] =	sst s6  }
0xf: {  	[smem:$0x3FB3] =	sst s7  }
0x10: {  	[smem:$0x3FB4] =	sst s8  }
0x11: {  	[smem:$0x3FB5] =	sst s9;
	s0 =	simm.s32 @!p0 $0x0  }
0x12: {  	s1 =	sld [smem:$0x3F9B];
	s0 =	simm.s32 @p0 $0x1  }
0x13: {  	[smem:$0x3FB6] =	sst s0;
	s0 =	simm.s32 @!p1 $0x0  }
0x14: {  	s2 =	sld [smem:$0x3F9A];
	s0 =	simm.s32 @p1 $0x1  }
0x15: {  	[smem:$0x3FB7] =	sst s0;
	s0 =	simm.s32 @!p2 $0x0  }
0x16: {  	s3 =	sld [smem:$0x3FDB];
	s0 =	simm.s32 @p2 $0x1  }
0x17: {  	s4 =	simm.s32 $0x1BF5;
	[smem:$0x3FB9] =	sst s0  }
0x18: {  	s0 =	sld [smem:$0x3F9C];
	_ =	swait.ge [sflag:s4], $0x0  }
0x19: {  	s7 =	sld [smem:$0x3F9D]  }
0x1a: {  	s8 =	sadd.s32 $0xFFFFE003, lr  }
0x1b: {  	s9 =	sadd.s32 $0xFFFFFEF7, lr;
	s5 =	simm.s32 $0xFFFFFFFF;
	p2 =	slt.u32 s8, $0xFFFFF086  }
0x1c: {  	p1 =	slt.u32 s9, $0xF7A;
	s5 =	simm.s32 @!p2 $0x0  }
0x1d: {  	s5 =	simm.s32 @p1 $0x1;
	p0 =	seq.s32 s7, s2  }
0x1e: {  	s7 =	smul.u32 @!p0 $0xF7A, s2;
	p2 =	seq.s32 @!p0 s5, $0x0  }
0x1f: {  	s9 =	smul.u32 $0xF7A, s1;
	s8 =	simm.s32 @!p0 $0x1BF5;
	p2 =	por !p2, p0  }
0x20: {  	[sflag:s8] =	ssyncset.s32 @!p0 $0xFFFFF086;
	s6 =	sadd.s32 @!p0 s3, s7;
	s7 =	simm.s32 @!p0 $0x108  }
0x21: {  	s3 =	sadd.s32 s3, s9;
	s6 =	sadd.s32 @!p0 $0x88, s6;
	s7 =	simm.s32 @p2 $0x1082  }
0x22: {  	[simem:s7], [sflag:s8] =	dma.local @!p0 [hbm:s6], $0xF7A  }
0x23: {  	s9 =	sor.u32 $0xD0000000, s2;
	s6 =	simm.s32 $0x108;
	_ =	swait.ge @!p0 [sflag:s8], $0x0  }
0x24: {  	s3 =	sadd.s32 $0x88, s3;
	s6 =	simm.s32 @!p1 $0x1082;
	[sflag:s4] =	ssyncset.s32 $0xFFFFF086  }
0x25: {  	[simem:s6], [sflag:s4] =	dma.local [hbm:s3], $0xF7A  }
0x26: {  	[smem:$0x3F9D] =	sst s1;
	(tag) =	ssettag s2;
	_ =	strace s9  }
0x27: {  	s1 =	sld [smem:$0x3FAD]  }
0x28: {  	s2 =	sld [smem:$0x3FAE]  }
0x29: {  	s4 =	sld [smem:$0x3FB0]  }
0x2a: {  	p0 =	seq.s32 s5, $0x0;
	s5 =	sld [smem:$0x3FB1]  }
0x2b: {  	s6 =	sld [smem:$0x3FB2]  }
0x2c: {  	s7 =	sld [smem:$0x3FB3]  }
0x2d: {  	s3 =	simm.s32 $0x108;
	s8 =	sld [smem:$0x3FB4]  }
0x2e: {  	s3 =	simm.s32 @!p0 $0x1082;
	s9 =	sld [smem:$0x3FB5]  }
0x2f: {  	lr =	sadd.s32 s0, s3;
	s0 =	sld [smem:$0x3FAC]  }
0x30: {  	s3 =	sld [smem:$0x3FAF]  }
0x31: {  	[smem:$0x3FB8] =	sst s10  }
0x32: {  	s10 =	sld [smem:$0x3FB6];
	_ =	sdelay $0x3  }
0x33: {  	p0 =	seq.s32 s10, $0x1;
	s10 =	sld [smem:$0x3FB8];
	_ =	sdelay $0x3  }
0x34: {  	[smem:$0x3FB8] =	sst s10  }
0x35: {  	s10 =	sld [smem:$0x3FB7];
	_ =	sdelay $0x3  }
0x36: {  	p1 =	seq.s32 s10, $0x1;
	s10 =	sld [smem:$0x3FB8];
	_ =	sdelay $0x3  }
0x37: {  	[smem:$0x3FB8] =	sst s10  }
0x38: {  	s10 =	sld [smem:$0x3FB9]  }
0x39: {  	_ = 	snop;
	(pc) =	sbr.ind lr, $3  }
0x3a: {  	_ = 	snop  }
0x3b: {  	_ = 	snop  }
0x3c: {  	p2 =	seq.s32 s10, $0x1;
	s10 =	sld [smem:$0x3FB8]  }
0x3d: {  	_ =	shalt  }
0x3e: {  	_ =	shalt  }
0x3f: {  	_ =	shalt  }
0x40: {  	_ =	shalt  }
0x41: {  	_ =	shalt  }
0x42: {  	_ =	shalt  }
0x43: {  	_ =	shalt  }
0x44: {  	_ =	shalt  }
0x45: {  	_ =	shalt  }
0x46: {  	_ =	shalt  }
0x47: {  	_ =	shalt  }
0x48: {  	_ =	shalt  }
0x49: {  	_ =	shalt  }
0x4a: {  	_ =	shalt  }
0x4b: {  	_ =	shalt  }
0x4c: {  	_ =	shalt  }
0x4d: {  	_ =	shalt  }
0x4e: {  	_ =	shalt  }
0x4f: {  	_ =	shalt  }
0x50: {  	_ =	shalt  }
0x51: {  	_ =	shalt  }
0x52: {  	_ =	shalt  }
0x53: {  	_ =	shalt  }
0x54: {  	_ =	shalt  }
0x55: {  	_ =	shalt  }
0x56: {  	_ =	shalt  }
0x57: {  	_ =	shalt  }
0x58: {  	_ =	shalt  }
0x59: {  	_ =	shalt  }
0x5a: {  	_ =	shalt  }
0x5b: {  	_ =	shalt  }
0x5c: {  	_ =	shalt  }
0x5d: {  	_ =	shalt  }
0x5e: {  	_ =	shalt  }
0x5f: {  	_ =	shalt  }
0x60: {  	_ =	shalt  }
0x61: {  	_ =	shalt  }
0x62: {  	_ =	shalt  }
0x63: {  	_ =	shalt  }
0x64: {  	_ =	shalt  }
0x65: {  	_ =	shalt  }
0x66: {  	_ =	shalt  }
0x67: {  	_ =	shalt  }
0x68: {  	_ =	shalt  }
0x69: {  	_ =	shalt  }
0x6a: {  	_ =	shalt  }
0x6b: {  	_ =	shalt  }
0x6c: {  	_ =	shalt  }
0x6d: {  	_ =	shalt  }
0x6e: {  	_ =	shalt  }
0x6f: {  	_ =	shalt  }
0x70: {  	_ =	shalt  }
0x71: {  	_ =	shalt  }
0x72: {  	_ =	shalt  }
0x73: {  	_ =	shalt  }
0x74: {  	_ =	shalt  }
0x75: {  	_ =	shalt  }
0x76: {  	_ =	shalt  }
0x77: {  	_ =	shalt  }
0x78: {  	_ =	shalt  }
0x79: {  	_ =	shalt  }
0x7a: {  	_ =	shalt  }
0x7b: {  	_ =	shalt  }
0x7c: {  	_ =	shalt  }
0x7d: {  	_ =	shalt  }
0x7e: {  	_ =	shalt  }
0x7f: {  	_ =	shalt  }
0x80: {  	_ =	shalt  }
0x81: {  	_ =	shalt  }
0x82: {  	_ =	shalt  }
0x83: {  	_ =	shalt  }
0x84: {  	_ =	shalt  }
0x85: {  	_ =	shalt  }
0x86: {  	_ =	shalt  }
0x87: {  	_ =	shalt  }
.Lfunc_end0:
.L_simem_size_0:
called_computation_lowered:
.L_overlay_start_0:
0x88: {  	s2 =	sld [smem:$0x3FD9]  }
0x89: {  	s3 =	sld [smem:$0x3FFE];
	_ =	sdelay $0x1  }
0x8a: {  	s1 =	srdreg.scid  }
0x8b: {  	s0 =	sand.u32 $0x1, s1  }
0x8c: {  	s17 =	sshll.u32 s0, $0xA;
	s2 =	sadd.s32 s3, s2  }
0x8d: {  	s2 =	sadd.s32 s2, s17  }
0x8e: {  	[smem:$0x3FC4] =	sst s2  }
0x8f: {  	_ = 	snop  }
0x90: {  	s2 =	sld [smem:$0x3FC7]  }
0x91: {  	s18 =	sld [smem:$0x3FC6];
	(tm) =	ssettm $0x1  }
0x92: {  	s4 =	sld [smem:$0x3FFB];
	_ =	sdelay $0x3  }
0x93: {  	_ =	strace s4  }
0x94: {  	s4 =	sld [smem:$0x3FFC];
	_ =	sdelay $0x3  }
0x95: {  	_ =	strace s4  }
0x96: {  	s4 =	sld [smem:$0x3FFD];
	_ =	sdelay $0x3  }
0x97: {  	_ =	strace s4  }
0x98: {  	_ =	strace $0x8FFFFFFF  }
0x99: {  	s19 =	sld [smem:$0x3FDB];
	_ =	sdelay $0x1  }
0x9a: {  	s5 =	simm.s32 $_scs_section_size  }
0x9b: {  	s6 =	simm.s32 $_size__tile_overlayer_lowered;
	s7 =	simm.s32 $_tile_overlayer_lowered  }
0x9c: {  	s22 =	simm.s32 $0x1BFF;
	s21 =	sshll.u32 s7, $0x1;
	s4 =	sadd.s32 s5, s19  }
0x9d: {  	s8 =	simm.s32 $0x0;
	s20 =	sshll.u32 s6, $0x1;
	s6 =	sadd.s32 s21, s4  }
0x9e: {  	[timem:s8], [sflag:s22] =	dma.local [hbm:s6], s20  }
0x9f: {  	_ =	swait.ge [sflag:s22], s20  }
0xa0: {  	s5 =	ssub.s32 $0x0, s20;
	[sflag:s22] =	ssyncset.done $0x0  }
0xa1: {  	[sflag:s22] =	ssyncadd.s32 s5;
	_ =	sdelay $0x1  }
0xa2: {  	s23 =	simm.s32 $0x1B8B  }
0xa3: {  	_ =	swait.ge [sflag:s23], $0x1  }
0xa4: {  	[sflag:s23] =	ssyncset.done $0x0  }
0xa5: {  	s25 =	simm.s32 $0x1B8E;
	s24 =	sld [smem:$0x3FFE];
	[sflag:s23] =	ssyncadd.s32 $0xFFFFFFFF  }
0xa6: {  	s26 =	simm.s32 $execute0_lowered;
	[smem:$0x3FD2] =	sst s25  }
0xa7: {  	s6 =	sshll.u32 s26, $0x1;
	_ =	strace $0x80000046;
	[dreg:$0x1] =	wrdreg $0xFFFFFFFF  }
0xa8: {  	s28 =	simm.s32 $_size_execute0_lowered;
	s4 =	sadd.s32 s4, s6;
	[dreg:$0x0] =	wrdreg $0x0  }
0xa9: {  	s6 =	sshll.u32 s28, $0x1;
	[dreg:$0x2] =	wrdreg s4  }
0xaa: {  	[dreg:$0x3] =	wrdreg s6  }
0xab: {  	[dreg:$0x4] =	wrdreg $0xC0  }
0xac: {  	_ =	task [dreg:s8], $0x5FFFF  }
0xad: {  	[dreg:$0x1] =	wrdreg $0xFFFFFFFF  }
0xae: {  	[dreg:$0x0] =	wrdreg $0x60  }
0xaf: {  	[dreg:$0x2] =	wrdreg s24  }
0xb0: {  	[dreg:$0x3] =	wrdreg s2  }
0xb1: {  	[dreg:$0x4] =	wrdreg s18  }
0xb2: {  	[dreg:$0x5] =	wrdreg $0x9  }
0xb3: {  	_ =	task.clear_ibuf [dreg:s8], $0x6FFFF;
	_ =	strace $0x90000046  }
0xb4: {  	s29 =	simm.s32 $0x9;
	_ =	strace $0x80000048  }
0xb5: {  	_ =	swait.ge [sflag:s29], $0x1  }
0xb6: {  	[sflag:s29] =	ssyncadd.s32 $0xFFFFFFFF  }
0xb7: {  	_ =	strace $0x90000048  }
0xb8: {  	_ =	sfence  }
0xb9: {  	s30 =	sld [smem:$0x0];
	_ =	sdelay $0x2  }
0xba: {  	s31 =	sshll.u32 s1, $0xD;
	s1 =	sshrl.u32 s1, $0x2  }
0xbb: {  	s3 =	sand.u32 $0x4000, s31;
	s1 =	sadd.s32 s1, s30  }
0xbc: {  	s0 =	sor.u32 s3, s0;
	s1 =	sshll.u32 s1, $0x11  }
0xbd: {  	s0 =	sor.u32 s1, s0  }
0xbe: {  	s0 =	sadd.s32 $0x8F2B, s0  }
0xbf: {  	[sflag:s0] =	ssyncadd.remote.s32 $0x1  }
0xc0: {  	_ =	sfence.sel $0xFFFF  }
0xc1: {  	[dreg:$0x0] =	wrdreg $0xFFFFFFFF;
	(pc) =	sbr.abs _section_cstart, $3  }
0xc2: {  	[dreg:$0x1] =	wrdreg $0xFFFFFFFF  }
0xc3: {  	_ =	task.clear_ibuf [dreg:s8], $0x2FFFF;
	_ =	strace $0x9FFFFFFF  }
0xc4: {  	(tm) =	ssettm $0x7FFFFFFF  }
0xc5: {  	_ =	shalt  }
tec
execute0_lowered:
.L_overlay_start_1:
0x0: {  	(tag) =	ssettag $0x1  }
0x1: {  	s0 =	rddreg [dreg:$0x0]  }
0x2: {  	s5 =	rddreg [dreg:$0x1]  }
0x3: {  	s7 =	rddreg [dreg:$0x2];
	s3 =	srdreg.scid;
	s2 =	simm.s32 $0x0  }
0x4: {  	s1 =	stileid.u32;
	s12 =	simm.s32 $0x3;
	s14 =	simm.s32 $0x1  }
0x5: {  	s16 =	simm.s32 $0x2;
	s18 =	simm.s32 $0x0;
	s6 =	sand.u32 $0x1, s3  }
0x6: {  	[smem:$0x7FF] =	sst s2;
	s4 =	sshll.u32 s1, $0xA;
	s8 =	sshll.u32 s6, $0x9  }
0x7: {  	s3 =	sadd.s32 $0x600, s0;
	_ =	strace $0x80000047;
	s8 =	sor.u32 s8, s4  }
0x8: {  	s6 =	ssub.s32 $0x2, s6;
	s9 =	sshll.u32 s8, $0x4;
	s8 =	sshrl.u32 s8, $0x3  }
0x9: {  	s4 =	sadd.s32 $0x187000, s0;
	s26 =	sshrl.u32 s6, $0x1;
	s28 =	sadd.s32 s5, s8  }
0xa: {  	s0 =	sadd.s32 s9, s0;
	s30 =	sadd.s32 s7, s8;
	[dreg:$0x4] =	wrdreg s28  }
0xb: {  	s11 =	ssub.s32 s6, s26;
	s29 =	sadd.s32 $0x30DA00, s0;
	[dreg:$0x6] =	wrdreg s30  }
0xc: {  	s11 =	smax.u32 s11, $0x1;
	s31 =	sadd.s32 $0x34DA00, s0;
	[dreg:$0x5] =	wrdreg s29  }
0xd: {  	s9 =	sadd.s32 $0x30EA00, s0;
	s10 =	sadd.s32 $0x34EA00, s0;
	[dreg:$0x7] =	wrdreg s31  }
.LBB2_1:
0xe: {  	s0 =	rddreg [dreg:$0x4]  }
0xf: {  	[tilespmem:s2], [sflag:$0x3] =	stream.linear.gather [hbm4b:s0+s2], $0x200, $0x38;
	[tilespmem:$0x10400] =	vst v63  }
0x10: {  	_ =	swait.ge [sflag:s12], $0x200  }
0x11: {  	[sflag:s12] =	ssyncset.done $0x0  }
0x12: {  	s1 =	simm.s32 $0x200;
	s31 =	rddreg [dreg:$0x6];
	[sflag:s12] =	ssyncadd.s32 $0xFFFFFE00  }
0x13: {  	[tilespmem:s1], [sflag:$0x3] =	stream.linear.gather [hbm4b:s31+s2], $0x200, $0x38;
	[tilespmem:$0x10400] =	vst v63  }
0x14: {  	_ =	swait.ge [sflag:s12], $0x200  }
0x15: {  	[sflag:s12] =	ssyncset.done $0x0  }
0x16: {  	[sflag:s12] =	ssyncadd.s32 $0xFFFFFE00  }
0x17: {  	v0 =	vld [tilespmem:s2+$0x0];
	_ =	sdelay $0x4  }
0x18: {  	v0 =	vshll.u32 v0, $0x4  }
0x19: {  	(v2sf) =	vpush v0, $0x0  }
0x1a: {  	(v2sf) =	vpush v0, $0x1  }
0x1b: {  	(v2sf) =	vpush v0, $0x2;
	_ =	sdelay $0x1  }
0x1c: {  	(v2sf) =	vpush v0, $0x4;
	_ =	sdelay $0x1  }
0x1d: {  	(v2sf) =	vpush v0, $0x3  }
0x1e: {  	(v2sf) =	vpush v0, $0x5  }
0x1f: {  	s21 =	simm.s32 $0x2000;
	s20 =	simm.s32 $0x0;
	s22 =	simm.s32 $0x0;
	(v2sf) =	vpush v0, $0x6  }
.LBB2_2:
0x20: {  	p0 =	sne.s32 s21, $0x1E000  }
0x21: {  	s1 =	sadd.s32 $0x480, s20;
	s26 =	sadd.s32 $0x980, s20;
	s23 =	smov.u32 s21  }
0x22: {  	s21 =	sadd.s32 $0x2000, s21;
	s30 =	sadd.s32 $0x780, s20;
	s24 =	sadd.s32 $0xA00, s20;
	(v2sf) =	vpush v0, $0x7  }
0x23: {  	s0 =	sadd.s32 $0x680, s20;
	s28 =	sadd.s32 $0x800, s20;
	s25 =	sadd.s32 $0xA80, s20  }
0x24: {  	s13 =	sadd.s32 $0x400, s20;
	s15 =	sadd.s32 $0x600, s20;
	(v2sf) =	vpush v0, $0x8  }
0x25: {  	s19 =	simm.s32 $0x0;
	s17 =	sadd.s32 $0x700, s20;
	s22 =	sadd.s32 $0x10, s22  }
0x26: {  	s5 =	sadd.s32 $0x500, s20;
	s29 =	sadd.s32 $0x900, s20;
	s31 =	spop (v2sf);
	(v2sf) =	vpush v0, $0x9  }
0x27: {  	s6 =	sand.u32 $0x1FFFFFF0, s31;
	s31 =	sadd.s32 $0x880, s20;
	s7 =	spop (v2sf)  }
0x28: {  	s6 =	sadd.s32 s3, s6;
	s7 =	sand.u32 $0x1FFFFFF0, s7;
	s8 =	spop (v2sf);
	(v2sf) =	vpush v0, $0xA  }
0x29: {  	[tilespmem:s13], [sflag:$0x1] =	stream.linear.gather [hbm4b:s6+s19], $0x80, $0x38;
	[tilespmem:$0x10400] =	vst v63  }
0x2a: {  	s6 =	sadd.s32 s3, s7;
	s7 =	sadd.s32 $0x580, s20;
	s13 =	spop (v2sf);
	(v2sf) =	vpush v0, $0xB  }
0x2b: {  	[tilespmem:s1], [sflag:$0x1] =	stream.linear.gather [hbm4b:s6+s19], $0x80, $0x38;
	[tilespmem:$0x10400] =	vst v63  }
0x2c: {  	s1 =	sand.u32 $0x1FFFFFF0, s8;
	s6 =	sand.u32 $0x1FFFFFF0, s13;
	s8 =	spop (v2sf);
	(v2sf) =	vpush v0, $0xC  }
0x2d: {  	s1 =	sadd.s32 s3, s1;
	s8 =	sand.u32 $0x1FFFFFF0, s8;
	s13 =	spop (v2sf)  }
0x2e: {  	[tilespmem:s5], [sflag:$0x1] =	stream.linear.gather [hbm4b:s1+s19], $0x80, $0x38;
	(v2sf) =	vpush v0, $0xD;
	[tilespmem:$0x10400] =	vst v63  }
0x2f: {  	s1 =	sadd.s32 s3, s8;
	s5 =	sand.u32 $0x1FFFFFF0, s13;
	s8 =	spop (v2sf)  }
0x30: {  	[tilespmem:s7], [sflag:$0x1] =	stream.linear.gather [hbm4b:s1+s19], $0x80, $0x38;
	(v2sf) =	vpush v0, $0xE;
	[tilespmem:$0x10400] =	vst v63  }
0x31: {  	s1 =	sadd.s32 s3, s6;
	s6 =	sand.u32 $0x1FFFFFF0, s8;
	s7 =	spop (v2sf)  }
0x32: {  	[tilespmem:s15], [sflag:$0x1] =	stream.linear.gather [hbm4b:s1+s19], $0x80, $0x38;
	(v2sf) =	vpush v0, $0xF;
	[tilespmem:$0x10400] =	vst v63  }
0x33: {  	s1 =	sadd.s32 s3, s5;
	s5 =	sand.u32 $0x1FFFFFF0, s7;
	s7 =	spop (v2sf)  }
0x34: {  	[tilespmem:s0], [sflag:$0x1] =	stream.linear.gather [hbm4b:s1+s19], $0x80, $0x38;
	[tilespmem:$0x10400] =	vst v63  }
0x35: {  	s0 =	sadd.s32 s3, s6;
	s1 =	sand.u32 $0x1FFFFFF0, s7;
	s6 =	spop (v2sf)  }
0x36: {  	[tilespmem:s17], [sflag:$0x1] =	stream.linear.gather [hbm4b:s0+s19], $0x80, $0x38;
	[tilespmem:$0x10400] =	vst v63  }
0x37: {  	s0 =	sadd.s32 s3, s5;
	s5 =	sand.u32 $0x1FFFFFF0, s6;
	s6 =	spop (v2sf)  }
0x38: {  	[tilespmem:s30], [sflag:$0x1] =	stream.linear.gather [hbm4b:s0+s19], $0x80, $0x38;
	[tilespmem:$0x10400] =	vst v63  }
0x39: {  	s0 =	sadd.s32 s3, s1;
	s1 =	sand.u32 $0x1FFFFFF0, s6;
	s6 =	spop (v2sf)  }
0x3a: {  	[tilespmem:s28], [sflag:$0x1] =	stream.linear.gather [hbm4b:s0+s19], $0x80, $0x38;
	[tilespmem:$0x10400] =	vst v63  }
0x3b: {  	s0 =	sadd.s32 s3, s5;
	s5 =	sand.u32 $0x1FFFFFF0, s6;
	s6 =	spop (v2sf)  }
0x3c: {  	[tilespmem:s31], [sflag:$0x1] =	stream.linear.gather [hbm4b:s0+s19], $0x80, $0x38;
	[tilespmem:$0x10400] =	vst v63  }
0x3d: {  	s0 =	sadd.s32 s3, s1;
	s1 =	sand.u32 $0x1FFFFFF0, s6;
	s6 =	spop (v2sf)  }
0x3e: {  	[tilespmem:s29], [sflag:$0x1] =	stream.linear.gather [hbm4b:s0+s19], $0x80, $0x38;
	[tilespmem:$0x10400] =	vst v63  }
0x3f: {  	s0 =	sadd.s32 s3, s5;
	s5 =	sand.u32 $0x1FFFFFF0, s6;
	s6 =	spop (v2sf)  }
0x40: {  	[tilespmem:s26], [sflag:$0x1] =	stream.linear.gather [hbm4b:s0+s19], $0x80, $0x38;
	[tilespmem:$0x10400] =	vst v63  }
0x41: {  	s0 =	sadd.s32 s3, s1;
	s1 =	sand.u32 $0x1FFFFFF0, s6;
	s6 =	spop (v2sf)  }
0x42: {  	[tilespmem:s24], [sflag:$0x1] =	stream.linear.gather [hbm4b:s0+s19], $0x80, $0x38;
	[tilespmem:$0x10400] =	vst v63  }
0x43: {  	s0 =	sadd.s32 s3, s5;
	s5 =	sand.u32 $0x1FFFFFF0, s6  }
0x44: {  	[tilespmem:s25], [sflag:$0x1] =	stream.linear.gather [hbm4b:s0+s19], $0x80, $0x38;
	[tilespmem:$0x10400] =	vst v63  }
0x45: {  	s1 =	sadd.s32 s3, s1;
	s0 =	sadd.s32 $0xB00, s20  }
0x46: {  	[tilespmem:s0], [sflag:$0x1] =	stream.linear.gather [hbm4b:s1+s19], $0x80, $0x38;
	[tilespmem:$0x10400] =	vst v63  }
0x47: {  	s0 =	sadd.s32 $0xB80, s20;
	s1 =	sadd.s32 s3, s5  }
0x48: {  	[tilespmem:s0], [sflag:$0x1] =	stream.linear.gather [hbm4b:s1+s19], $0x80, $0x38;
	[tilespmem:$0x10400] =	vst v63  }
0x49: {  	v0 =	vld [tilespmem:s22+$0x0];
	_ =	sdelay $0x4  }
0x4a: {  	v0 =	vshll.u32 v0, $0x4  }
0x4b: {  	(v2sf) =	vpush v0, $0x0  }
0x4c: {  	(v2sf) =	vpush v0, $0x1  }
0x4d: {  	(v2sf) =	vpush v0, $0x2;
	_ =	sdelay $0x1  }
0x4e: {  	(v2sf) =	vpush v0, $0x4  }
.Ltmp0:
0x4f: {  	(pc) =	sbr.rel @p0 .LBB2_2-.Ltmp0, $3  }
0x50: {  	(v2sf) =	vpush v0, $0x3  }
0x51: {  	(v2sf) =	vpush v0, $0x5;
	_ =	sdelay $0x1  }
0x52: {  	s20 =	sshra.s32 s23, $0x2;
	(v2sf) =	vpush v0, $0x6  }
0x53: {  	_ =	sdelay $0x1  }
0x54: {  	s0 =	sadd.s32 $0x480, s20;
	s23 =	sadd.s32 $0x980, s20  }
0x55: {  	s1 =	sadd.s32 $0x780, s20;
	s21 =	sadd.s32 $0xA00, s20;
	(v2sf) =	vpush v0, $0x7;
	s5 =	sadd.s32 $0x680, s20  }
0x56: {  	s6 =	sadd.s32 $0x800, s20;
	s22 =	sadd.s32 $0xA80, s20;
	s7 =	sadd.s32 $0x400, s20  }
0x57: {  	s8 =	sadd.s32 $0x600, s20;
	s13 =	sadd.s32 $0x700, s20;
	(v2sf) =	vpush v0, $0x8;
	s15 =	spop (v2sf)  }
0x58: {  	s17 =	sadd.s32 $0x500, s20;
	s15 =	sand.u32 $0x1FFFFFF0, s15;
	s24 =	spop (v2sf)  }
0x59: {  	(v2sf) =	vpush v0, $0x9;
	s15 =	sadd.s32 s3, s15;
	s24 =	sand.u32 $0x1FFFFFF0, s24;
	s25 =	spop (v2sf)  }
0x5a: {  	[tilespmem:s7], [sflag:$0x1] =	stream.linear.gather [hbm4b:s15+s19], $0x80, $0x38;
	[tilespmem:$0x10400] =	vst v63  }
0x5b: {  	(v2sf) =	vpush v0, $0xA;
	s26 =	sadd.s32 s3, s24;
	s29 =	sand.u32 $0x1FFFFFF0, s25;
	s28 =	spop (v2sf)  }
0x5c: {  	[tilespmem:s0], [sflag:$0x1] =	stream.linear.gather [hbm4b:s26+s19], $0x80, $0x38;
	[tilespmem:$0x10400] =	vst v63  }
0x5d: {  	s7 =	sadd.s32 $0x900, s20;
	(v2sf) =	vpush v0, $0xB;
	s15 =	sadd.s32 s3, s29;
	s30 =	spop (v2sf)  }
0x5e: {  	s0 =	sadd.s32 $0x880, s20;
	s26 =	sadd.s32 $0x580, s20;
	s25 =	sand.u32 $0x1FFFFFF0, s30  }
0x5f: {  	(v2sf) =	vpush v0, $0xC;
	[tilespmem:s17], [sflag:$0x1] =	stream.linear.gather [hbm4b:s15+s19], $0x80, $0x38;
	[tilespmem:$0x10400] =	vst v63  }
0x60: {  	s31 =	sand.u32 $0x1FFFFFF0, s28;
	s28 =	spop (v2sf);
	s29 =	sadd.s32 s3, s25  }
0x61: {  	(v2sf) =	vpush v0, $0xD;
	[tilespmem:s26], [sflag:$0x1] =	stream.linear.gather [hbm4b:s29+s19], $0x80, $0x38;
	[tilespmem:$0x10400] =	vst v63  }
0x62: {  	s15 =	sadd.s32 s3, s31;
	s17 =	sand.u32 $0x1FFFFFF0, s28;
	s30 =	spop (v2sf)  }
0x63: {  	(v2sf) =	vpush v0, $0xE;
	[tilespmem:s8], [sflag:$0x1] =	stream.linear.gather [hbm4b:s15+s19], $0x80, $0x38;
	[tilespmem:$0x10400] =	vst v63  }
0x64: {  	s17 =	sadd.s32 s3, s17;
	s31 =	sand.u32 $0x1FFFFFF0, s30;
	s24 =	spop (v2sf)  }
0x65: {  	(v2sf) =	vpush v0, $0xF;
	[tilespmem:s5], [sflag:$0x1] =	stream.linear.gather [hbm4b:s17+s19], $0x80, $0x38;
	[tilespmem:$0x10400] =	vst v63  }
0x66: {  	s25 =	sand.u32 $0x1FFFFFF0, s24;
	s26 =	spop (v2sf);
	s8 =	sadd.s32 s3, s31  }
0x67: {  	[tilespmem:s13], [sflag:$0x1] =	stream.linear.gather [hbm4b:s8+s19], $0x80, $0x38;
	[tilespmem:$0x10400] =	vst v63  }
0x68: {  	s28 =	sand.u32 $0x1FFFFFF0, s26;
	s5 =	sadd.s32 s3, s25;
	s29 =	spop (v2sf)  }
0x69: {  	[tilespmem:s1], [sflag:$0x1] =	stream.linear.gather [hbm4b:s5+s19], $0x80, $0x38;
	[tilespmem:$0x10400] =	vst v63  }
0x6a: {  	s8 =	sadd.s32 s3, s28;
	s30 =	sand.u32 $0x1FFFFFF0, s29;
	s31 =	spop (v2sf)  }
0x6b: {  	[tilespmem:s6], [sflag:$0x1] =	stream.linear.gather [hbm4b:s8+s19], $0x80, $0x38;
	[tilespmem:$0x10400] =	vst v63  }
0x6c: {  	s5 =	sand.u32 $0x1FFFFFF0, s31;
	s1 =	sadd.s32 s3, s30;
	s8 =	spop (v2sf)  }
0x6d: {  	[tilespmem:s0], [sflag:$0x1] =	stream.linear.gather [hbm4b:s1+s19], $0x80, $0x38;
	[tilespmem:$0x10400] =	vst v63  }
0x6e: {  	s5 =	sadd.s32 s3, s5;
	s13 =	sand.u32 $0x1FFFFFF0, s8;
	s15 =	spop (v2sf)  }
0x6f: {  	[tilespmem:s7], [sflag:$0x1] =	stream.linear.gather [hbm4b:s5+s19], $0x80, $0x38;
	[tilespmem:$0x10400] =	vst v63  }
0x70: {  	s0 =	sadd.s32 s3, s13;
	s1 =	sand.u32 $0x1FFFFFF0, s15;
	s17 =	spop (v2sf)  }
0x71: {  	[tilespmem:s23], [sflag:$0x1] =	stream.linear.gather [hbm4b:s0+s19], $0x80, $0x38;
	[tilespmem:$0x10400] =	vst v63  }
0x72: {  	s24 =	sand.u32 $0x1FFFFFF0, s17;
	s1 =	sadd.s32 s3, s1;
	s25 =	spop (v2sf)  }
0x73: {  	[tilespmem:s21], [sflag:$0x1] =	stream.linear.gather [hbm4b:s1+s19], $0x80, $0x38;
	[tilespmem:$0x10400] =	vst v63  }
0x74: {  	s26 =	sand.u32 $0x1FFFFFF0, s25;
	s28 =	spop (v2sf);
	s0 =	sadd.s32 s3, s24  }
0x75: {  	[tilespmem:s22], [sflag:$0x1] =	stream.linear.gather [hbm4b:s0+s19], $0x80, $0x38;
	[tilespmem:$0x10400] =	vst v63  }
0x76: {  	s30 =	sadd.s32 $0xB00, s20;
	s29 =	sand.u32 $0x1FFFFFF0, s28;
	s1 =	sadd.s32 s3, s26  }
0x77: {  	[tilespmem:s30], [sflag:$0x1] =	stream.linear.gather [hbm4b:s1+s19], $0x80, $0x38;
	[tilespmem:$0x10400] =	vst v63  }
0x78: {  	s31 =	sadd.s32 $0xB80, s20;
	s20 =	simm.s32 $0x200;
	s0 =	sadd.s32 s3, s29  }
0x79: {  	[tilespmem:s31], [sflag:$0x1] =	stream.linear.gather [hbm4b:s0+s19], $0x80, $0x38;
	[tilespmem:$0x10400] =	vst v63  }
0x7a: {  	v0 =	vld [tilespmem:s20+$0x0];
	_ =	sdelay $0x4  }
0x7b: {  	v0 =	vshll.u32 v0, $0x4  }
0x7c: {  	(v2sf) =	vpush v0, $0x0  }
0x7d: {  	(v2sf) =	vpush v0, $0x1  }
0x7e: {  	(v2sf) =	vpush v0, $0x2;
	_ =	sdelay $0x1  }
0x7f: {  	(v2sf) =	vpush v0, $0x4;
	_ =	sdelay $0x1  }
0x80: {  	(v2sf) =	vpush v0, $0x3  }
0x81: {  	(v2sf) =	vpush v0, $0x5  }
0x82: {  	s21 =	simm.s32 $0x2000;
	s19 =	simm.s32 $0x0;
	(v2sf) =	vpush v0, $0x6  }
.LBB2_4:
0x83: {  	p0 =	sne.s32 s21, $0x1E000  }
0x84: {  	s1 =	sadd.s32 $0x8480, s19;
	s25 =	sadd.s32 $0x8980, s19;
	s22 =	smov.u32 s21  }
0x85: {  	s21 =	sadd.s32 $0x2000, s21;
	s29 =	sadd.s32 $0x8780, s19;
	s23 =	sadd.s32 $0x8A00, s19;
	(v2sf) =	vpush v0, $0x7  }
0x86: {  	s0 =	sadd.s32 $0x8680, s19;
	s28 =	sadd.s32 $0x8800, s19;
	s24 =	sadd.s32 $0x8A80, s19  }
0x87: {  	s5 =	sadd.s32 $0x8400, s19;
	s6 =	sadd.s32 $0x8600, s19;
	(v2sf) =	vpush v0, $0x8  }
0x88: {  	s7 =	sadd.s32 $0x8700, s19;
	s20 =	sadd.s32 $0x10, s20  }
0x89: {  	s8 =	sadd.s32 $0x8500, s19;
	s26 =	sadd.s32 $0x8900, s19;
	s13 =	spop (v2sf);
	(v2sf) =	vpush v0, $0x9  }
0x8a: {  	s30 =	sadd.s32 $0x8880, s19;
	s13 =	sand.u32 $0x1FFFFFF0, s13;
	s15 =	spop (v2sf)  }
0x8b: {  	s13 =	sadd.s32 s4, s13;
	s15 =	sand.u32 $0x1FFFFFF0, s15;
	s17 =	spop (v2sf);
	(v2sf) =	vpush v0, $0xA  }
0x8c: {  	[tilespmem:s5], [sflag:$0x2] =	stream.linear.gather [hbm4b:s13+s2], $0x80, $0x38;
	[tilespmem:$0x10400] =	vst v63  }
0x8d: {  	s5 =	sadd.s32 s4, s15;
	s13 =	sadd.s32 $0x8580, s19;
	s15 =	spop (v2sf);
	(v2sf) =	vpush v0, $0xB  }
0x8e: {  	[tilespmem:s1], [sflag:$0x2] =	stream.linear.gather [hbm4b:s5+s2], $0x80, $0x38;
	[tilespmem:$0x10400] =	vst v63  }
0x8f: {  	s1 =	sand.u32 $0x1FFFFFF0, s17;
	s5 =	sand.u32 $0x1FFFFFF0, s15;
	s15 =	spop (v2sf);
	(v2sf) =	vpush v0, $0xC  }
0x90: {  	s1 =	sadd.s32 s4, s1;
	s15 =	sand.u32 $0x1FFFFFF0, s15;
	s17 =	spop (v2sf)  }
0x91: {  	[tilespmem:s8], [sflag:$0x2] =	stream.linear.gather [hbm4b:s1+s2], $0x80, $0x38;
	(v2sf) =	vpush v0, $0xD;
	[tilespmem:$0x10400] =	vst v63  }
0x92: {  	s1 =	sadd.s32 s4, s15;
	s8 =	sand.u32 $0x1FFFFFF0, s17;
	s15 =	spop (v2sf)  }
0x93: {  	[tilespmem:s13], [sflag:$0x2] =	stream.linear.gather [hbm4b:s1+s2], $0x80, $0x38;
	(v2sf) =	vpush v0, $0xE;
	[tilespmem:$0x10400] =	vst v63  }
0x94: {  	s1 =	sadd.s32 s4, s5;
	s5 =	sand.u32 $0x1FFFFFF0, s15;
	s13 =	spop (v2sf)  }
0x95: {  	[tilespmem:s6], [sflag:$0x2] =	stream.linear.gather [hbm4b:s1+s2], $0x80, $0x38;
	(v2sf) =	vpush v0, $0xF;
	[tilespmem:$0x10400] =	vst v63  }
0x96: {  	s1 =	sadd.s32 s4, s8;
	s6 =	sand.u32 $0x1FFFFFF0, s13;
	s8 =	spop (v2sf)  }
0x97: {  	[tilespmem:s0], [sflag:$0x2] =	stream.linear.gather [hbm4b:s1+s2], $0x80, $0x38;
	[tilespmem:$0x10400] =	vst v63  }
0x98: {  	s0 =	sadd.s32 s4, s5;
	s1 =	sand.u32 $0x1FFFFFF0, s8;
	s5 =	spop (v2sf)  }
0x99: {  	[tilespmem:s7], [sflag:$0x2] =	stream.linear.gather [hbm4b:s0+s2], $0x80, $0x38;
	[tilespmem:$0x10400] =	vst v63  }
0x9a: {  	s0 =	sadd.s32 s4, s6;
	s5 =	sand.u32 $0x1FFFFFF0, s5;
	s6 =	spop (v2sf)  }
0x9b: {  	[tilespmem:s29], [sflag:$0x2] =	stream.linear.gather [hbm4b:s0+s2], $0x80, $0x38;
	[tilespmem:$0x10400] =	vst v63  }
0x9c: {  	s0 =	sadd.s32 s4, s1;
	s1 =	sand.u32 $0x1FFFFFF0, s6;
	s6 =	spop (v2sf)  }
0x9d: {  	[tilespmem:s28], [sflag:$0x2] =	stream.linear.gather [hbm4b:s0+s2], $0x80, $0x38;
	[tilespmem:$0x10400] =	vst v63  }
0x9e: {  	s0 =	sadd.s32 s4, s5;
	s5 =	sand.u32 $0x1FFFFFF0, s6;
	s6 =	spop (v2sf)  }
0x9f: {  	[tilespmem:s30], [sflag:$0x2] =	stream.linear.gather [hbm4b:s0+s2], $0x80, $0x38;
	[tilespmem:$0x10400] =	vst v63  }
0xa0: {  	s0 =	sadd.s32 s4, s1;
	s1 =	sand.u32 $0x1FFFFFF0, s6;
	s6 =	spop (v2sf)  }
0xa1: {  	[tilespmem:s26], [sflag:$0x2] =	stream.linear.gather [hbm4b:s0+s2], $0x80, $0x38;
	[tilespmem:$0x10400] =	vst v63  }
0xa2: {  	s0 =	sadd.s32 s4, s5;
	s5 =	sand.u32 $0x1FFFFFF0, s6;
	s6 =	spop (v2sf)  }
0xa3: {  	[tilespmem:s25], [sflag:$0x2] =	stream.linear.gather [hbm4b:s0+s2], $0x80, $0x38;
	[tilespmem:$0x10400] =	vst v63  }
0xa4: {  	s0 =	sadd.s32 s4, s1;
	s1 =	sand.u32 $0x1FFFFFF0, s6;
	s6 =	spop (v2sf)  }
0xa5: {  	[tilespmem:s23], [sflag:$0x2] =	stream.linear.gather [hbm4b:s0+s2], $0x80, $0x38;
	[tilespmem:$0x10400] =	vst v63  }
0xa6: {  	s0 =	sadd.s32 s4, s5;
	s5 =	sand.u32 $0x1FFFFFF0, s6  }
0xa7: {  	[tilespmem:s24], [sflag:$0x2] =	stream.linear.gather [hbm4b:s0+s2], $0x80, $0x38;
	[tilespmem:$0x10400] =	vst v63  }
0xa8: {  	s1 =	sadd.s32 s4, s1;
	s0 =	sadd.s32 $0x8B00, s19  }
0xa9: {  	[tilespmem:s0], [sflag:$0x2] =	stream.linear.gather [hbm4b:s1+s2], $0x80, $0x38;
	[tilespmem:$0x10400] =	vst v63  }
0xaa: {  	s0 =	sadd.s32 $0x8B80, s19;
	s1 =	sadd.s32 s4, s5  }
0xab: {  	[tilespmem:s0], [sflag:$0x2] =	stream.linear.gather [hbm4b:s1+s2], $0x80, $0x38;
	[tilespmem:$0x10400] =	vst v63  }
0xac: {  	v0 =	vld [tilespmem:s20+$0x0];
	_ =	sdelay $0x4  }
0xad: {  	v0 =	vshll.u32 v0, $0x4  }
0xae: {  	(v2sf) =	vpush v0, $0x0  }
0xaf: {  	(v2sf) =	vpush v0, $0x1  }
0xb0: {  	(v2sf) =	vpush v0, $0x2;
	_ =	sdelay $0x1  }
0xb1: {  	(v2sf) =	vpush v0, $0x4  }
.Ltmp1:
0xb2: {  	(pc) =	sbr.rel @p0 .LBB2_4-.Ltmp1, $3  }
0xb3: {  	(v2sf) =	vpush v0, $0x3  }
0xb4: {  	(v2sf) =	vpush v0, $0x5;
	_ =	sdelay $0x1  }
0xb5: {  	s19 =	sshra.s32 s22, $0x2;
	(v2sf) =	vpush v0, $0x6  }
0xb6: {  	_ =	sdelay $0x1  }
0xb7: {  	s0 =	sadd.s32 $0x8480, s19;
	s22 =	sadd.s32 $0x8980, s19  }
0xb8: {  	s1 =	sadd.s32 $0x8780, s19;
	s20 =	sadd.s32 $0x8A00, s19;
	(v2sf) =	vpush v0, $0x7;
	s5 =	sadd.s32 $0x8680, s19  }
0xb9: {  	s6 =	sadd.s32 $0x8800, s19;
	s21 =	sadd.s32 $0x8A80, s19;
	s7 =	sadd.s32 $0x8400, s19  }
0xba: {  	s8 =	sadd.s32 $0x8600, s19;
	s13 =	sadd.s32 $0x8700, s19;
	(v2sf) =	vpush v0, $0x8;
	s15 =	spop (v2sf)  }
0xbb: {  	s17 =	sadd.s32 $0x8500, s19;
	s15 =	sand.u32 $0x1FFFFFF0, s15;
	s23 =	spop (v2sf)  }
0xbc: {  	(v2sf) =	vpush v0, $0x9;
	s15 =	sadd.s32 s4, s15;
	s23 =	sand.u32 $0x1FFFFFF0, s23;
	s24 =	spop (v2sf)  }
0xbd: {  	[tilespmem:s7], [sflag:$0x2] =	stream.linear.gather [hbm4b:s15+s2], $0x80, $0x38;
	[tilespmem:$0x10400] =	vst v63  }
0xbe: {  	s25 =	sadd.s32 $0x8580, s19;
	(v2sf) =	vpush v0, $0xA;
	s29 =	sadd.s32 s4, s23;
	s30 =	spop (v2sf)  }
0xbf: {  	[tilespmem:s0], [sflag:$0x2] =	stream.linear.gather [hbm4b:s29+s2], $0x80, $0x38;
	[tilespmem:$0x10400] =	vst v63  }
0xc0: {  	s7 =	sadd.s32 $0x8900, s19;
	s26 =	sand.u32 $0x1FFFFFF0, s24;
	(v2sf) =	vpush v0, $0xB;
	s28 =	spop (v2sf)  }
0xc1: {  	s15 =	sadd.s32 s4, s26;
	s0 =	sadd.s32 $0x8880, s19;
	s24 =	sand.u32 $0x1FFFFFF0, s28  }
0xc2: {  	(v2sf) =	vpush v0, $0xC;
	[tilespmem:s17], [sflag:$0x2] =	stream.linear.gather [hbm4b:s15+s2], $0x80, $0x38;
	[tilespmem:$0x10400] =	vst v63  }
0xc3: {  	s29 =	sand.u32 $0x1FFFFFF0, s30;
	s30 =	spop (v2sf);
	s26 =	sadd.s32 s4, s24  }
0xc4: {  	(v2sf) =	vpush v0, $0xD;
	[tilespmem:s25], [sflag:$0x2] =	stream.linear.gather [hbm4b:s26+s2], $0x80, $0x38;
	[tilespmem:$0x10400] =	vst v63  }
0xc5: {  	s15 =	sadd.s32 s4, s29;
	s17 =	sand.u32 $0x1FFFFFF0, s30;
	s28 =	spop (v2sf)  }
0xc6: {  	(v2sf) =	vpush v0, $0xE;
	[tilespmem:s8], [sflag:$0x2] =	stream.linear.gather [hbm4b:s15+s2], $0x80, $0x38;
	[tilespmem:$0x10400] =	vst v63  }
0xc7: {  	s17 =	sadd.s32 s4, s17;
	s29 =	sand.u32 $0x1FFFFFF0, s28;
	s30 =	spop (v2sf)  }
0xc8: {  	(v2sf) =	vpush v0, $0xF;
	[tilespmem:s5], [sflag:$0x2] =	stream.linear.gather [hbm4b:s17+s2], $0x80, $0x38;
	[tilespmem:$0x10400] =	vst v63  }
0xc9: {  	s23 =	sand.u32 $0x1FFFFFF0, s30;
	s24 =	spop (v2sf);
	s8 =	sadd.s32 s4, s29  }
0xca: {  	[tilespmem:s13], [sflag:$0x2] =	stream.linear.gather [hbm4b:s8+s2], $0x80, $0x38;
	[tilespmem:$0x10400] =	vst v63  }
0xcb: {  	s25 =	sand.u32 $0x1FFFFFF0, s24;
	s5 =	sadd.s32 s4, s23;
	s26 =	spop (v2sf)  }
0xcc: {  	[tilespmem:s1], [sflag:$0x2] =	stream.linear.gather [hbm4b:s5+s2], $0x80, $0x38;
	[tilespmem:$0x10400] =	vst v63  }
0xcd: {  	s8 =	sadd.s32 s4, s25;
	s28 =	sand.u32 $0x1FFFFFF0, s26;
	s29 =	spop (v2sf)  }
0xce: {  	[tilespmem:s6], [sflag:$0x2] =	stream.linear.gather [hbm4b:s8+s2], $0x80, $0x38;
	[tilespmem:$0x10400] =	vst v63  }
0xcf: {  	s5 =	sand.u32 $0x1FFFFFF0, s29;
	s1 =	sadd.s32 s4, s28;
	s30 =	spop (v2sf)  }
0xd0: {  	[tilespmem:s0], [sflag:$0x2] =	stream.linear.gather [hbm4b:s1+s2], $0x80, $0x38;
	[tilespmem:$0x10400] =	vst v63  }
0xd1: {  	s5 =	sadd.s32 s4, s5;
	s8 =	sand.u32 $0x1FFFFFF0, s30;
	s13 =	spop (v2sf)  }
0xd2: {  	[tilespmem:s7], [sflag:$0x2] =	stream.linear.gather [hbm4b:s5+s2], $0x80, $0x38;
	[tilespmem:$0x10400] =	vst v63  }
0xd3: {  	s0 =	sadd.s32 s4, s8;
	s1 =	sand.u32 $0x1FFFFFF0, s13;
	s15 =	spop (v2sf)  }
0xd4: {  	[tilespmem:s22], [sflag:$0x2] =	stream.linear.gather [hbm4b:s0+s2], $0x80, $0x38;
	[tilespmem:$0x10400] =	vst v63  }
0xd5: {  	s17 =	sand.u32 $0x1FFFFFF0, s15;
	s1 =	sadd.s32 s4, s1;
	s22 =	spop (v2sf)  }
0xd6: {  	[tilespmem:s20], [sflag:$0x2] =	stream.linear.gather [hbm4b:s1+s2], $0x80, $0x38;
	[tilespmem:$0x10400] =	vst v63  }
0xd7: {  	s0 =	sadd.s32 s4, s17;
	s23 =	sand.u32 $0x1FFFFFF0, s22;
	s24 =	spop (v2sf)  }
0xd8: {  	[tilespmem:s21], [sflag:$0x2] =	stream.linear.gather [hbm4b:s0+s2], $0x80, $0x38;
	[tilespmem:$0x10400] =	vst v63  }
0xd9: {  	s26 =	sadd.s32 $0x8B00, s19;
	s25 =	sand.u32 $0x1FFFFFF0, s24;
	s1 =	sadd.s32 s4, s23  }
0xda: {  	[tilespmem:s26], [sflag:$0x2] =	stream.linear.gather [hbm4b:s1+s2], $0x80, $0x38;
	[tilespmem:$0x10400] =	vst v63  }
0xdb: {  	s28 =	sadd.s32 $0x8B80, s19;
	s0 =	sadd.s32 s4, s25  }
0xdc: {  	[tilespmem:s28], [sflag:$0x2] =	stream.linear.gather [hbm4b:s0+s2], $0x80, $0x38;
	[tilespmem:$0x10400] =	vst v63  }
0xdd: {  	_ =	swait.ge [sflag:s14], $0x8000  }
0xde: {  	s31 =	simm.s32 $0x400;
	[sflag:s14] =	ssyncset.done $0x0  }
0xdf: {  	s19 =	simm.s32 $0x0;
	s29 =	rddreg [dreg:$0x5];
	[sflag:s14] =	ssyncadd.s32 $0xFFFF8000  }
0xe0: {  	[hbm4b:s29+s19] =	stream.linear.scatter [tilespmem:s31], [sflag:$0x3], $0x8000, $0x38;
	[tilespmem:$0x10400] =	vst v63  }
0xe1: {  	_ =	swait.ge [sflag:s12], $0x8000  }
0xe2: {  	[sflag:s12] =	ssyncset.done $0x0  }
0xe3: {  	s30 =	sand.u32 $0xF0, s19;
	[sflag:s12] =	ssyncadd.s32 $0xFFFF8000  }
0xe4: {  	v0 =	vld [tilespmem:s30+$0x100];
	_ =	sdelay $0x4  }
0xe5: {  	v0 =	vshll.u32 v0, $0x4  }
0xe6: {  	(v2sf) =	vpush v0, $0x0  }
0xe7: {  	(v2sf) =	vpush v0, $0x2  }
0xe8: {  	(v2sf) =	vpush v0, $0x1;
	_ =	sdelay $0x1  }
0xe9: {  	(v2sf) =	vpush v0, $0x3  }
0xea: {  	(v2sf) =	vpush v0, $0x4;
	_ =	sdelay $0x2  }
0xeb: {  	s20 =	simm.s32 $0x2000;
	s21 =	simm.s32 $0x10  }
.LBB2_6:
0xec: {  	p0 =	sne.s32 s20, $0x1E000;
	(v2sf) =	vpush v0, $0x5;
	s0 =	smov.u32 s20;
	s20 =	sadd.s32 $0x2000, s20  }
0xed: {  	s22 =	sshra.s32 s19, $0x2;
	s19 =	smov.u32 s0  }
0xee: {  	s1 =	sadd.s32 $0x480, s22;
	(v2sf) =	vpush v0, $0x6  }
0xef: {  	s5 =	sadd.s32 $0x400, s22  }
0xf0: {  	s25 =	sadd.s32 $0x980, s22;
	s24 =	sadd.s32 $0xA00, s22;
	s23 =	sadd.s32 $0xA80, s22;
	(v2sf) =	vpush v0, $0x7  }
0xf1: {  	s29 =	sadd.s32 $0x800, s22;
	s28 =	sadd.s32 $0x880, s22;
	s26 =	sadd.s32 $0x900, s22  }
0xf2: {  	s6 =	sadd.s32 $0x700, s22;
	s0 =	sadd.s32 $0x780, s22;
	s7 =	spop (v2sf);
	(v2sf) =	vpush v0, $0x8  }
0xf3: {  	s8 =	sadd.s32 $0x500, s22;
	s7 =	sand.u32 $0x1FFFFFF0, s7;
	s13 =	spop (v2sf)  }
0xf4: {  	s15 =	sadd.s32 $0x680, s22;
	s7 =	sadd.s32 s3, s7;
	s17 =	spop (v2sf);
	(v2sf) =	vpush v0, $0x9  }
0xf5: {  	[tilespmem:s5], [sflag:$0x1] =	stream.linear.gather [hbm4b:s7+s2], $0x80, $0x38;
	[tilespmem:$0x10400] =	vst v63  }
0xf6: {  	s5 =	sand.u32 $0x1FFFFFF0, s17;
	s7 =	sand.u32 $0x1FFFFFF0, s13;
	s13 =	spop (v2sf);
	(v2sf) =	vpush v0, $0xA  }
0xf7: {  	s17 =	sadd.s32 $0x600, s22;
	s5 =	sadd.s32 s3, s5;
	s30 =	spop (v2sf)  }
0xf8: {  	[tilespmem:s1], [sflag:$0x1] =	stream.linear.gather [hbm4b:s5+s2], $0x80, $0x38;
	(v2sf) =	vpush v0, $0xB;
	[tilespmem:$0x10400] =	vst v63  }
0xf9: {  	s1 =	sadd.s32 s3, s7;
	s5 =	sand.u32 $0x1FFFFFF0, s13;
	s7 =	sand.u32 $0x1FFFFFF0, s30  }
0xfa: {  	[tilespmem:s8], [sflag:$0x1] =	stream.linear.gather [hbm4b:s1+s2], $0x80, $0x38;
	(v2sf) =	vpush v0, $0xC;
	[tilespmem:$0x10400] =	vst v63  }
0xfb: {  	s5 =	sadd.s32 s3, s5;
	s1 =	sadd.s32 $0x580, s22;
	s8 =	spop (v2sf)  }
0xfc: {  	[tilespmem:s1], [sflag:$0x1] =	stream.linear.gather [hbm4b:s5+s2], $0x80, $0x38;
	(v2sf) =	vpush v0, $0xD;
	[tilespmem:$0x10400] =	vst v63  }
0xfd: {  	s1 =	sadd.s32 s3, s7;
	s5 =	sand.u32 $0x1FFFFFF0, s8;
	s7 =	spop (v2sf)  }
0xfe: {  	[tilespmem:s17], [sflag:$0x1] =	stream.linear.gather [hbm4b:s1+s2], $0x80, $0x38;
	(v2sf) =	vpush v0, $0xE;
	[tilespmem:$0x10400] =	vst v63  }
0xff: {  	s1 =	sadd.s32 s3, s5;
	s5 =	sand.u32 $0x1FFFFFF0, s7;
	s7 =	spop (v2sf)  }
0x100: {  	[tilespmem:s15], [sflag:$0x1] =	stream.linear.gather [hbm4b:s1+s2], $0x80, $0x38;
	(v2sf) =	vpush v0, $0xF;
	[tilespmem:$0x10400] =	vst v63  }
0x101: {  	s1 =	sadd.s32 s3, s5;
	s5 =	sand.u32 $0x1FFFFFF0, s7;
	s7 =	spop (v2sf)  }
0x102: {  	[tilespmem:s6], [sflag:$0x1] =	stream.linear.gather [hbm4b:s1+s2], $0x80, $0x38;
	[tilespmem:$0x10400] =	vst v63  }
0x103: {  	s1 =	sadd.s32 s3, s5;
	s5 =	sand.u32 $0x1FFFFFF0, s7;
	s6 =	spop (v2sf)  }
0x104: {  	[tilespmem:s0], [sflag:$0x1] =	stream.linear.gather [hbm4b:s1+s2], $0x80, $0x38;
	[tilespmem:$0x10400] =	vst v63  }
0x105: {  	s0 =	sadd.s32 s3, s5;
	s1 =	sand.u32 $0x1FFFFFF0, s6;
	s5 =	spop (v2sf)  }
0x106: {  	[tilespmem:s29], [sflag:$0x1] =	stream.linear.gather [hbm4b:s0+s2], $0x80, $0x38;
	[tilespmem:$0x10400] =	vst v63  }
0x107: {  	s0 =	sadd.s32 s3, s1;
	s1 =	sand.u32 $0x1FFFFFF0, s5;
	s5 =	spop (v2sf)  }
0x108: {  	[tilespmem:s28], [sflag:$0x1] =	stream.linear.gather [hbm4b:s0+s2], $0x80, $0x38;
	[tilespmem:$0x10400] =	vst v63  }
0x109: {  	s0 =	sadd.s32 s3, s1;
	s1 =	sand.u32 $0x1FFFFFF0, s5;
	s5 =	spop (v2sf)  }
0x10a: {  	[tilespmem:s26], [sflag:$0x1] =	stream.linear.gather [hbm4b:s0+s2], $0x80, $0x38;
	[tilespmem:$0x10400] =	vst v63  }
0x10b: {  	s0 =	sadd.s32 s3, s1;
	s1 =	sand.u32 $0x1FFFFFF0, s5;
	s5 =	spop (v2sf)  }
0x10c: {  	[tilespmem:s25], [sflag:$0x1] =	stream.linear.gather [hbm4b:s0+s2], $0x80, $0x38;
	[tilespmem:$0x10400] =	vst v63  }
0x10d: {  	s0 =	sadd.s32 s3, s1;
	s1 =	sand.u32 $0x1FFFFFF0, s5;
	s5 =	spop (v2sf)  }
0x10e: {  	[tilespmem:s24], [sflag:$0x1] =	stream.linear.gather [hbm4b:s0+s2], $0x80, $0x38;
	[tilespmem:$0x10400] =	vst v63  }
0x10f: {  	s0 =	sadd.s32 s3, s1;
	s1 =	sand.u32 $0x1FFFFFF0, s5;
	s5 =	spop (v2sf)  }
0x110: {  	[tilespmem:s23], [sflag:$0x1] =	stream.linear.gather [hbm4b:s0+s2], $0x80, $0x38;
	[tilespmem:$0x10400] =	vst v63  }
0x111: {  	s1 =	sadd.s32 s3, s1;
	s0 =	sadd.s32 $0xB00, s22;
	s5 =	sand.u32 $0x1FFFFFF0, s5  }
0x112: {  	[tilespmem:s0], [sflag:$0x1] =	stream.linear.gather [hbm4b:s1+s2], $0x80, $0x38;
	[tilespmem:$0x10400] =	vst v63  }
0x113: {  	s5 =	sadd.s32 s3, s5;
	s0 =	sand.u32 $0xF0, s21;
	s1 =	sadd.s32 $0xB80, s22  }
0x114: {  	[tilespmem:s1], [sflag:$0x1] =	stream.linear.gather [hbm4b:s5+s2], $0x80, $0x38;
	[tilespmem:$0x10400] =	vst v63  }
0x115: {  	v0 =	vld [tilespmem:s0+$0x100];
	_ =	sdelay $0x4  }
0x116: {  	v0 =	vshll.u32 v0, $0x4  }
0x117: {  	(v2sf) =	vpush v0, $0x0  }
0x118: {  	(v2sf) =	vpush v0, $0x2  }
0x119: {  	(v2sf) =	vpush v0, $0x1;
	_ =	sdelay $0x1  }
.Ltmp2:
0x11a: {  	(v2sf) =	vpush v0, $0x3;
	(pc) =	sbr.rel @p0 .LBB2_6-.Ltmp2, $2  }
0x11b: {  	(v2sf) =	vpush v0, $0x4;
	_ =	sdelay $0x2  }
0x11c: {  	s21 =	sadd.s32 $0x10, s21  }
0x11d: {  	(v2sf) =	vpush v0, $0x5;
	_ =	sdelay $0x1  }
0x11e: {  	s19 =	sshra.s32 s19, $0x2;
	(v2sf) =	vpush v0, $0x6  }
0x11f: {  	s0 =	sadd.s32 $0x480, s19;
	s1 =	sadd.s32 $0x400, s19  }
0x120: {  	s22 =	sadd.s32 $0x980, s19;
	s21 =	sadd.s32 $0xA00, s19;
	s20 =	sadd.s32 $0xA80, s19;
	(v2sf) =	vpush v0, $0x7  }
0x121: {  	s5 =	sadd.s32 $0x800, s19;
	s6 =	sadd.s32 $0x880, s19;
	s7 =	sadd.s32 $0x900, s19  }
0x122: {  	s8 =	sadd.s32 $0x700, s19;
	s13 =	sadd.s32 $0x780, s19;
	s15 =	spop (v2sf);
	(v2sf) =	vpush v0, $0x8  }
0x123: {  	s17 =	sadd.s32 $0x500, s19;
	s15 =	sand.u32 $0x1FFFFFF0, s15;
	s23 =	spop (v2sf)  }
0x124: {  	s24 =	sadd.s32 $0x680, s19;
	s15 =	sadd.s32 s3, s15;
	s25 =	spop (v2sf);
	(v2sf) =	vpush v0, $0x9  }
0x125: {  	[tilespmem:s1], [sflag:$0x1] =	stream.linear.gather [hbm4b:s15+s2], $0x80, $0x38;
	[tilespmem:$0x10400] =	vst v63  }
0x126: {  	s29 =	sand.u32 $0x1FFFFFF0, s23;
	s28 =	sand.u32 $0x1FFFFFF0, s25;
	s30 =	spop (v2sf);
	(v2sf) =	vpush v0, $0xA  }
0x127: {  	s23 =	sadd.s32 $0x580, s19;
	s1 =	sadd.s32 s3, s28;
	s26 =	spop (v2sf)  }
0x128: {  	[tilespmem:s0], [sflag:$0x1] =	stream.linear.gather [hbm4b:s1+s2], $0x80, $0x38;
	(v2sf) =	vpush v0, $0xB;
	[tilespmem:$0x10400] =	vst v63  }
0x129: {  	s25 =	sadd.s32 $0x600, s19;
	s28 =	sadd.s32 s3, s29;
	s29 =	sand.u32 $0x1FFFFFF0, s30  }
0x12a: {  	(v2sf) =	vpush v0, $0xC;
	[tilespmem:s17], [sflag:$0x1] =	stream.linear.gather [hbm4b:s28+s2], $0x80, $0x38;
	[tilespmem:$0x10400] =	vst v63  }
0x12b: {  	s30 =	sand.u32 $0x1FFFFFF0, s26;
	s1 =	sadd.s32 s3, s29;
	s26 =	spop (v2sf)  }
0x12c: {  	[tilespmem:s23], [sflag:$0x1] =	stream.linear.gather [hbm4b:s1+s2], $0x80, $0x38;
	(v2sf) =	vpush v0, $0xD;
	[tilespmem:$0x10400] =	vst v63  }
0x12d: {  	s28 =	sadd.s32 s3, s30;
	s29 =	sand.u32 $0x1FFFFFF0, s26;
	s30 =	spop (v2sf)  }
0x12e: {  	(v2sf) =	vpush v0, $0xE;
	[tilespmem:s25], [sflag:$0x1] =	stream.linear.gather [hbm4b:s28+s2], $0x80, $0x38;
	[tilespmem:$0x10400] =	vst v63  }
0x12f: {  	s1 =	sadd.s32 s3, s29;
	s17 =	sand.u32 $0x1FFFFFF0, s30;
	s23 =	spop (v2sf)  }
0x130: {  	(v2sf) =	vpush v0, $0xF;
	[tilespmem:s24], [sflag:$0x1] =	stream.linear.gather [hbm4b:s1+s2], $0x80, $0x38;
	[tilespmem:$0x10400] =	vst v63  }
0x131: {  	s25 =	sand.u32 $0x1FFFFFF0, s23;
	s24 =	sadd.s32 s3, s17;
	s26 =	spop (v2sf)  }
0x132: {  	[tilespmem:s8], [sflag:$0x1] =	stream.linear.gather [hbm4b:s24+s2], $0x80, $0x38;
	[tilespmem:$0x10400] =	vst v63  }
0x133: {  	s28 =	sadd.s32 s3, s25;
	s29 =	sand.u32 $0x1FFFFFF0, s26;
	s30 =	spop (v2sf)  }
0x134: {  	[tilespmem:s13], [sflag:$0x1] =	stream.linear.gather [hbm4b:s28+s2], $0x80, $0x38;
	[tilespmem:$0x10400] =	vst v63  }
0x135: {  	s15 =	sadd.s32 s3, s29;
	s17 =	sand.u32 $0x1FFFFFF0, s30;
	s23 =	spop (v2sf)  }
0x136: {  	[tilespmem:s5], [sflag:$0x1] =	stream.linear.gather [hbm4b:s15+s2], $0x80, $0x38;
	[tilespmem:$0x10400] =	vst v63  }
0x137: {  	s24 =	sadd.s32 s3, s17;
	s25 =	sand.u32 $0x1FFFFFF0, s23;
	s26 =	spop (v2sf)  }
0x138: {  	[tilespmem:s6], [sflag:$0x1] =	stream.linear.gather [hbm4b:s24+s2], $0x80, $0x38;
	[tilespmem:$0x10400] =	vst v63  }
0x139: {  	s28 =	sadd.s32 s3, s25;
	s29 =	sand.u32 $0x1FFFFFF0, s26;
	s30 =	spop (v2sf)  }
0x13a: {  	[tilespmem:s7], [sflag:$0x1] =	stream.linear.gather [hbm4b:s28+s2], $0x80, $0x38;
	[tilespmem:$0x10400] =	vst v63  }
0x13b: {  	s6 =	sadd.s32 s3, s29;
	s7 =	sand.u32 $0x1FFFFFF0, s30;
	s8 =	spop (v2sf)  }
0x13c: {  	[tilespmem:s22], [sflag:$0x1] =	stream.linear.gather [hbm4b:s6+s2], $0x80, $0x38;
	[tilespmem:$0x10400] =	vst v63  }
0x13d: {  	s13 =	sadd.s32 s3, s7;
	s15 =	sand.u32 $0x1FFFFFF0, s8;
	s17 =	spop (v2sf)  }
0x13e: {  	[tilespmem:s21], [sflag:$0x1] =	stream.linear.gather [hbm4b:s13+s2], $0x80, $0x38;
	[tilespmem:$0x10400] =	vst v63  }
0x13f: {  	s22 =	sand.u32 $0x1FFFFFF0, s17;
	s23 =	spop (v2sf);
	s21 =	sadd.s32 s3, s15  }
0x140: {  	[tilespmem:s20], [sflag:$0x1] =	stream.linear.gather [hbm4b:s21+s2], $0x80, $0x38;
	[tilespmem:$0x10400] =	vst v63  }
0x141: {  	s24 =	sadd.s32 $0xB00, s19;
	s1 =	sadd.s32 s3, s22;
	s5 =	sand.u32 $0x1FFFFFF0, s23  }
0x142: {  	[tilespmem:s24], [sflag:$0x1] =	stream.linear.gather [hbm4b:s1+s2], $0x80, $0x38;
	[tilespmem:$0x10400] =	vst v63  }
0x143: {  	s25 =	sadd.s32 $0xB80, s19;
	s26 =	sadd.s32 s3, s5  }
0x144: {  	[tilespmem:s25], [sflag:$0x1] =	stream.linear.gather [hbm4b:s26+s2], $0x80, $0x38;
	[tilespmem:$0x10400] =	vst v63  }
0x145: {  	_ =	swait.ge [sflag:s16], $0x8000  }
0x146: {  	s19 =	simm.s32 $0x0;
	[sflag:s16] =	ssyncset.done $0x0  }
0x147: {  	s29 =	simm.s32 $0x8400;
	s28 =	rddreg [dreg:$0x7];
	[sflag:s16] =	ssyncadd.s32 $0xFFFF8000  }
0x148: {  	[hbm4b:s28+s19] =	stream.linear.scatter [tilespmem:s29], [sflag:$0x3], $0x8000, $0x38;
	[tilespmem:$0x10400] =	vst v63  }
0x149: {  	_ =	swait.ge [sflag:s12], $0x8000  }
0x14a: {  	[sflag:s12] =	ssyncset.done $0x0  }
0x14b: {  	s30 =	sand.u32 $0xF0, s19;
	[sflag:s12] =	ssyncadd.s32 $0xFFFF8000  }
0x14c: {  	v0 =	vld [tilespmem:s30+$0x300];
	_ =	sdelay $0x4  }
0x14d: {  	v0 =	vshll.u32 v0, $0x4  }
0x14e: {  	(v2sf) =	vpush v0, $0x0  }
0x14f: {  	(v2sf) =	vpush v0, $0x2  }
0x150: {  	(v2sf) =	vpush v0, $0x1;
	_ =	sdelay $0x1  }
0x151: {  	(v2sf) =	vpush v0, $0x3  }
0x152: {  	(v2sf) =	vpush v0, $0x4;
	_ =	sdelay $0x2  }
0x153: {  	s20 =	simm.s32 $0x2000;
	s21 =	simm.s32 $0x10  }
.LBB2_8:
0x154: {  	p0 =	sne.s32 s20, $0x1E000;
	(v2sf) =	vpush v0, $0x5;
	s0 =	smov.u32 s20;
	s20 =	sadd.s32 $0x2000, s20  }
0x155: {  	s22 =	sshra.s32 s19, $0x2;
	s19 =	smov.u32 s0  }
0x156: {  	s1 =	sadd.s32 $0x8480, s22;
	(v2sf) =	vpush v0, $0x6  }
0x157: {  	s5 =	sadd.s32 $0x8400, s22  }
0x158: {  	s25 =	sadd.s32 $0x8980, s22;
	s24 =	sadd.s32 $0x8A00, s22;
	s23 =	sadd.s32 $0x8A80, s22;
	(v2sf) =	vpush v0, $0x7  }
0x159: {  	s29 =	sadd.s32 $0x8800, s22;
	s28 =	sadd.s32 $0x8880, s22;
	s26 =	sadd.s32 $0x8900, s22  }
0x15a: {  	s6 =	sadd.s32 $0x8700, s22;
	s0 =	sadd.s32 $0x8780, s22;
	s7 =	spop (v2sf);
	(v2sf) =	vpush v0, $0x8  }
0x15b: {  	s8 =	sadd.s32 $0x8500, s22;
	s7 =	sand.u32 $0x1FFFFFF0, s7;
	s13 =	spop (v2sf)  }
0x15c: {  	s15 =	sadd.s32 $0x8680, s22;
	s7 =	sadd.s32 s4, s7;
	s17 =	spop (v2sf);
	(v2sf) =	vpush v0, $0x9  }
0x15d: {  	[tilespmem:s5], [sflag:$0x2] =	stream.linear.gather [hbm4b:s7+s2], $0x80, $0x38;
	[tilespmem:$0x10400] =	vst v63  }
0x15e: {  	s5 =	sand.u32 $0x1FFFFFF0, s17;
	s7 =	sand.u32 $0x1FFFFFF0, s13;
	s13 =	spop (v2sf);
	(v2sf) =	vpush v0, $0xA  }
0x15f: {  	s17 =	sadd.s32 $0x8600, s22;
	s5 =	sadd.s32 s4, s5;
	s30 =	spop (v2sf)  }
0x160: {  	[tilespmem:s1], [sflag:$0x2] =	stream.linear.gather [hbm4b:s5+s2], $0x80, $0x38;
	(v2sf) =	vpush v0, $0xB;
	[tilespmem:$0x10400] =	vst v63  }
0x161: {  	s1 =	sadd.s32 s4, s7;
	s5 =	sand.u32 $0x1FFFFFF0, s13;
	s7 =	sand.u32 $0x1FFFFFF0, s30  }
0x162: {  	[tilespmem:s8], [sflag:$0x2] =	stream.linear.gather [hbm4b:s1+s2], $0x80, $0x38;
	(v2sf) =	vpush v0, $0xC;
	[tilespmem:$0x10400] =	vst v63  }
0x163: {  	s5 =	sadd.s32 s4, s5;
	s1 =	sadd.s32 $0x8580, s22;
	s8 =	spop (v2sf)  }
0x164: {  	[tilespmem:s1], [sflag:$0x2] =	stream.linear.gather [hbm4b:s5+s2], $0x80, $0x38;
	(v2sf) =	vpush v0, $0xD;
	[tilespmem:$0x10400] =	vst v63  }
0x165: {  	s1 =	sadd.s32 s4, s7;
	s5 =	sand.u32 $0x1FFFFFF0, s8;
	s7 =	spop (v2sf)  }
0x166: {  	[tilespmem:s17], [sflag:$0x2] =	stream.linear.gather [hbm4b:s1+s2], $0x80, $0x38;
	(v2sf) =	vpush v0, $0xE;
	[tilespmem:$0x10400] =	vst v63  }
0x167: {  	s1 =	sadd.s32 s4, s5;
	s5 =	sand.u32 $0x1FFFFFF0, s7;
	s7 =	spop (v2sf)  }
0x168: {  	[tilespmem:s15], [sflag:$0x2] =	stream.linear.gather [hbm4b:s1+s2], $0x80, $0x38;
	(v2sf) =	vpush v0, $0xF;
	[tilespmem:$0x10400] =	vst v63  }
0x169: {  	s1 =	sadd.s32 s4, s5;
	s5 =	sand.u32 $0x1FFFFFF0, s7;
	s7 =	spop (v2sf)  }
0x16a: {  	[tilespmem:s6], [sflag:$0x2] =	stream.linear.gather [hbm4b:s1+s2], $0x80, $0x38;
	[tilespmem:$0x10400] =	vst v63  }
0x16b: {  	s1 =	sadd.s32 s4, s5;
	s5 =	sand.u32 $0x1FFFFFF0, s7;
	s6 =	spop (v2sf)  }
0x16c: {  	[tilespmem:s0], [sflag:$0x2] =	stream.linear.gather [hbm4b:s1+s2], $0x80, $0x38;
	[tilespmem:$0x10400] =	vst v63  }
0x16d: {  	s0 =	sadd.s32 s4, s5;
	s1 =	sand.u32 $0x1FFFFFF0, s6;
	s5 =	spop (v2sf)  }
0x16e: {  	[tilespmem:s29], [sflag:$0x2] =	stream.linear.gather [hbm4b:s0+s2], $0x80, $0x38;
	[tilespmem:$0x10400] =	vst v63  }
0x16f: {  	s0 =	sadd.s32 s4, s1;
	s1 =	sand.u32 $0x1FFFFFF0, s5;
	s5 =	spop (v2sf)  }
0x170: {  	[tilespmem:s28], [sflag:$0x2] =	stream.linear.gather [hbm4b:s0+s2], $0x80, $0x38;
	[tilespmem:$0x10400] =	vst v63  }
0x171: {  	s0 =	sadd.s32 s4, s1;
	s1 =	sand.u32 $0x1FFFFFF0, s5;
	s5 =	spop (v2sf)  }
0x172: {  	[tilespmem:s26], [sflag:$0x2] =	stream.linear.gather [hbm4b:s0+s2], $0x80, $0x38;
	[tilespmem:$0x10400] =	vst v63  }
0x173: {  	s0 =	sadd.s32 s4, s1;
	s1 =	sand.u32 $0x1FFFFFF0, s5;
	s5 =	spop (v2sf)  }
0x174: {  	[tilespmem:s25], [sflag:$0x2] =	stream.linear.gather [hbm4b:s0+s2], $0x80, $0x38;
	[tilespmem:$0x10400] =	vst v63  }
0x175: {  	s0 =	sadd.s32 s4, s1;
	s1 =	sand.u32 $0x1FFFFFF0, s5;
	s5 =	spop (v2sf)  }
0x176: {  	[tilespmem:s24], [sflag:$0x2] =	stream.linear.gather [hbm4b:s0+s2], $0x80, $0x38;
	[tilespmem:$0x10400] =	vst v63  }
0x177: {  	s0 =	sadd.s32 s4, s1;
	s1 =	sand.u32 $0x1FFFFFF0, s5;
	s5 =	spop (v2sf)  }
0x178: {  	[tilespmem:s23], [sflag:$0x2] =	stream.linear.gather [hbm4b:s0+s2], $0x80, $0x38;
	[tilespmem:$0x10400] =	vst v63  }
0x179: {  	s1 =	sadd.s32 s4, s1;
	s0 =	sadd.s32 $0x8B00, s22;
	s5 =	sand.u32 $0x1FFFFFF0, s5  }
0x17a: {  	[tilespmem:s0], [sflag:$0x2] =	stream.linear.gather [hbm4b:s1+s2], $0x80, $0x38;
	[tilespmem:$0x10400] =	vst v63  }
0x17b: {  	s5 =	sadd.s32 s4, s5;
	s0 =	sand.u32 $0xF0, s21;
	s1 =	sadd.s32 $0x8B80, s22  }
0x17c: {  	[tilespmem:s1], [sflag:$0x2] =	stream.linear.gather [hbm4b:s5+s2], $0x80, $0x38;
	[tilespmem:$0x10400] =	vst v63  }
0x17d: {  	v0 =	vld [tilespmem:s0+$0x300];
	_ =	sdelay $0x4  }
0x17e: {  	v0 =	vshll.u32 v0, $0x4  }
0x17f: {  	(v2sf) =	vpush v0, $0x0  }
0x180: {  	(v2sf) =	vpush v0, $0x2  }
0x181: {  	(v2sf) =	vpush v0, $0x1;
	_ =	sdelay $0x1  }
.Ltmp3:
0x182: {  	(v2sf) =	vpush v0, $0x3;
	(pc) =	sbr.rel @p0 .LBB2_8-.Ltmp3, $2  }
0x183: {  	(v2sf) =	vpush v0, $0x4;
	_ =	sdelay $0x2  }
0x184: {  	s21 =	sadd.s32 $0x10, s21  }
0x185: {  	_ =	sdelay $0x5  }
0x186: {  	s0 =	spop (v2sf)  }
0x187: {  	s5 =	spop (v2sf);
	(v2sf) =	vpush v0, $0x5;
	_ =	sdelay $0x1  }
0x188: {  	s15 =	spop (v2sf);
	(v2sf) =	vpush v0, $0x6;
	_ =	sdelay $0x2  }
0x189: {  	s22 =	spop (v2sf);
	(v2sf) =	vpush v0, $0x7  }
0x18a: {  	s19 =	sshra.s32 s19, $0x2;
	s0 =	sand.u32 $0x1FFFFFF0, s0  }
0x18b: {  	s1 =	sadd.s32 $0x8400, s19;
	s0 =	sadd.s32 s4, s0  }
0x18c: {  	[tilespmem:s1], [sflag:$0x2] =	stream.linear.gather [hbm4b:s0+s2], $0x80, $0x38;
	[tilespmem:$0x10400] =	vst v63  }
0x18d: {  	s0 =	sand.u32 $0x1FFFFFF0, s15;
	s24 =	spop (v2sf);
	(v2sf) =	vpush v0, $0x8  }
0x18e: {  	s17 =	sadd.s32 $0x8480, s19;
	s20 =	sand.u32 $0x1FFFFFF0, s5;
	s0 =	sadd.s32 s4, s0  }
0x18f: {  	[tilespmem:s17], [sflag:$0x2] =	stream.linear.gather [hbm4b:s0+s2], $0x80, $0x38;
	[tilespmem:$0x10400] =	vst v63  }
0x190: {  	s21 =	sadd.s32 $0x8500, s19;
	s0 =	sadd.s32 s4, s20  }
0x191: {  	[tilespmem:s21], [sflag:$0x2] =	stream.linear.gather [hbm4b:s0+s2], $0x80, $0x38;
	[tilespmem:$0x10400] =	vst v63  }
0x192: {  	s0 =	sand.u32 $0x1FFFFFF0, s22  }
0x193: {  	s23 =	sadd.s32 $0x8580, s19;
	s0 =	sadd.s32 s4, s0;
	s26 =	spop (v2sf);
	(v2sf) =	vpush v0, $0x9  }
0x194: {  	[tilespmem:s23], [sflag:$0x2] =	stream.linear.gather [hbm4b:s0+s2], $0x80, $0x38;
	[tilespmem:$0x10400] =	vst v63  }
0x195: {  	s0 =	sand.u32 $0x1FFFFFF0, s24;
	s29 =	spop (v2sf);
	(v2sf) =	vpush v0, $0xA  }
0x196: {  	s25 =	sadd.s32 $0x8600, s19;
	s0 =	sadd.s32 s4, s0  }
0x197: {  	[tilespmem:s25], [sflag:$0x2] =	stream.linear.gather [hbm4b:s0+s2], $0x80, $0x38;
	[tilespmem:$0x10400] =	vst v63  }
0x198: {  	s0 =	sand.u32 $0x1FFFFFF0, s26;
	s1 =	spop (v2sf);
	(v2sf) =	vpush v0, $0xB  }
0x199: {  	s28 =	sadd.s32 $0x8680, s19;
	s0 =	sadd.s32 s4, s0  }
0x19a: {  	[tilespmem:s28], [sflag:$0x2] =	stream.linear.gather [hbm4b:s0+s2], $0x80, $0x38;
	[tilespmem:$0x10400] =	vst v63  }
0x19b: {  	s0 =	sand.u32 $0x1FFFFFF0, s29  }
0x19c: {  	s30 =	sadd.s32 $0x8700, s19;
	s0 =	sadd.s32 s4, s0;
	s6 =	spop (v2sf)  }
0x19d: {  	(v2sf) =	vpush v0, $0xC;
	[tilespmem:s30], [sflag:$0x2] =	stream.linear.gather [hbm4b:s0+s2], $0x80, $0x38;
	[tilespmem:$0x10400] =	vst v63  }
0x19e: {  	s0 =	sand.u32 $0x1FFFFFF0, s1  }
0x19f: {  	s5 =	sadd.s32 $0x8780, s19;
	s0 =	sadd.s32 s4, s0  }
0x1a0: {  	[tilespmem:s5], [sflag:$0x2] =	stream.linear.gather [hbm4b:s0+s2], $0x80, $0x38;
	[tilespmem:$0x10400] =	vst v63  }
0x1a1: {  	s0 =	sand.u32 $0x1FFFFFF0, s6  }
0x1a2: {  	s7 =	sadd.s32 $0x8800, s19;
	s0 =	sadd.s32 s4, s0;
	s8 =	spop (v2sf);
	(v2sf) =	vpush v0, $0xD  }
0x1a3: {  	[tilespmem:s7], [sflag:$0x2] =	stream.linear.gather [hbm4b:s0+s2], $0x80, $0x38;
	[tilespmem:$0x10400] =	vst v63  }
0x1a4: {  	s0 =	sand.u32 $0x1FFFFFF0, s8;
	s15 =	spop (v2sf);
	(v2sf) =	vpush v0, $0xE  }
0x1a5: {  	s13 =	sadd.s32 $0x8880, s19;
	s0 =	sadd.s32 s4, s0  }
0x1a6: {  	[tilespmem:s13], [sflag:$0x2] =	stream.linear.gather [hbm4b:s0+s2], $0x80, $0x38;
	[tilespmem:$0x10400] =	vst v63  }
0x1a7: {  	s20 =	spop (v2sf);
	(v2sf) =	vpush v0, $0xF  }
0x1a8: {  	s0 =	sand.u32 $0x1FFFFFF0, s15  }
0x1a9: {  	s17 =	sadd.s32 $0x8900, s19;
	s0 =	sadd.s32 s4, s0  }
0x1aa: {  	[tilespmem:s17], [sflag:$0x2] =	stream.linear.gather [hbm4b:s0+s2], $0x80, $0x38;
	[tilespmem:$0x10400] =	vst v63  }
0x1ab: {  	s0 =	sand.u32 $0x1FFFFFF0, s20  }
0x1ac: {  	s21 =	sadd.s32 $0x8980, s19;
	s22 =	spop (v2sf);
	s0 =	sadd.s32 s4, s0  }
0x1ad: {  	[tilespmem:s21], [sflag:$0x2] =	stream.linear.gather [hbm4b:s0+s2], $0x80, $0x38;
	[tilespmem:$0x10400] =	vst v63  }
0x1ae: {  	s0 =	sand.u32 $0x1FFFFFF0, s22  }
0x1af: {  	s23 =	sadd.s32 $0x8A00, s19;
	s0 =	sadd.s32 s4, s0  }
0x1b0: {  	[tilespmem:s23], [sflag:$0x2] =	stream.linear.gather [hbm4b:s0+s2], $0x80, $0x38;
	[tilespmem:$0x10400] =	vst v63  }
0x1b1: {  	s24 =	spop (v2sf)  }
0x1b2: {  	s0 =	sand.u32 $0x1FFFFFF0, s24  }
0x1b3: {  	s25 =	sadd.s32 $0x8A80, s19;
	s26 =	spop (v2sf);
	s0 =	sadd.s32 s4, s0  }
0x1b4: {  	[tilespmem:s25], [sflag:$0x2] =	stream.linear.gather [hbm4b:s0+s2], $0x80, $0x38;
	[tilespmem:$0x10400] =	vst v63  }
0x1b5: {  	s0 =	sand.u32 $0x1FFFFFF0, s26  }
0x1b6: {  	s28 =	sadd.s32 $0x8B00, s19;
	s29 =	spop (v2sf);
	s0 =	sadd.s32 s4, s0  }
0x1b7: {  	[tilespmem:s28], [sflag:$0x2] =	stream.linear.gather [hbm4b:s0+s2], $0x80, $0x38;
	[tilespmem:$0x10400] =	vst v63  }
0x1b8: {  	s0 =	sand.u32 $0x1FFFFFF0, s29  }
0x1b9: {  	s30 =	sadd.s32 $0x8B80, s19;
	s0 =	sadd.s32 s4, s0  }
0x1ba: {  	[tilespmem:s30], [sflag:$0x2] =	stream.linear.gather [hbm4b:s0+s2], $0x80, $0x38;
	[tilespmem:$0x10400] =	vst v63  }
0x1bb: {  	_ =	swait.ge [sflag:s14], $0x8000  }
0x1bc: {  	[sflag:s14] =	ssyncset.done $0x0  }
0x1bd: {  	[sflag:s14] =	ssyncadd.s32 $0xFFFF8000  }
0x1be: {  	[hbm4b:s9+s2] =	stream.linear.scatter [tilespmem:s31], [sflag:$0x3], $0x8000, $0x38;
	[tilespmem:$0x10400] =	vst v63  }
0x1bf: {  	_ =	swait.ge [sflag:s12], $0x8000  }
0x1c0: {  	[sflag:s12] =	ssyncset.done $0x0  }
0x1c1: {  	[sflag:s12] =	ssyncadd.s32 $0xFFFF8000  }
0x1c2: {  	s18 =	sadd.s32 $0x1, s18;
	_ =	swait.ge [sflag:s16], $0x8000  }
0x1c3: {  	p0 =	sne.s32 s18, s11;
	[sflag:s16] =	ssyncset.done $0x0  }
.Ltmp4:
0x1c4: {  	s31 =	simm.s32 $0x8400;
	[sflag:s16] =	ssyncadd.s32 $0xFFFF8000;
	(pc) =	sbr.rel @p0 .LBB2_1-.Ltmp4, $4  }
0x1c5: {  	[hbm4b:s10+s2] =	stream.linear.scatter [tilespmem:s31], [sflag:$0x3], $0x8000, $0x38;
	[tilespmem:$0x10400] =	vst v63  }
0x1c6: {  	_ =	swait.ge [sflag:s12], $0x8000  }
0x1c7: {  	[sflag:s12] =	ssyncset.done $0x0  }
0x1c8: {  	[sflag:s12] =	ssyncadd.s32 $0xFFFF8000  }
0x1c9: {  	_ =	sfence.sel $0x180000  }
0x1ca: {  	[bflag:$0x0] =	sbarrier.arrive $0xFFFF  }
0x1cb: {  	_ =	strace $0x90000047  }
0x1cc: {  	s0 =	stileid.u32;
	[bflag:$0x2] =	sbarrier.arrive $0xFFFF  }
0x1cd: {  	p0 =	sne.s32 s0, $0x0;
	s0 =	rddreg [dreg:$0x3]  }
0x1ce: {  	s0 =	sadd.s32 @!p0 $0x100000, s0  }
0x1cf: {  	[sflag:s0] =	ssyncadd.tile.s32 @!p0 $0x1;
	_ =	shalt  }
.Lfunc_end2:
_tile_overlayer_lowered:
.L_overlay_start_2:
0x1d0: {  	(tag) =	ssettag $0x2  }
0x1d1: {  	s0 =	rddreg [dreg:$0x0];
	s2 =	stileid.u32  }
0x1d2: {  	s1 =	rddreg [dreg:$0x1];
	p0 =	sne.s32 s2, $0x0  }
0x1d3: {  	s3 =	rddreg [dreg:$0x2];
	[bflag:$0x3] =	sbarrier.arrive $0xFFFF;
	s2 =	simm.s32 @!p0 $0x1C03  }
0x1d4: {  	[timem:s3], [sflag:s2] =	dma.local @!p0 [hbm:s0], s1  }
0x1d5: {  	s0 =	simm.s32 @!p0 $0x3  }
0x1d6: {  	_ =	swait.ge @!p0 [sflag:s0], s1  }
0x1d7: {  	s1 =	ssub.s32 @!p0 $0x0, s1;
	[sflag:s0] =	ssyncset.done @!p0 $0x0  }
0x1d8: {  	[sflag:s0] =	ssyncadd.s32 @!p0 s1  }
0x1d9: {  	[bflag:$0x3] =	sbarrier.arrive $0xFFFF  }
0x1da: {  	_ =	shalt  }

</sc_bundles>
